<compile_context>
chip_gen: v7x
topology: tpu7x:2x2x1
jax: 0.10.2.dev20260603
libtpu: 0.0.44.dev20260713+nightly
codegen_flags: <defaults>
</compile_context>

<pallas_src>
import functools

import jax
import jax.numpy as jnp
from jax import lax
from jax.experimental import pallas as pl
from jax.experimental.pallas import tpu as pltpu
from jax.experimental.pallas import tpu_sc as plsc

N = 10000
E = 320000
F = 128
H = 64
G = 128
BN_EPS = 1e-5

NC = 2
NS = 16
LANES = 16
NW = NC * NS
CH = 128
NCHUNK = E // CH
CPW = NCHUNK // NW
XTRA = NCHUNK - CPW * NW
DW = 128
RPT = N // NS
ZR = 125
NBUF = 6


def _sc_mesh():
    return plsc.VectorSubcoreMesh(core_axis_name="c", subcore_axis_name="s",
                                  num_cores=NC, num_subcores=NS)


EPW = CPW * CH


@functools.partial(
    pl.kernel,
    out_type=jax.ShapeDtypeStruct((NW, N), jnp.float32),
    mesh=_sc_mesh(),
    scratch_types=[
        pltpu.VMEM((2, EPW + CH), jnp.int32),
        pltpu.VMEM((N,), jnp.float32),
    ],
    compiler_params=pltpu.CompilerParams(needs_layout_passes=False),
)
def _sc_degree(e_hbm, out_hbm, didx, degv):
    cid = lax.axis_index("c")
    sid = lax.axis_index("s")
    wid = sid * NC + cid

    pltpu.sync_copy(e_hbm.at[:, pl.ds(wid * EPW, EPW)],
                    didx.at[:, pl.ds(0, EPW)])

    @pl.when(wid < XTRA)
    def _():
        pltpu.sync_copy(e_hbm.at[:, pl.ds(NW * EPW + wid * CH, CH)],
                        didx.at[:, pl.ds(EPW, CH)])

    def fill_zeros(i, _):
        degv[pl.ds(i * LANES, LANES)] = jnp.zeros((LANES,), jnp.float32)
        return 0

    lax.fori_loop(0, N // LANES, fill_zeros, 0)

    ones = jnp.ones((LANES,), jnp.float32)

    def body(r, _):
        for k in range(8):
            idx = didx[1, pl.ds(r * 8 * LANES + k * LANES, LANES)]
            plsc.addupdate_scatter(degv, [idx], ones)
        return 0

    lax.fori_loop(0, EPW // (8 * LANES), body, 0)

    @pl.when(wid < XTRA)
    def _():
        for k in range(CH // LANES):
            idx = didx[1, pl.ds(EPW + k * LANES, LANES)]
            plsc.addupdate_scatter(degv, [idx], ones)

    pltpu.sync_copy(degv, out_hbm.at[wid])


@functools.partial(
    pl.kernel,
    out_type=jax.ShapeDtypeStruct((N, NC * H), jnp.float32),
    mesh=_sc_mesh(),
    scratch_types=[
        pltpu.VMEM((CPW + 1, CH), jnp.int32),
        pltpu.VMEM((CPW + 1, CH), jnp.int32),
        [pltpu.VMEM((CH, H), jnp.float32)] * NBUF,
        pltpu.VMEM((ZR, H), jnp.float32),
        pltpu.VMEM_SHARED((N, H), jnp.float32),
        [pltpu.SemaphoreType.DMA] * NBUF,
        [pltpu.SemaphoreType.DMA] * NBUF,
    ],
    compiler_params=pltpu.CompilerParams(use_tc_tiling_on_sc=False,
                                         needs_layout_passes=False),
)
def _sc_agg(e_hbm, u_hbm, out_hbm,
            sidx, didx, rows, zbuf, agg_sh, gs, ss):
    cid = lax.axis_index("c")
    sid = lax.axis_index("s")
    wid = sid * NC + cid

    cps = pltpu.async_copy(e_hbm.at[0, pl.ds(wid * CPW, CPW)],
                           sidx.at[pl.ds(0, CPW)], gs[0])
    cpd = pltpu.async_copy(e_hbm.at[1, pl.ds(wid * CPW, CPW)],
                           didx.at[pl.ds(0, CPW)], gs[1])

    @pl.when(wid < XTRA)
    def _():
        pltpu.sync_copy(e_hbm.at[0, pl.ds(NW * CPW + wid, 1)],
                        sidx.at[pl.ds(CPW, 1)])
        pltpu.sync_copy(e_hbm.at[1, pl.ds(NW * CPW + wid, 1)],
                        didx.at[pl.ds(CPW, 1)])

    def fill_zeros(i, _):
        for k in range(H // LANES):
            zbuf[i, pl.ds(k * LANES, LANES)] = jnp.zeros((LANES,), jnp.float32)
        return 0

    lax.fori_loop(0, ZR, fill_zeros, 0)

    for z in range(RPT // ZR):
        pltpu.sync_copy(zbuf, agg_sh.at[pl.ds(sid * RPT + z * ZR, ZR)])
    cps.wait()
    cpd.wait()

    def dbl(r, _):
        for k in range(CH // LANES):
            s = sidx[r, pl.ds(k * LANES, LANES)]
            sidx[r, pl.ds(k * LANES, LANES)] = s + s
        return 0

    lax.fori_loop(0, CPW + 1, dbl, 0)
    plsc.subcore_barrier()

    for b in range(NBUF):
        pltpu.async_copy(u_hbm.at[sidx.at[b]], rows[b], gs[b])

    def body(j2, _):
        for b in range(NBUF):
            c = NBUF * j2 + b
            pltpu.make_async_copy(u_hbm.at[sidx.at[c]], rows[b], gs[b]).wait()
            pltpu.async_copy(rows[b], agg_sh.at[didx.at[c]], ss[b], add=True)
        for b in range(NBUF):
            cp = jnp.minimum(NBUF * j2 + NBUF + b, CPW - 1)
            pltpu.make_async_copy(rows[b], agg_sh.at[didx.at[0]], ss[b]).wait()
            pltpu.async_copy(u_hbm.at[sidx.at[cp]], rows[b], gs[b])
        return 0

    lax.fori_loop(0, CPW // NBUF, body, 0)
    for b in range(NBUF):
        c = (CPW // NBUF) * NBUF + b
        pltpu.make_async_copy(
            u_hbm.at[sidx.at[min(c, CPW - 1)]], rows[b], gs[b]).wait()
        if c < CPW:
            pltpu.sync_copy(rows[b], agg_sh.at[didx.at[c]], add=True)

    @pl.when(wid < XTRA)
    def _():
        pltpu.sync_copy(u_hbm.at[sidx.at[CPW]], rows[NBUF - 1])
        pltpu.sync_copy(rows[NBUF - 1], agg_sh.at[didx.at[CPW]], add=True)

    plsc.subcore_barrier()
    pltpu.sync_copy(agg_sh.at[pl.ds(sid * RPT, RPT)],
                    out_hbm.at[pl.ds(sid * RPT, RPT), pl.ds(cid * H, H)])


_BN_S = 1.0 / (1.0 + BN_EPS) ** 0.5


def _t1a_body(x_ref, w1_ref, xw_ref):
    xw_ref[...] = jnp.dot(x_ref[...], w1_ref[...],
                          preferred_element_type=jnp.float32)


def _t1a(x, w1):
    return pl.pallas_call(
        _t1a_body,
        out_shape=jax.ShapeDtypeStruct((N, NC * H), jnp.float32),
    )(x, w1)


def _dv_col(dv):
    lanes = lax.broadcasted_iota(jnp.int32, (N, NC * H), 1)
    return jnp.where(lanes == H, dv, 0.0)


def _t1b_body(deg_ref, xw_ref, u1_ref):
    d = deg_ref[...]
    dsum = lax.dot_general(d, jnp.ones((NW, 1), jnp.float32),
                           (((0,), (0,)), ((), ())),
                           preferred_element_type=jnp.float32)
    dv = lax.rsqrt(dsum + 1.0)
    u1_ref[...] = xw_ref[...] * dv + _dv_col(dv)


def _t1b(degp, xw):
    return pl.pallas_call(
        _t1b_body,
        out_shape=jax.ShapeDtypeStruct((N, NC * H), jnp.float32),
    )(degp, xw)


def _combine(p_ref, u_ref, b_ref, g_ref, be_ref):
    p = p_ref[...]
    u = u_ref[...]
    dv = u[:, H:H + 1]
    agg = p[:, 0:H] + p[:, H:NC * H] + u[:, 0:H]
    h = dv * agg + b_ref[...]
    return jnp.maximum(h * (g_ref[...] * _BN_S) + be_ref[...], 0.0), dv


def _t2_body(p_ref, u_ref, b_ref, g_ref, be_ref, w2_ref, u2_ref):
    h, dv = _combine(p_ref, u_ref, b_ref, g_ref, be_ref)
    u2_ref[...] = jnp.dot(h, w2_ref[...],
                          preferred_element_type=jnp.float32) * dv + _dv_col(dv)


def _t2(p1, u1, b1, g1, be1, w2pad):
    return pl.pallas_call(
        _t2_body,
        out_shape=jax.ShapeDtypeStruct((N, NC * H), jnp.float32),
    )(p1, u1, b1, g1, be1, w2pad)


def _t3_body(p_ref, u_ref, b_ref, g_ref, be_ref, batch_ref,
             lw1_ref, lb1_ref, lw2_ref, lb2_ref, y_ref):
    h, _ = _combine(p_ref, u_ref, b_ref, g_ref, be_ref)
    bb = batch_ref[...]
    iota = lax.broadcasted_iota(jnp.int32, (G, N), 0)
    oh = (iota == bb).astype(jnp.float32)
    pool = jnp.dot(oh, h, preferred_element_type=jnp.float32)
    cnt = jnp.sum(oh, axis=1, keepdims=True)
    mean = pool / jnp.maximum(cnt, 1.0)
    t = jnp.maximum(
        jnp.dot(mean, lw1_ref[...],
                preferred_element_type=jnp.float32) + lb1_ref[...], 0.0)
    y_ref[...] = jnp.dot(t, lw2_ref[...],
                         preferred_element_type=jnp.float32) + lb2_ref[...]


def _t3(p2, u2, b2, g2, be2, batch2d, lw1, lb1, lw2, lb2):
    return pl.pallas_call(
        _t3_body,
        out_shape=jax.ShapeDtypeStruct((G, 2), jnp.float32),
    )(p2, u2, b2, g2, be2, batch2d, lw1, lb1, lw2, lb2)


def kernel(x, edge_index, batch, W1, b1, g1, be1, W2, b2, g2, be2,
           lW1, lb1, lW2, lb2):
    e3d = edge_index.reshape(2, NCHUNK, CH)
    w1pad = jnp.pad(W1, ((0, 0), (0, H)))
    w2pad = jnp.pad(W2, ((0, 0), (0, H)))

    xw = _t1a(x, w1pad)
    degp = _sc_degree(edge_index)
    u1 = _t1b(degp, xw)
    p1 = _sc_agg(e3d, u1.reshape(2 * N, H))
    u2 = _t2(p1, u1, b1.reshape(1, H), g1.reshape(1, H),
             be1.reshape(1, H), w2pad)
    p2 = _sc_agg(e3d, u2.reshape(2 * N, H))
    y = _t3(p2, u2, b2.reshape(1, H), g2.reshape(1, H),
            be2.reshape(1, H), batch.reshape(1, N), lW1,
            lb1.reshape(1, H // 2), lW2, lb2.reshape(1, 2))
    return y

# --- scband reference (transcript-rebuilt; emitter-appended) ---
"""Pipeline reference for scband-gcngraph-classifier-64991445123484 (READ-ONLY COPY).

The authoritative reference and input builder live on the scoring server;
editing this copy changes nothing except your own understanding.
"""

import jax, jax.numpy as jnp
import numpy as np

NUM_GRAPHS = 128
BN_EPS = 1e-5

def gcn_conv(x, edge_index, W, b):
    N = x.shape[0]
    src = edge_index[0]
    dst = edge_index[1]
    loop = jnp.arange(N, dtype=src.dtype)
    src = jnp.concatenate([src, loop])
    dst = jnp.concatenate([dst, loop])
    xw = x @ W
    deg = jnp.zeros((N,), dtype=x.dtype).at[dst].add(1.0)
    dinv = jnp.where(deg > 0, deg ** -0.5, 0.0)
    norm = dinv[src] * dinv[dst]
    msgs = xw[src] * norm[:, None]
    out = jnp.zeros((N, W.shape[1]), dtype=x.dtype).at[dst].add(msgs)
    return out + b

def bn_eval(x, gamma, beta):
    # eval-mode BatchNorm1d with initial running stats (mean=0, var=1)
    return x / jnp.sqrt(1.0 + BN_EPS) * gamma + beta

def global_mean_pool(x, batch, num_graphs):
    sums = jax.ops.segment_sum(x, batch, num_segments=num_graphs)
    cnt = jax.ops.segment_sum(jnp.ones((x.shape[0],), dtype=x.dtype), batch, num_segments=num_graphs)
    return sums / jnp.maximum(cnt, 1.0)[:, None]

def setup_inputs(seed: int = 0):
    key = jax.random.key(seed)
    ks = jax.random.split(key, 12)
    N, E, F, H = 10000, 320000, 128, 64
    x = jax.random.normal(ks[0], (N, F), dtype=jnp.float32)
    edge_index = jax.random.randint(ks[1], (2, E), 0, N, dtype=jnp.int32)
    batch = jnp.sort(jax.random.randint(ks[2], (N,), 0, NUM_GRAPHS, dtype=jnp.int32))
    W1 = jax.random.normal(ks[3], (F, H), dtype=jnp.float32) * 0.05
    b1 = jnp.zeros((H,), dtype=jnp.float32)
    g1 = jnp.ones((H,), dtype=jnp.float32)
    be1 = jnp.zeros((H,), dtype=jnp.float32)
    W2 = jax.random.normal(ks[4], (H, H), dtype=jnp.float32) * 0.05
    b2 = jnp.zeros((H,), dtype=jnp.float32)
    g2 = jnp.ones((H,), dtype=jnp.float32)
    be2 = jnp.zeros((H,), dtype=jnp.float32)
    lW1 = jax.random.normal(ks[5], (H, H // 2), dtype=jnp.float32) * 0.05
    lb1 = jnp.zeros((H // 2,), dtype=jnp.float32)
    lW2 = jax.random.normal(ks[6], (H // 2, 2), dtype=jnp.float32) * 0.05
    lb2 = jnp.zeros((2,), dtype=jnp.float32)
    return {"x": x, "edge_index": edge_index, "batch": batch, "W1": W1, "b1": b1, "g1": g1, "be1": be1, "W2": W2, "b2": b2, "g2": g2, "be2": be2, "lW1": lW1, "lb1": lb1, "lW2": lW2, "lb2": lb2}

def reference(x, edge_index, batch, W1, b1, g1, be1, W2, b2, g2, be2, lW1, lb1, lW2, lb2):
    h = gcn_conv(x, edge_index, W1, b1)
    h = bn_eval(h, g1, be1)
    h = jax.nn.relu(h)
    h = gcn_conv(h, edge_index, W2, b2)
    h = bn_eval(h, g2, be2)
    h = jax.nn.relu(h)
    p = global_mean_pool(h, batch, NUM_GRAPHS)
    y = jax.nn.relu(p @ lW1 + lb1)
    y = y @ lW2 + lb2
    return y

if __name__ == "__main__":
    import jax
    _d = setup_inputs()
    print(jax.jit(kernel)(*tuple(_d.values())))

</pallas_src>

<mosaic_0001>
#map = affine_map<(d0, d1) -> (0, 0)>
module attributes {stable_mosaic.version = 14 : i64} {
  func.func @_sc_degree(%arg0: i32, %arg1: i32, %arg2: memref<2x320000xi32, #tpu.memory_space<hbm>>, %arg3: memref<32x10000xf32, #tpu.memory_space<hbm>>, %arg4: memref<2x10112xi32, #tpu.memory_space<vmem>>, %arg5: memref<10000xf32, #tpu.memory_space<vmem>>) attributes {dimension_semantics = [#tpu.dimension_semantics<core_parallel>, #tpu.dimension_semantics<subcore_parallel>], iteration_bounds = array<i64: 2, 16>, scalar_prefetch = 0 : i64, scratch_operands = 2 : i64, tpu.core_type = #tpu.core_type<sc_vector_subcore>, window_params = [{transform_indices = #map}, {transform_indices = #map}]} {
    %mul3A = arith.constant 2 : i32
    %mul3A_0 = arith.muli %arg1, %mul3A : i32
    %add3A = arith.addi %mul3A_0, %arg0 : i32
    %mul3A_1 = arith.constant 9984 : i32
    %mul3A_2 = arith.muli %add3A, %mul3A_1 : i32
    "tpu.region"() ({
      %run_scoped3A = tpu.sem_alloc : memref<!tpu.dma_semaphore, #tpu.memory_space<semaphore_mem>>
      %dma_start3A = arith.constant 0 : i32
      %dma_start3A_24 = arith.constant 0 : i32
      %dma_start3A_25 = tpu.memref_slice %arg4[%dma_start3A, %dma_start3A_24] : memref<2x10112xi32, #tpu.memory_space<vmem>> -> memref<2x9984xi32, #tpu.memory_space<vmem>>
      %dma_start3A_26 = arith.constant 0 : i32
      %dma_start3A_27 = tpu.memref_slice %arg2[%dma_start3A_26, %mul3A_2] : memref<2x320000xi32, #tpu.memory_space<hbm>> -> memref<2x9984xi32, #tpu.memory_space<hbm>>
      %dma_start3A_28 = arith.constant 0 : i32
      %dma_start3A_29 = arith.constant 0 : i32
      %dma_start3A_30 = tpu.memref_slice %arg4[%dma_start3A_28, %dma_start3A_29] : memref<2x10112xi32, #tpu.memory_space<vmem>> -> memref<2x9984xi32, #tpu.memory_space<vmem>>
      %dma_start3A_31 = arith.constant 0 : i32
      %dma_start3A_32 = tpu.memref_slice %arg2[%dma_start3A_31, %mul3A_2] : memref<2x320000xi32, #tpu.memory_space<hbm>> -> memref<2x9984xi32, #tpu.memory_space<hbm>>
      tpu.enqueue_dma source(%dma_start3A_32 : memref<2x9984xi32, #tpu.memory_space<hbm>>) target(%dma_start3A_30 : memref<2x9984xi32, #tpu.memory_space<vmem>>) target_semaphore(%run_scoped3A : memref<!tpu.dma_semaphore, #tpu.memory_space<semaphore_mem>>)
      %dma_wait3A = arith.constant 0 : i32
      %dma_wait3A_33 = arith.constant 0 : i32
      %dma_wait3A_34 = tpu.memref_slice %arg4[%dma_wait3A, %dma_wait3A_33] : memref<2x10112xi32, #tpu.memory_space<vmem>> -> memref<2x9984xi32, #tpu.memory_space<vmem>>
      %dma_wait3A_35 = arith.constant 0 : i32
      %dma_wait3A_36 = tpu.memref_slice %arg2[%dma_wait3A_35, %mul3A_2] : memref<2x320000xi32, #tpu.memory_space<hbm>> -> memref<2x9984xi32, #tpu.memory_space<hbm>>
      %dma_wait3A_37 = arith.constant 0 : i32
      %dma_wait3A_38 = arith.constant 0 : i32
      %dma_wait3A_39 = tpu.memref_slice %arg4[%dma_wait3A_37, %dma_wait3A_38] : memref<2x10112xi32, #tpu.memory_space<vmem>> -> memref<2x9984xi32, #tpu.memory_space<vmem>>
      %dma_wait3A_40 = arith.constant 0 : i32
      %dma_wait3A_41 = tpu.memref_slice %arg2[%dma_wait3A_40, %mul3A_2] : memref<2x320000xi32, #tpu.memory_space<hbm>> -> memref<2x9984xi32, #tpu.memory_space<hbm>>
      tpu.wait_dma2 semaphore(%run_scoped3A : memref<!tpu.dma_semaphore, #tpu.memory_space<semaphore_mem>>) src(%dma_wait3A_41 : memref<2x9984xi32, #tpu.memory_space<hbm>>) dst(%dma_wait3A_39 : memref<2x9984xi32, #tpu.memory_space<vmem>>)
      tpu.yield
    }) : () -> ()
    %lt3A = arith.constant 4 : i32
    %lt3A_3 = arith.cmpi slt, %add3A, %lt3A : i32
    %convert_element_type3A = arith.extui %lt3A_3 : i1 to i32
    %cond3A = arith.constant 0 : i32
    %cond3A_4 = arith.cmpi ne, %convert_element_type3A, %cond3A : i32
    scf.if %cond3A_4 {
      %mul3A_24 = arith.constant 128 : i32
      %mul3A_25 = arith.muli %add3A, %mul3A_24 : i32
      %add3A_26 = arith.constant 319488 : i32
      %add3A_27 = arith.addi %add3A_26, %mul3A_25 : i32
      "tpu.region"() ({
        %run_scoped3A = tpu.sem_alloc : memref<!tpu.dma_semaphore, #tpu.memory_space<semaphore_mem>>
        %dma_start3A = arith.constant 0 : i32
        %dma_start3A_28 = arith.constant 9984 : i32
        %dma_start3A_29 = tpu.memref_slice %arg4[%dma_start3A, %dma_start3A_28] : memref<2x10112xi32, #tpu.memory_space<vmem>> -> memref<2x128xi32, #tpu.memory_space<vmem>>
        %dma_start3A_30 = arith.constant 0 : i32
        %dma_start3A_31 = tpu.memref_slice %arg2[%dma_start3A_30, %add3A_27] : memref<2x320000xi32, #tpu.memory_space<hbm>> -> memref<2x128xi32, #tpu.memory_space<hbm>>
        %dma_start3A_32 = arith.constant 0 : i32
        %dma_start3A_33 = arith.constant 9984 : i32
        %dma_start3A_34 = tpu.memref_slice %arg4[%dma_start3A_32, %dma_start3A_33] : memref<2x10112xi32, #tpu.memory_space<vmem>> -> memref<2x128xi32, #tpu.memory_space<vmem>>
        %dma_start3A_35 = arith.constant 0 : i32
        %dma_start3A_36 = tpu.memref_slice %arg2[%dma_start3A_35, %add3A_27] : memref<2x320000xi32, #tpu.memory_space<hbm>> -> memref<2x128xi32, #tpu.memory_space<hbm>>
        tpu.enqueue_dma source(%dma_start3A_36 : memref<2x128xi32, #tpu.memory_space<hbm>>) target(%dma_start3A_34 : memref<2x128xi32, #tpu.memory_space<vmem>>) target_semaphore(%run_scoped3A : memref<!tpu.dma_semaphore, #tpu.memory_space<semaphore_mem>>)
        %dma_wait3A = arith.constant 0 : i32
        %dma_wait3A_37 = arith.constant 9984 : i32
        %dma_wait3A_38 = tpu.memref_slice %arg4[%dma_wait3A, %dma_wait3A_37] : memref<2x10112xi32, #tpu.memory_space<vmem>> -> memref<2x128xi32, #tpu.memory_space<vmem>>
        %dma_wait3A_39 = arith.constant 0 : i32
        %dma_wait3A_40 = tpu.memref_slice %arg2[%dma_wait3A_39, %add3A_27] : memref<2x320000xi32, #tpu.memory_space<hbm>> -> memref<2x128xi32, #tpu.memory_space<hbm>>
        %dma_wait3A_41 = arith.constant 0 : i32
        %dma_wait3A_42 = arith.constant 9984 : i32
        %dma_wait3A_43 = tpu.memref_slice %arg4[%dma_wait3A_41, %dma_wait3A_42] : memref<2x10112xi32, #tpu.memory_space<vmem>> -> memref<2x128xi32, #tpu.memory_space<vmem>>
        %dma_wait3A_44 = arith.constant 0 : i32
        %dma_wait3A_45 = tpu.memref_slice %arg2[%dma_wait3A_44, %add3A_27] : memref<2x320000xi32, #tpu.memory_space<hbm>> -> memref<2x128xi32, #tpu.memory_space<hbm>>
        tpu.wait_dma2 semaphore(%run_scoped3A : memref<!tpu.dma_semaphore, #tpu.memory_space<semaphore_mem>>) src(%dma_wait3A_45 : memref<2x128xi32, #tpu.memory_space<hbm>>) dst(%dma_wait3A_43 : memref<2x128xi32, #tpu.memory_space<vmem>>)
        tpu.yield
      }) : () -> ()
    } else {
    }
    %scan3A = arith.constant 0 : i32
    %scan3A_5 = arith.constant 0 : i32
    %scan3A_6 = arith.constant 625 : i32
    %scan3A_7 = arith.addi %scan3A_5, %scan3A_6 : i32
    %scan3A_8 = arith.constant 1 : i32
    %scan3A_9 = scf.for %scan3A_24 = %scan3A_5 to %scan3A_7 step %scan3A_8 iter_args(%scan3A_25 = %scan3A) -> (i32)  : i32 {
      %broadcast_in_dim3A_26 = arith.constant 0.000000e+00 : f32
      %broadcast_in_dim3A_27 = vector.broadcast %broadcast_in_dim3A_26 : f32 to vector<16xf32>
      %mul3A_28 = arith.constant 16 : i32
      %mul3A_29 = arith.muli %scan3A_24, %mul3A_28 : i32
      %swap3A = arith.index_cast %mul3A_29 : i32 to index
      %swap3A_30 = tpu.vector_load %arg5[%swap3A] {strides = array<i32>} : memref<10000xf32, #tpu.memory_space<vmem>>, vector<16xf32>,
      tpu.vector_store %arg5[%swap3A], %broadcast_in_dim3A_27 {strides = array<i32>} : memref<10000xf32, #tpu.memory_space<vmem>>, vector<16xf32>,
      %scan3A_31 = arith.constant 0 : i32
      scf.yield %scan3A_31 : i32
    }
    %scan3A_10 = arith.constant 625 : i32
    %broadcast_in_dim3A = arith.constant 1.000000e+00 : f32
    %broadcast_in_dim3A_11 = vector.broadcast %broadcast_in_dim3A : f32 to vector<16xf32>
    %scan3A_12 = arith.constant 0 : i32
    %scan3A_13 = arith.constant 0 : i32
    %scan3A_14 = arith.constant 78 : i32
    %scan3A_15 = arith.addi %scan3A_13, %scan3A_14 : i32
    %scan3A_16 = arith.constant 1 : i32
    %scan3A_17 = scf.for %scan3A_24 = %scan3A_13 to %scan3A_15 step %scan3A_16 iter_args(%scan3A_25 = %scan3A_12) -> (i32)  : i32 {
      %mul3A_26 = arith.constant 8 : i32
      %mul3A_27 = arith.muli %scan3A_24, %mul3A_26 : i32
      %mul3A_28 = arith.constant 16 : i32
      %mul3A_29 = arith.muli %mul3A_27, %mul3A_28 : i32
      %add3A_30 = arith.constant 0 : i32
      %add3A_31 = arith.addi %mul3A_29, %add3A_30 : i32
      %get3A = arith.constant 1 : i32
      %get3A_32 = arith.index_cast %get3A : i32 to index
      %get3A_33 = arith.index_cast %add3A_31 : i32 to index
      %get3A_34 = tpu.vector_load %arg4[%get3A_32, %get3A_33] {strides = array<i32>} : memref<2x10112xi32, #tpu.memory_space<vmem>>, vector<16xi32>,
      tpu.vector_store_idx %arg5[%get3A_34], %broadcast_in_dim3A_11 {add = true} : memref<10000xf32, #tpu.memory_space<vmem>>[vector<16xi32>], vector<16xf32>,
      %mul3A_35 = arith.constant 8 : i32
      %mul3A_36 = arith.muli %scan3A_24, %mul3A_35 : i32
      %mul3A_37 = arith.constant 16 : i32
      %mul3A_38 = arith.muli %mul3A_36, %mul3A_37 : i32
      %add3A_39 = arith.constant 16 : i32
      %add3A_40 = arith.addi %mul3A_38, %add3A_39 : i32
      %get3A_41 = arith.constant 1 : i32
      %get3A_42 = arith.index_cast %get3A_41 : i32 to index
      %get3A_43 = arith.index_cast %add3A_40 : i32 to index
      %get3A_44 = tpu.vector_load %arg4[%get3A_42, %get3A_43] {strides = array<i32>} : memref<2x10112xi32, #tpu.memory_space<vmem>>, vector<16xi32>,
      tpu.vector_store_idx %arg5[%get3A_44], %broadcast_in_dim3A_11 {add = true} : memref<10000xf32, #tpu.memory_space<vmem>>[vector<16xi32>], vector<16xf32>,
      %mul3A_45 = arith.constant 8 : i32
      %mul3A_46 = arith.muli %scan3A_24, %mul3A_45 : i32
      %mul3A_47 = arith.constant 16 : i32
      %mul3A_48 = arith.muli %mul3A_46, %mul3A_47 : i32
      %add3A_49 = arith.constant 32 : i32
      %add3A_50 = arith.addi %mul3A_48, %add3A_49 : i32
      %get3A_51 = arith.constant 1 : i32
      %get3A_52 = arith.index_cast %get3A_51 : i32 to index
      %get3A_53 = arith.index_cast %add3A_50 : i32 to index
      %get3A_54 = tpu.vector_load %arg4[%get3A_52, %get3A_53] {strides = array<i32>} : memref<2x10112xi32, #tpu.memory_space<vmem>>, vector<16xi32>,
      tpu.vector_store_idx %arg5[%get3A_54], %broadcast_in_dim3A_11 {add = true} : memref<10000xf32, #tpu.memory_space<vmem>>[vector<16xi32>], vector<16xf32>,
      %mul3A_55 = arith.constant 8 : i32
      %mul3A_56 = arith.muli %scan3A_24, %mul3A_55 : i32
      %mul3A_57 = arith.constant 16 : i32
      %mul3A_58 = arith.muli %mul3A_56, %mul3A_57 : i32
      %add3A_59 = arith.constant 48 : i32
      %add3A_60 = arith.addi %mul3A_58, %add3A_59 : i32
      %get3A_61 = arith.constant 1 : i32
      %get3A_62 = arith.index_cast %get3A_61 : i32 to index
      %get3A_63 = arith.index_cast %add3A_60 : i32 to index
      %get3A_64 = tpu.vector_load %arg4[%get3A_62, %get3A_63] {strides = array<i32>} : memref<2x10112xi32, #tpu.memory_space<vmem>>, vector<16xi32>,
      tpu.vector_store_idx %arg5[%get3A_64], %broadcast_in_dim3A_11 {add = true} : memref<10000xf32, #tpu.memory_space<vmem>>[vector<16xi32>], vector<16xf32>,
      %mul3A_65 = arith.constant 8 : i32
      %mul3A_66 = arith.muli %scan3A_24, %mul3A_65 : i32
      %mul3A_67 = arith.constant 16 : i32
      %mul3A_68 = arith.muli %mul3A_66, %mul3A_67 : i32
      %add3A_69 = arith.constant 64 : i32
      %add3A_70 = arith.addi %mul3A_68, %add3A_69 : i32
      %get3A_71 = arith.constant 1 : i32
      %get3A_72 = arith.index_cast %get3A_71 : i32 to index
      %get3A_73 = arith.index_cast %add3A_70 : i32 to index
      %get3A_74 = tpu.vector_load %arg4[%get3A_72, %get3A_73] {strides = array<i32>} : memref<2x10112xi32, #tpu.memory_space<vmem>>, vector<16xi32>,
      tpu.vector_store_idx %arg5[%get3A_74], %broadcast_in_dim3A_11 {add = true} : memref<10000xf32, #tpu.memory_space<vmem>>[vector<16xi32>], vector<16xf32>,
      %mul3A_75 = arith.constant 8 : i32
      %mul3A_76 = arith.muli %scan3A_24, %mul3A_75 : i32
      %mul3A_77 = arith.constant 16 : i32
      %mul3A_78 = arith.muli %mul3A_76, %mul3A_77 : i32
      %add3A_79 = arith.constant 80 : i32
      %add3A_80 = arith.addi %mul3A_78, %add3A_79 : i32
      %get3A_81 = arith.constant 1 : i32
      %get3A_82 = arith.index_cast %get3A_81 : i32 to index
      %get3A_83 = arith.index_cast %add3A_80 : i32 to index
      %get3A_84 = tpu.vector_load %arg4[%get3A_82, %get3A_83] {strides = array<i32>} : memref<2x10112xi32, #tpu.memory_space<vmem>>, vector<16xi32>,
      tpu.vector_store_idx %arg5[%get3A_84], %broadcast_in_dim3A_11 {add = true} : memref<10000xf32, #tpu.memory_space<vmem>>[vector<16xi32>], vector<16xf32>,
      %mul3A_85 = arith.constant 8 : i32
      %mul3A_86 = arith.muli %scan3A_24, %mul3A_85 : i32
      %mul3A_87 = arith.constant 16 : i32
      %mul3A_88 = arith.muli %mul3A_86, %mul3A_87 : i32
      %add3A_89 = arith.constant 96 : i32
      %add3A_90 = arith.addi %mul3A_88, %add3A_89 : i32
      %get3A_91 = arith.constant 1 : i32
      %get3A_92 = arith.index_cast %get3A_91 : i32 to index
      %get3A_93 = arith.index_cast %add3A_90 : i32 to index
      %get3A_94 = tpu.vector_load %arg4[%get3A_92, %get3A_93] {strides = array<i32>} : memref<2x10112xi32, #tpu.memory_space<vmem>>, vector<16xi32>,
      tpu.vector_store_idx %arg5[%get3A_94], %broadcast_in_dim3A_11 {add = true} : memref<10000xf32, #tpu.memory_space<vmem>>[vector<16xi32>], vector<16xf32>,
      %mul3A_95 = arith.constant 8 : i32
      %mul3A_96 = arith.muli %scan3A_24, %mul3A_95 : i32
      %mul3A_97 = arith.constant 16 : i32
      %mul3A_98 = arith.muli %mul3A_96, %mul3A_97 : i32
      %add3A_99 = arith.constant 112 : i32
      %add3A_100 = arith.addi %mul3A_98, %add3A_99 : i32
      %get3A_101 = arith.constant 1 : i32
      %get3A_102 = arith.index_cast %get3A_101 : i32 to index
      %get3A_103 = arith.index_cast %add3A_100 : i32 to index
      %get3A_104 = tpu.vector_load %arg4[%get3A_102, %get3A_103] {strides = array<i32>} : memref<2x10112xi32, #tpu.memory_space<vmem>>, vector<16xi32>,
      tpu.vector_store_idx %arg5[%get3A_104], %broadcast_in_dim3A_11 {add = true} : memref<10000xf32, #tpu.memory_space<vmem>>[vector<16xi32>], vector<16xf32>,
      %scan3A_105 = arith.constant 0 : i32
      scf.yield %scan3A_105 : i32
    }
    %scan3A_18 = arith.constant 78 : i32
    %lt3A_19 = arith.constant 4 : i32
    %lt3A_20 = arith.cmpi slt, %add3A, %lt3A_19 : i32
    %convert_element_type3A_21 = arith.extui %lt3A_20 : i1 to i32
    %cond3A_22 = arith.constant 0 : i32
    %cond3A_23 = arith.cmpi ne, %convert_element_type3A_21, %cond3A_22 : i32
    scf.if %cond3A_23 {
      %get3A = arith.constant 1 : i32
      %get3A_24 = arith.index_cast %get3A : i32 to index
      %get3A_25 = arith.constant 9984 : index
      %get3A_26 = tpu.vector_load %arg4[%get3A_24, %get3A_25] {strides = array<i32>} : memref<2x10112xi32, #tpu.memory_space<vmem>>, vector<16xi32>,
      tpu.vector_store_idx %arg5[%get3A_26], %broadcast_in_dim3A_11 {add = true} : memref<10000xf32, #tpu.memory_space<vmem>>[vector<16xi32>], vector<16xf32>,
      %get3A_27 = arith.constant 1 : i32
      %get3A_28 = arith.index_cast %get3A_27 : i32 to index
      %get3A_29 = arith.constant 10000 : index
      %get3A_30 = tpu.vector_load %arg4[%get3A_28, %get3A_29] {strides = array<i32>} : memref<2x10112xi32, #tpu.memory_space<vmem>>, vector<16xi32>,
      tpu.vector_store_idx %arg5[%get3A_30], %broadcast_in_dim3A_11 {add = true} : memref<10000xf32, #tpu.memory_space<vmem>>[vector<16xi32>], vector<16xf32>,
      %get3A_31 = arith.constant 1 : i32
      %get3A_32 = arith.index_cast %get3A_31 : i32 to index
      %get3A_33 = arith.constant 10016 : index
      %get3A_34 = tpu.vector_load %arg4[%get3A_32, %get3A_33] {strides = array<i32>} : memref<2x10112xi32, #tpu.memory_space<vmem>>, vector<16xi32>,
      tpu.vector_store_idx %arg5[%get3A_34], %broadcast_in_dim3A_11 {add = true} : memref<10000xf32, #tpu.memory_space<vmem>>[vector<16xi32>], vector<16xf32>,
      %get3A_35 = arith.constant 1 : i32
      %get3A_36 = arith.index_cast %get3A_35 : i32 to index
      %get3A_37 = arith.constant 10032 : index
      %get3A_38 = tpu.vector_load %arg4[%get3A_36, %get3A_37] {strides = array<i32>} : memref<2x10112xi32, #tpu.memory_space<vmem>>, vector<16xi32>,
      tpu.vector_store_idx %arg5[%get3A_38], %broadcast_in_dim3A_11 {add = true} : memref<10000xf32, #tpu.memory_space<vmem>>[vector<16xi32>], vector<16xf32>,
      %get3A_39 = arith.constant 1 : i32
      %get3A_40 = arith.index_cast %get3A_39 : i32 to index
      %get3A_41 = arith.constant 10048 : index
      %get3A_42 = tpu.vector_load %arg4[%get3A_40, %get3A_41] {strides = array<i32>} : memref<2x10112xi32, #tpu.memory_space<vmem>>, vector<16xi32>,
      tpu.vector_store_idx %arg5[%get3A_42], %broadcast_in_dim3A_11 {add = true} : memref<10000xf32, #tpu.memory_space<vmem>>[vector<16xi32>], vector<16xf32>,
      %get3A_43 = arith.constant 1 : i32
      %get3A_44 = arith.index_cast %get3A_43 : i32 to index
      %get3A_45 = arith.constant 10064 : index
      %get3A_46 = tpu.vector_load %arg4[%get3A_44, %get3A_45] {strides = array<i32>} : memref<2x10112xi32, #tpu.memory_space<vmem>>, vector<16xi32>,
      tpu.vector_store_idx %arg5[%get3A_46], %broadcast_in_dim3A_11 {add = true} : memref<10000xf32, #tpu.memory_space<vmem>>[vector<16xi32>], vector<16xf32>,
      %get3A_47 = arith.constant 1 : i32
      %get3A_48 = arith.index_cast %get3A_47 : i32 to index
      %get3A_49 = arith.constant 10080 : index
      %get3A_50 = tpu.vector_load %arg4[%get3A_48, %get3A_49] {strides = array<i32>} : memref<2x10112xi32, #tpu.memory_space<vmem>>, vector<16xi32>,
      tpu.vector_store_idx %arg5[%get3A_50], %broadcast_in_dim3A_11 {add = true} : memref<10000xf32, #tpu.memory_space<vmem>>[vector<16xi32>], vector<16xf32>,
      %get3A_51 = arith.constant 1 : i32
      %get3A_52 = arith.index_cast %get3A_51 : i32 to index
      %get3A_53 = arith.constant 10096 : index
      %get3A_54 = tpu.vector_load %arg4[%get3A_52, %get3A_53] {strides = array<i32>} : memref<2x10112xi32, #tpu.memory_space<vmem>>, vector<16xi32>,
      tpu.vector_store_idx %arg5[%get3A_54], %broadcast_in_dim3A_11 {add = true} : memref<10000xf32, #tpu.memory_space<vmem>>[vector<16xi32>], vector<16xf32>,
    } else {
    }
    "tpu.region"() ({
      %run_scoped3A = tpu.sem_alloc : memref<!tpu.dma_semaphore, #tpu.memory_space<semaphore_mem>>
      %dma_start3A = arith.constant 0 : i32
      %dma_start3A_24 = tpu.memref_slice %arg3[%add3A, %dma_start3A] : memref<32x10000xf32, #tpu.memory_space<hbm>> -> memref<1x10000xf32, #tpu.memory_space<hbm>>
      %dma_start3A_25 = tpu.memref_squeeze %dma_start3A_24 : memref<1x10000xf32, #tpu.memory_space<hbm>> -> memref<10000xf32, #tpu.memory_space<hbm>>
      %dma_start3A_26 = arith.constant 0 : i32
      %dma_start3A_27 = tpu.memref_slice %arg3[%add3A, %dma_start3A_26] : memref<32x10000xf32, #tpu.memory_space<hbm>> -> memref<1x10000xf32, #tpu.memory_space<hbm>>
      %dma_start3A_28 = tpu.memref_squeeze %dma_start3A_27 : memref<1x10000xf32, #tpu.memory_space<hbm>> -> memref<10000xf32, #tpu.memory_space<hbm>>
      tpu.enqueue_dma source(%arg5 : memref<10000xf32, #tpu.memory_space<vmem>>) target(%dma_start3A_28 : memref<10000xf32, #tpu.memory_space<hbm>>) target_semaphore(%run_scoped3A : memref<!tpu.dma_semaphore, #tpu.memory_space<semaphore_mem>>)
      %dma_wait3A = arith.constant 0 : i32
      %dma_wait3A_29 = tpu.memref_slice %arg3[%add3A, %dma_wait3A] : memref<32x10000xf32, #tpu.memory_space<hbm>> -> memref<1x10000xf32, #tpu.memory_space<hbm>>
      %dma_wait3A_30 = tpu.memref_squeeze %dma_wait3A_29 : memref<1x10000xf32, #tpu.memory_space<hbm>> -> memref<10000xf32, #tpu.memory_space<hbm>>
      %dma_wait3A_31 = arith.constant 0 : i32
      %dma_wait3A_32 = tpu.memref_slice %arg3[%add3A, %dma_wait3A_31] : memref<32x10000xf32, #tpu.memory_space<hbm>> -> memref<1x10000xf32, #tpu.memory_space<hbm>>
      %dma_wait3A_33 = tpu.memref_squeeze %dma_wait3A_32 : memref<1x10000xf32, #tpu.memory_space<hbm>> -> memref<10000xf32, #tpu.memory_space<hbm>>
      tpu.wait_dma2 semaphore(%run_scoped3A : memref<!tpu.dma_semaphore, #tpu.memory_space<semaphore_mem>>) src(%arg5 : memref<10000xf32, #tpu.memory_space<vmem>>) dst(%dma_wait3A_33 : memref<10000xf32, #tpu.memory_space<hbm>>)
      tpu.yield
    }) : () -> ()
    return
  }
}

#map = affine_map<(d0, d1) -> (0, 0, 0)>
#map1 = affine_map<(d0, d1) -> (0, 0)>
module attributes {stable_mosaic.version = 14 : i64} {
  func.func @_sc_agg(%arg0: i32, %arg1: i32, %arg2: memref<2x2500x128xi32, #tpu.memory_space<hbm>>, %arg3: memref<20000x64xf32, #tpu.memory_space<hbm>>, %arg4: memref<10000x128xf32, #tpu.memory_space<hbm>>, %arg5: memref<79x128xi32, #tpu.memory_space<vmem>>, %arg6: memref<79x128xi32, #tpu.memory_space<vmem>>, %arg7: memref<128x64xf32, #tpu.memory_space<vmem>>, %arg8: memref<128x64xf32, #tpu.memory_space<vmem>>, %arg9: memref<128x64xf32, #tpu.memory_space<vmem>>, %arg10: memref<128x64xf32, #tpu.memory_space<vmem>>, %arg11: memref<128x64xf32, #tpu.memory_space<vmem>>, %arg12: memref<128x64xf32, #tpu.memory_space<vmem>>, %arg13: memref<125x64xf32, #tpu.memory_space<vmem>>, %arg14: memref<10000x64xf32, #tpu.memory_space<vmem_shared>>, %arg15: memref<!tpu.dma_semaphore, #tpu.memory_space<semaphore_mem>>, %arg16: memref<!tpu.dma_semaphore, #tpu.memory_space<semaphore_mem>>, %arg17: memref<!tpu.dma_semaphore, #tpu.memory_space<semaphore_mem>>, %arg18: memref<!tpu.dma_semaphore, #tpu.memory_space<semaphore_mem>>, %arg19: memref<!tpu.dma_semaphore, #tpu.memory_space<semaphore_mem>>, %arg20: memref<!tpu.dma_semaphore, #tpu.memory_space<semaphore_mem>>, %arg21: memref<!tpu.dma_semaphore, #tpu.memory_space<semaphore_mem>>, %arg22: memref<!tpu.dma_semaphore, #tpu.memory_space<semaphore_mem>>, %arg23: memref<!tpu.dma_semaphore, #tpu.memory_space<semaphore_mem>>, %arg24: memref<!tpu.dma_semaphore, #tpu.memory_space<semaphore_mem>>, %arg25: memref<!tpu.dma_semaphore, #tpu.memory_space<semaphore_mem>>, %arg26: memref<!tpu.dma_semaphore, #tpu.memory_space<semaphore_mem>>) attributes {dimension_semantics = [#tpu.dimension_semantics<core_parallel>, #tpu.dimension_semantics<subcore_parallel>], iteration_bounds = array<i64: 2, 16>, scalar_prefetch = 0 : i64, scratch_operands = 22 : i64, tpu.core_type = #tpu.core_type<sc_vector_subcore>, window_params = [{transform_indices = #map}, {transform_indices = #map1}, {transform_indices = #map1}]} {
    %mul3A = arith.constant 2 : i32
    %mul3A_0 = arith.muli %arg1, %mul3A : i32
    %add3A = arith.addi %mul3A_0, %arg0 : i32
    %mul3A_1 = arith.constant 78 : i32
    %mul3A_2 = arith.muli %add3A, %mul3A_1 : i32
    %dma_start3A = arith.constant 0 : i32
    %dma_start3A_3 = arith.constant 0 : i32
    %dma_start3A_4 = arith.constant 0 : i32
    %dma_start3A_5 = tpu.memref_slice %arg5[%dma_start3A_3, %dma_start3A_4] : memref<79x128xi32, #tpu.memory_space<vmem>> -> memref<78x128xi32, #tpu.memory_space<vmem>>
    %dma_start3A_6 = arith.constant 0 : i32
    %dma_start3A_7 = tpu.memref_slice %arg2[%dma_start3A, %mul3A_2, %dma_start3A_6] : memref<2x2500x128xi32, #tpu.memory_space<hbm>> -> memref<1x78x128xi32, #tpu.memory_space<hbm>>
    %dma_start3A_8 = tpu.memref_squeeze %dma_start3A_7 : memref<1x78x128xi32, #tpu.memory_space<hbm>> -> memref<78x128xi32, #tpu.memory_space<hbm>>
    %dma_start3A_9 = arith.constant 0 : i32
    %dma_start3A_10 = arith.constant 0 : i32
    %dma_start3A_11 = tpu.memref_slice %arg5[%dma_start3A_9, %dma_start3A_10] : memref<79x128xi32, #tpu.memory_space<vmem>> -> memref<78x128xi32, #tpu.memory_space<vmem>>
    %dma_start3A_12 = arith.constant 0 : i32
    %dma_start3A_13 = tpu.memref_slice %arg2[%dma_start3A, %mul3A_2, %dma_start3A_12] : memref<2x2500x128xi32, #tpu.memory_space<hbm>> -> memref<1x78x128xi32, #tpu.memory_space<hbm>>
    %dma_start3A_14 = tpu.memref_squeeze %dma_start3A_13 : memref<1x78x128xi32, #tpu.memory_space<hbm>> -> memref<78x128xi32, #tpu.memory_space<hbm>>
    tpu.enqueue_dma source(%dma_start3A_14 : memref<78x128xi32, #tpu.memory_space<hbm>>) target(%dma_start3A_11 : memref<78x128xi32, #tpu.memory_space<vmem>>) target_semaphore(%arg15 : memref<!tpu.dma_semaphore, #tpu.memory_space<semaphore_mem>>)
    %mul3A_15 = arith.constant 78 : i32
    %mul3A_16 = arith.muli %add3A, %mul3A_15 : i32
    %dma_start3A_17 = arith.constant 1 : i32
    %dma_start3A_18 = arith.constant 0 : i32
    %dma_start3A_19 = arith.constant 0 : i32
    %dma_start3A_20 = tpu.memref_slice %arg6[%dma_start3A_18, %dma_start3A_19] : memref<79x128xi32, #tpu.memory_space<vmem>> -> memref<78x128xi32, #tpu.memory_space<vmem>>
    %dma_start3A_21 = arith.constant 0 : i32
    %dma_start3A_22 = tpu.memref_slice %arg2[%dma_start3A_17, %mul3A_16, %dma_start3A_21] : memref<2x2500x128xi32, #tpu.memory_space<hbm>> -> memref<1x78x128xi32, #tpu.memory_space<hbm>>
    %dma_start3A_23 = tpu.memref_squeeze %dma_start3A_22 : memref<1x78x128xi32, #tpu.memory_space<hbm>> -> memref<78x128xi32, #tpu.memory_space<hbm>>
    %dma_start3A_24 = arith.constant 0 : i32
    %dma_start3A_25 = arith.constant 0 : i32
    %dma_start3A_26 = tpu.memref_slice %arg6[%dma_start3A_24, %dma_start3A_25] : memref<79x128xi32, #tpu.memory_space<vmem>> -> memref<78x128xi32, #tpu.memory_space<vmem>>
    %dma_start3A_27 = arith.constant 0 : i32
    %dma_start3A_28 = tpu.memref_slice %arg2[%dma_start3A_17, %mul3A_16, %dma_start3A_27] : memref<2x2500x128xi32, #tpu.memory_space<hbm>> -> memref<1x78x128xi32, #tpu.memory_space<hbm>>
    %dma_start3A_29 = tpu.memref_squeeze %dma_start3A_28 : memref<1x78x128xi32, #tpu.memory_space<hbm>> -> memref<78x128xi32, #tpu.memory_space<hbm>>
    tpu.enqueue_dma source(%dma_start3A_29 : memref<78x128xi32, #tpu.memory_space<hbm>>) target(%dma_start3A_26 : memref<78x128xi32, #tpu.memory_space<vmem>>) target_semaphore(%arg16 : memref<!tpu.dma_semaphore, #tpu.memory_space<semaphore_mem>>)
    %lt3A = arith.constant 4 : i32
    %lt3A_30 = arith.cmpi slt, %add3A, %lt3A : i32
    %convert_element_type3A = arith.extui %lt3A_30 : i1 to i32
    %cond3A = arith.constant 0 : i32
    %cond3A_31 = arith.cmpi ne, %convert_element_type3A, %cond3A : i32
    scf.if %cond3A_31 {
      %add3A_193 = arith.constant 2496 : i32
      %add3A_194 = arith.addi %add3A_193, %add3A : i32
      %run_scoped3A = arith.constant 0 : i32
      "tpu.region"() ({
        %run_scoped3A_198 = tpu.sem_alloc : memref<!tpu.dma_semaphore, #tpu.memory_space<semaphore_mem>>
        %dma_start3A_199 = arith.constant 78 : i32
        %dma_start3A_200 = arith.constant 0 : i32
        %dma_start3A_201 = tpu.memref_slice %arg5[%dma_start3A_199, %dma_start3A_200] : memref<79x128xi32, #tpu.memory_space<vmem>> -> memref<1x128xi32, #tpu.memory_space<vmem>>
        %dma_start3A_202 = arith.constant 0 : i32
        %dma_start3A_203 = tpu.memref_slice %arg2[%run_scoped3A, %add3A_194, %dma_start3A_202] : memref<2x2500x128xi32, #tpu.memory_space<hbm>> -> memref<1x1x128xi32, #tpu.memory_space<hbm>>
        %dma_start3A_204 = tpu.memref_squeeze %dma_start3A_203 : memref<1x1x128xi32, #tpu.memory_space<hbm>> -> memref<1x128xi32, #tpu.memory_space<hbm>>
        %dma_start3A_205 = arith.constant 78 : i32
        %dma_start3A_206 = arith.constant 0 : i32
        %dma_start3A_207 = tpu.memref_slice %arg5[%dma_start3A_205, %dma_start3A_206] : memref<79x128xi32, #tpu.memory_space<vmem>> -> memref<1x128xi32, #tpu.memory_space<vmem>>
        %dma_start3A_208 = arith.constant 0 : i32
        %dma_start3A_209 = tpu.memref_slice %arg2[%run_scoped3A, %add3A_194, %dma_start3A_208] : memref<2x2500x128xi32, #tpu.memory_space<hbm>> -> memref<1x1x128xi32, #tpu.memory_space<hbm>>
        %dma_start3A_210 = tpu.memref_squeeze %dma_start3A_209 : memref<1x1x128xi32, #tpu.memory_space<hbm>> -> memref<1x128xi32, #tpu.memory_space<hbm>>
        tpu.enqueue_dma source(%dma_start3A_210 : memref<1x128xi32, #tpu.memory_space<hbm>>) target(%dma_start3A_207 : memref<1x128xi32, #tpu.memory_space<vmem>>) target_semaphore(%run_scoped3A_198 : memref<!tpu.dma_semaphore, #tpu.memory_space<semaphore_mem>>)
        %dma_wait3A_211 = arith.constant 78 : i32
        %dma_wait3A_212 = arith.constant 0 : i32
        %dma_wait3A_213 = tpu.memref_slice %arg5[%dma_wait3A_211, %dma_wait3A_212] : memref<79x128xi32, #tpu.memory_space<vmem>> -> memref<1x128xi32, #tpu.memory_space<vmem>>
        %dma_wait3A_214 = arith.constant 0 : i32
        %dma_wait3A_215 = tpu.memref_slice %arg2[%run_scoped3A, %add3A_194, %dma_wait3A_214] : memref<2x2500x128xi32, #tpu.memory_space<hbm>> -> memref<1x1x128xi32, #tpu.memory_space<hbm>>
        %dma_wait3A_216 = tpu.memref_squeeze %dma_wait3A_215 : memref<1x1x128xi32, #tpu.memory_space<hbm>> -> memref<1x128xi32, #tpu.memory_space<hbm>>
        %dma_wait3A_217 = arith.constant 78 : i32
        %dma_wait3A_218 = arith.constant 0 : i32
        %dma_wait3A_219 = tpu.memref_slice %arg5[%dma_wait3A_217, %dma_wait3A_218] : memref<79x128xi32, #tpu.memory_space<vmem>> -> memref<1x128xi32, #tpu.memory_space<vmem>>
        %dma_wait3A_220 = arith.constant 0 : i32
        %dma_wait3A_221 = tpu.memref_slice %arg2[%run_scoped3A, %add3A_194, %dma_wait3A_220] : memref<2x2500x128xi32, #tpu.memory_space<hbm>> -> memref<1x1x128xi32, #tpu.memory_space<hbm>>
        %dma_wait3A_222 = tpu.memref_squeeze %dma_wait3A_221 : memref<1x1x128xi32, #tpu.memory_space<hbm>> -> memref<1x128xi32, #tpu.memory_space<hbm>>
        tpu.wait_dma2 semaphore(%run_scoped3A_198 : memref<!tpu.dma_semaphore, #tpu.memory_space<semaphore_mem>>) src(%dma_wait3A_222 : memref<1x128xi32, #tpu.memory_space<hbm>>) dst(%dma_wait3A_219 : memref<1x128xi32, #tpu.memory_space<vmem>>)
        tpu.yield
      }) : () -> ()
      %add3A_195 = arith.constant 2496 : i32
      %add3A_196 = arith.addi %add3A_195, %add3A : i32
      %run_scoped3A_197 = arith.constant 1 : i32
      "tpu.region"() ({
        %run_scoped3A_198 = tpu.sem_alloc : memref<!tpu.dma_semaphore, #tpu.memory_space<semaphore_mem>>
        %dma_start3A_199 = arith.constant 78 : i32
        %dma_start3A_200 = arith.constant 0 : i32
        %dma_start3A_201 = tpu.memref_slice %arg6[%dma_start3A_199, %dma_start3A_200] : memref<79x128xi32, #tpu.memory_space<vmem>> -> memref<1x128xi32, #tpu.memory_space<vmem>>
        %dma_start3A_202 = arith.constant 0 : i32
        %dma_start3A_203 = tpu.memref_slice %arg2[%run_scoped3A_197, %add3A_196, %dma_start3A_202] : memref<2x2500x128xi32, #tpu.memory_space<hbm>> -> memref<1x1x128xi32, #tpu.memory_space<hbm>>
        %dma_start3A_204 = tpu.memref_squeeze %dma_start3A_203 : memref<1x1x128xi32, #tpu.memory_space<hbm>> -> memref<1x128xi32, #tpu.memory_space<hbm>>
        %dma_start3A_205 = arith.constant 78 : i32
        %dma_start3A_206 = arith.constant 0 : i32
        %dma_start3A_207 = tpu.memref_slice %arg6[%dma_start3A_205, %dma_start3A_206] : memref<79x128xi32, #tpu.memory_space<vmem>> -> memref<1x128xi32, #tpu.memory_space<vmem>>
        %dma_start3A_208 = arith.constant 0 : i32
        %dma_start3A_209 = tpu.memref_slice %arg2[%run_scoped3A_197, %add3A_196, %dma_start3A_208] : memref<2x2500x128xi32, #tpu.memory_space<hbm>> -> memref<1x1x128xi32, #tpu.memory_space<hbm>>
        %dma_start3A_210 = tpu.memref_squeeze %dma_start3A_209 : memref<1x1x128xi32, #tpu.memory_space<hbm>> -> memref<1x128xi32, #tpu.memory_space<hbm>>
        tpu.enqueue_dma source(%dma_start3A_210 : memref<1x128xi32, #tpu.memory_space<hbm>>) target(%dma_start3A_207 : memref<1x128xi32, #tpu.memory_space<vmem>>) target_semaphore(%run_scoped3A_198 : memref<!tpu.dma_semaphore, #tpu.memory_space<semaphore_mem>>)
        %dma_wait3A_211 = arith.constant 78 : i32
        %dma_wait3A_212 = arith.constant 0 : i32
        %dma_wait3A_213 = tpu.memref_slice %arg6[%dma_wait3A_211, %dma_wait3A_212] : memref<79x128xi32, #tpu.memory_space<vmem>> -> memref<1x128xi32, #tpu.memory_space<vmem>>
        %dma_wait3A_214 = arith.constant 0 : i32
        %dma_wait3A_215 = tpu.memref_slice %arg2[%run_scoped3A_197, %add3A_196, %dma_wait3A_214] : memref<2x2500x128xi32, #tpu.memory_space<hbm>> -> memref<1x1x128xi32, #tpu.memory_space<hbm>>
        %dma_wait3A_216 = tpu.memref_squeeze %dma_wait3A_215 : memref<1x1x128xi32, #tpu.memory_space<hbm>> -> memref<1x128xi32, #tpu.memory_space<hbm>>
        %dma_wait3A_217 = arith.constant 78 : i32
        %dma_wait3A_218 = arith.constant 0 : i32
        %dma_wait3A_219 = tpu.memref_slice %arg6[%dma_wait3A_217, %dma_wait3A_218] : memref<79x128xi32, #tpu.memory_space<vmem>> -> memref<1x128xi32, #tpu.memory_space<vmem>>
        %dma_wait3A_220 = arith.constant 0 : i32
        %dma_wait3A_221 = tpu.memref_slice %arg2[%run_scoped3A_197, %add3A_196, %dma_wait3A_220] : memref<2x2500x128xi32, #tpu.memory_space<hbm>> -> memref<1x1x128xi32, #tpu.memory_space<hbm>>
        %dma_wait3A_222 = tpu.memref_squeeze %dma_wait3A_221 : memref<1x1x128xi32, #tpu.memory_space<hbm>> -> memref<1x128xi32, #tpu.memory_space<hbm>>
        tpu.wait_dma2 semaphore(%run_scoped3A_198 : memref<!tpu.dma_semaphore, #tpu.memory_space<semaphore_mem>>) src(%dma_wait3A_222 : memref<1x128xi32, #tpu.memory_space<hbm>>) dst(%dma_wait3A_219 : memref<1x128xi32, #tpu.memory_space<vmem>>)
        tpu.yield
      }) : () -> ()
    } else {
    }
    %scan3A = arith.constant 0 : i32
    %scan3A_32 = arith.constant 0 : i32
    %scan3A_33 = arith.constant 125 : i32
    %scan3A_34 = arith.addi %scan3A_32, %scan3A_33 : i32
    %scan3A_35 = arith.constant 1 : i32
    %scan3A_36 = scf.for %scan3A_193 = %scan3A_32 to %scan3A_34 step %scan3A_35 iter_args(%scan3A_194 = %scan3A) -> (i32)  : i32 {
      %broadcast_in_dim3A = arith.constant 0.000000e+00 : f32
      %broadcast_in_dim3A_195 = vector.broadcast %broadcast_in_dim3A : f32 to vector<16xf32>
      %swap3A = arith.index_cast %scan3A_193 : i32 to index
      %swap3A_196 = arith.constant 0 : index
      %swap3A_197 = tpu.vector_load %arg13[%swap3A, %swap3A_196] {strides = array<i32>} : memref<125x64xf32, #tpu.memory_space<vmem>>, vector<16xf32>,
      tpu.vector_store %arg13[%swap3A, %swap3A_196], %broadcast_in_dim3A_195 {strides = array<i32>} : memref<125x64xf32, #tpu.memory_space<vmem>>, vector<16xf32>,
      %broadcast_in_dim3A_198 = arith.constant 0.000000e+00 : f32
      %broadcast_in_dim3A_199 = vector.broadcast %broadcast_in_dim3A_198 : f32 to vector<16xf32>
      %swap3A_200 = arith.index_cast %scan3A_193 : i32 to index
      %swap3A_201 = arith.constant 16 : index
      %swap3A_202 = tpu.vector_load %arg13[%swap3A_200, %swap3A_201] {strides = array<i32>} : memref<125x64xf32, #tpu.memory_space<vmem>>, vector<16xf32>,
      tpu.vector_store %arg13[%swap3A_200, %swap3A_201], %broadcast_in_dim3A_199 {strides = array<i32>} : memref<125x64xf32, #tpu.memory_space<vmem>>, vector<16xf32>,
      %broadcast_in_dim3A_203 = arith.constant 0.000000e+00 : f32
      %broadcast_in_dim3A_204 = vector.broadcast %broadcast_in_dim3A_203 : f32 to vector<16xf32>
      %swap3A_205 = arith.index_cast %scan3A_193 : i32 to index
      %swap3A_206 = arith.constant 32 : index
      %swap3A_207 = tpu.vector_load %arg13[%swap3A_205, %swap3A_206] {strides = array<i32>} : memref<125x64xf32, #tpu.memory_space<vmem>>, vector<16xf32>,
      tpu.vector_store %arg13[%swap3A_205, %swap3A_206], %broadcast_in_dim3A_204 {strides = array<i32>} : memref<125x64xf32, #tpu.memory_space<vmem>>, vector<16xf32>,
      %broadcast_in_dim3A_208 = arith.constant 0.000000e+00 : f32
      %broadcast_in_dim3A_209 = vector.broadcast %broadcast_in_dim3A_208 : f32 to vector<16xf32>
      %swap3A_210 = arith.index_cast %scan3A_193 : i32 to index
      %swap3A_211 = arith.constant 48 : index
      %swap3A_212 = tpu.vector_load %arg13[%swap3A_210, %swap3A_211] {strides = array<i32>} : memref<125x64xf32, #tpu.memory_space<vmem>>, vector<16xf32>,
      tpu.vector_store %arg13[%swap3A_210, %swap3A_211], %broadcast_in_dim3A_209 {strides = array<i32>} : memref<125x64xf32, #tpu.memory_space<vmem>>, vector<16xf32>,
      %scan3A_213 = arith.constant 0 : i32
      scf.yield %scan3A_213 : i32
    }
    %scan3A_37 = arith.constant 125 : i32
    %mul3A_38 = arith.constant 625 : i32
    %mul3A_39 = arith.muli %arg1, %mul3A_38 : i32
    %add3A_40 = arith.constant 0 : i32
    %add3A_41 = arith.addi %mul3A_39, %add3A_40 : i32
    "tpu.region"() ({
      %run_scoped3A = tpu.sem_alloc : memref<!tpu.dma_semaphore, #tpu.memory_space<semaphore_mem>>
      %dma_start3A_193 = arith.constant 0 : i32
      %dma_start3A_194 = tpu.memref_slice %arg14[%add3A_41, %dma_start3A_193] : memref<10000x64xf32, #tpu.memory_space<vmem_shared>> -> memref<125x64xf32, #tpu.memory_space<vmem_shared>>
      %dma_start3A_195 = arith.constant 0 : i32
      %dma_start3A_196 = tpu.memref_slice %arg14[%add3A_41, %dma_start3A_195] : memref<10000x64xf32, #tpu.memory_space<vmem_shared>> -> memref<125x64xf32, #tpu.memory_space<vmem_shared>>
      tpu.enqueue_dma source(%arg13 : memref<125x64xf32, #tpu.memory_space<vmem>>) target(%dma_start3A_196 : memref<125x64xf32, #tpu.memory_space<vmem_shared>>) target_semaphore(%run_scoped3A : memref<!tpu.dma_semaphore, #tpu.memory_space<semaphore_mem>>)
      %dma_wait3A_197 = arith.constant 0 : i32
      %dma_wait3A_198 = tpu.memref_slice %arg14[%add3A_41, %dma_wait3A_197] : memref<10000x64xf32, #tpu.memory_space<vmem_shared>> -> memref<125x64xf32, #tpu.memory_space<vmem_shared>>
      %dma_wait3A_199 = arith.constant 0 : i32
      %dma_wait3A_200 = tpu.memref_slice %arg14[%add3A_41, %dma_wait3A_199] : memref<10000x64xf32, #tpu.memory_space<vmem_shared>> -> memref<125x64xf32, #tpu.memory_space<vmem_shared>>
      tpu.wait_dma2 semaphore(%run_scoped3A : memref<!tpu.dma_semaphore, #tpu.memory_space<semaphore_mem>>) src(%arg13 : memref<125x64xf32, #tpu.memory_space<vmem>>) dst(%dma_wait3A_200 : memref<125x64xf32, #tpu.memory_space<vmem_shared>>)
      tpu.yield
    }) : () -> ()
    %mul3A_42 = arith.constant 625 : i32
    %mul3A_43 = arith.muli %arg1, %mul3A_42 : i32
    %add3A_44 = arith.constant 125 : i32
    %add3A_45 = arith.addi %mul3A_43, %add3A_44 : i32
    "tpu.region"() ({
      %run_scoped3A = tpu.sem_alloc : memref<!tpu.dma_semaphore, #tpu.memory_space<semaphore_mem>>
      %dma_start3A_193 = arith.constant 0 : i32
      %dma_start3A_194 = tpu.memref_slice %arg14[%add3A_45, %dma_start3A_193] : memref<10000x64xf32, #tpu.memory_space<vmem_shared>> -> memref<125x64xf32, #tpu.memory_space<vmem_shared>>
      %dma_start3A_195 = arith.constant 0 : i32
      %dma_start3A_196 = tpu.memref_slice %arg14[%add3A_45, %dma_start3A_195] : memref<10000x64xf32, #tpu.memory_space<vmem_shared>> -> memref<125x64xf32, #tpu.memory_space<vmem_shared>>
      tpu.enqueue_dma source(%arg13 : memref<125x64xf32, #tpu.memory_space<vmem>>) target(%dma_start3A_196 : memref<125x64xf32, #tpu.memory_space<vmem_shared>>) target_semaphore(%run_scoped3A : memref<!tpu.dma_semaphore, #tpu.memory_space<semaphore_mem>>)
      %dma_wait3A_197 = arith.constant 0 : i32
      %dma_wait3A_198 = tpu.memref_slice %arg14[%add3A_45, %dma_wait3A_197] : memref<10000x64xf32, #tpu.memory_space<vmem_shared>> -> memref<125x64xf32, #tpu.memory_space<vmem_shared>>
      %dma_wait3A_199 = arith.constant 0 : i32
      %dma_wait3A_200 = tpu.memref_slice %arg14[%add3A_45, %dma_wait3A_199] : memref<10000x64xf32, #tpu.memory_space<vmem_shared>> -> memref<125x64xf32, #tpu.memory_space<vmem_shared>>
      tpu.wait_dma2 semaphore(%run_scoped3A : memref<!tpu.dma_semaphore, #tpu.memory_space<semaphore_mem>>) src(%arg13 : memref<125x64xf32, #tpu.memory_space<vmem>>) dst(%dma_wait3A_200 : memref<125x64xf32, #tpu.memory_space<vmem_shared>>)
      tpu.yield
    }) : () -> ()
    %mul3A_46 = arith.constant 625 : i32
    %mul3A_47 = arith.muli %arg1, %mul3A_46 : i32
    %add3A_48 = arith.constant 250 : i32
    %add3A_49 = arith.addi %mul3A_47, %add3A_48 : i32
    "tpu.region"() ({
      %run_scoped3A = tpu.sem_alloc : memref<!tpu.dma_semaphore, #tpu.memory_space<semaphore_mem>>
      %dma_start3A_193 = arith.constant 0 : i32
      %dma_start3A_194 = tpu.memref_slice %arg14[%add3A_49, %dma_start3A_193] : memref<10000x64xf32, #tpu.memory_space<vmem_shared>> -> memref<125x64xf32, #tpu.memory_space<vmem_shared>>
      %dma_start3A_195 = arith.constant 0 : i32
      %dma_start3A_196 = tpu.memref_slice %arg14[%add3A_49, %dma_start3A_195] : memref<10000x64xf32, #tpu.memory_space<vmem_shared>> -> memref<125x64xf32, #tpu.memory_space<vmem_shared>>
      tpu.enqueue_dma source(%arg13 : memref<125x64xf32, #tpu.memory_space<vmem>>) target(%dma_start3A_196 : memref<125x64xf32, #tpu.memory_space<vmem_shared>>) target_semaphore(%run_scoped3A : memref<!tpu.dma_semaphore, #tpu.memory_space<semaphore_mem>>)
      %dma_wait3A_197 = arith.constant 0 : i32
      %dma_wait3A_198 = tpu.memref_slice %arg14[%add3A_49, %dma_wait3A_197] : memref<10000x64xf32, #tpu.memory_space<vmem_shared>> -> memref<125x64xf32, #tpu.memory_space<vmem_shared>>
      %dma_wait3A_199 = arith.constant 0 : i32
      %dma_wait3A_200 = tpu.memref_slice %arg14[%add3A_49, %dma_wait3A_199] : memref<10000x64xf32, #tpu.memory_space<vmem_shared>> -> memref<125x64xf32, #tpu.memory_space<vmem_shared>>
      tpu.wait_dma2 semaphore(%run_scoped3A : memref<!tpu.dma_semaphore, #tpu.memory_space<semaphore_mem>>) src(%arg13 : memref<125x64xf32, #tpu.memory_space<vmem>>) dst(%dma_wait3A_200 : memref<125x64xf32, #tpu.memory_space<vmem_shared>>)
      tpu.yield
    }) : () -> ()
    %mul3A_50 = arith.constant 625 : i32
    %mul3A_51 = arith.muli %arg1, %mul3A_50 : i32
    %add3A_52 = arith.constant 375 : i32
    %add3A_53 = arith.addi %mul3A_51, %add3A_52 : i32
    "tpu.region"() ({
      %run_scoped3A = tpu.sem_alloc : memref<!tpu.dma_semaphore, #tpu.memory_space<semaphore_mem>>
      %dma_start3A_193 = arith.constant 0 : i32
      %dma_start3A_194 = tpu.memref_slice %arg14[%add3A_53, %dma_start3A_193] : memref<10000x64xf32, #tpu.memory_space<vmem_shared>> -> memref<125x64xf32, #tpu.memory_space<vmem_shared>>
      %dma_start3A_195 = arith.constant 0 : i32
      %dma_start3A_196 = tpu.memref_slice %arg14[%add3A_53, %dma_start3A_195] : memref<10000x64xf32, #tpu.memory_space<vmem_shared>> -> memref<125x64xf32, #tpu.memory_space<vmem_shared>>
      tpu.enqueue_dma source(%arg13 : memref<125x64xf32, #tpu.memory_space<vmem>>) target(%dma_start3A_196 : memref<125x64xf32, #tpu.memory_space<vmem_shared>>) target_semaphore(%run_scoped3A : memref<!tpu.dma_semaphore, #tpu.memory_space<semaphore_mem>>)
      %dma_wait3A_197 = arith.constant 0 : i32
      %dma_wait3A_198 = tpu.memref_slice %arg14[%add3A_53, %dma_wait3A_197] : memref<10000x64xf32, #tpu.memory_space<vmem_shared>> -> memref<125x64xf32, #tpu.memory_space<vmem_shared>>
      %dma_wait3A_199 = arith.constant 0 : i32
      %dma_wait3A_200 = tpu.memref_slice %arg14[%add3A_53, %dma_wait3A_199] : memref<10000x64xf32, #tpu.memory_space<vmem_shared>> -> memref<125x64xf32, #tpu.memory_space<vmem_shared>>
      tpu.wait_dma2 semaphore(%run_scoped3A : memref<!tpu.dma_semaphore, #tpu.memory_space<semaphore_mem>>) src(%arg13 : memref<125x64xf32, #tpu.memory_space<vmem>>) dst(%dma_wait3A_200 : memref<125x64xf32, #tpu.memory_space<vmem_shared>>)
      tpu.yield
    }) : () -> ()
    %mul3A_54 = arith.constant 625 : i32
    %mul3A_55 = arith.muli %arg1, %mul3A_54 : i32
    %add3A_56 = arith.constant 500 : i32
    %add3A_57 = arith.addi %mul3A_55, %add3A_56 : i32
    "tpu.region"() ({
      %run_scoped3A = tpu.sem_alloc : memref<!tpu.dma_semaphore, #tpu.memory_space<semaphore_mem>>
      %dma_start3A_193 = arith.constant 0 : i32
      %dma_start3A_194 = tpu.memref_slice %arg14[%add3A_57, %dma_start3A_193] : memref<10000x64xf32, #tpu.memory_space<vmem_shared>> -> memref<125x64xf32, #tpu.memory_space<vmem_shared>>
      %dma_start3A_195 = arith.constant 0 : i32
      %dma_start3A_196 = tpu.memref_slice %arg14[%add3A_57, %dma_start3A_195] : memref<10000x64xf32, #tpu.memory_space<vmem_shared>> -> memref<125x64xf32, #tpu.memory_space<vmem_shared>>
      tpu.enqueue_dma source(%arg13 : memref<125x64xf32, #tpu.memory_space<vmem>>) target(%dma_start3A_196 : memref<125x64xf32, #tpu.memory_space<vmem_shared>>) target_semaphore(%run_scoped3A : memref<!tpu.dma_semaphore, #tpu.memory_space<semaphore_mem>>)
      %dma_wait3A_197 = arith.constant 0 : i32
      %dma_wait3A_198 = tpu.memref_slice %arg14[%add3A_57, %dma_wait3A_197] : memref<10000x64xf32, #tpu.memory_space<vmem_shared>> -> memref<125x64xf32, #tpu.memory_space<vmem_shared>>
      %dma_wait3A_199 = arith.constant 0 : i32
      %dma_wait3A_200 = tpu.memref_slice %arg14[%add3A_57, %dma_wait3A_199] : memref<10000x64xf32, #tpu.memory_space<vmem_shared>> -> memref<125x64xf32, #tpu.memory_space<vmem_shared>>
      tpu.wait_dma2 semaphore(%run_scoped3A : memref<!tpu.dma_semaphore, #tpu.memory_space<semaphore_mem>>) src(%arg13 : memref<125x64xf32, #tpu.memory_space<vmem>>) dst(%dma_wait3A_200 : memref<125x64xf32, #tpu.memory_space<vmem_shared>>)
      tpu.yield
    }) : () -> ()
    %dma_wait3A = arith.constant 0 : i32
    %dma_wait3A_58 = arith.constant 0 : i32
    %dma_wait3A_59 = arith.constant 0 : i32
    %dma_wait3A_60 = tpu.memref_slice %arg5[%dma_wait3A_58, %dma_wait3A_59] : memref<79x128xi32, #tpu.memory_space<vmem>> -> memref<78x128xi32, #tpu.memory_space<vmem>>
    %dma_wait3A_61 = arith.constant 0 : i32
    %dma_wait3A_62 = tpu.memref_slice %arg2[%dma_wait3A, %mul3A_2, %dma_wait3A_61] : memref<2x2500x128xi32, #tpu.memory_space<hbm>> -> memref<1x78x128xi32, #tpu.memory_space<hbm>>
    %dma_wait3A_63 = tpu.memref_squeeze %dma_wait3A_62 : memref<1x78x128xi32, #tpu.memory_space<hbm>> -> memref<78x128xi32, #tpu.memory_space<hbm>>
    %dma_wait3A_64 = arith.constant 0 : i32
    %dma_wait3A_65 = arith.constant 0 : i32
    %dma_wait3A_66 = tpu.memref_slice %arg5[%dma_wait3A_64, %dma_wait3A_65] : memref<79x128xi32, #tpu.memory_space<vmem>> -> memref<78x128xi32, #tpu.memory_space<vmem>>
    %dma_wait3A_67 = arith.constant 0 : i32
    %dma_wait3A_68 = tpu.memref_slice %arg2[%dma_wait3A, %mul3A_2, %dma_wait3A_67] : memref<2x2500x128xi32, #tpu.memory_space<hbm>> -> memref<1x78x128xi32, #tpu.memory_space<hbm>>
    %dma_wait3A_69 = tpu.memref_squeeze %dma_wait3A_68 : memref<1x78x128xi32, #tpu.memory_space<hbm>> -> memref<78x128xi32, #tpu.memory_space<hbm>>
    tpu.wait_dma2 semaphore(%arg15 : memref<!tpu.dma_semaphore, #tpu.memory_space<semaphore_mem>>) src(%dma_wait3A_69 : memref<78x128xi32, #tpu.memory_space<hbm>>) dst(%dma_wait3A_66 : memref<78x128xi32, #tpu.memory_space<vmem>>)
    %dma_wait3A_70 = arith.constant 1 : i32
    %dma_wait3A_71 = arith.constant 0 : i32
    %dma_wait3A_72 = arith.constant 0 : i32
    %dma_wait3A_73 = tpu.memref_slice %arg6[%dma_wait3A_71, %dma_wait3A_72] : memref<79x128xi32, #tpu.memory_space<vmem>> -> memref<78x128xi32, #tpu.memory_space<vmem>>
    %dma_wait3A_74 = arith.constant 0 : i32
    %dma_wait3A_75 = tpu.memref_slice %arg2[%dma_wait3A_70, %mul3A_16, %dma_wait3A_74] : memref<2x2500x128xi32, #tpu.memory_space<hbm>> -> memref<1x78x128xi32, #tpu.memory_space<hbm>>
    %dma_wait3A_76 = tpu.memref_squeeze %dma_wait3A_75 : memref<1x78x128xi32, #tpu.memory_space<hbm>> -> memref<78x128xi32, #tpu.memory_space<hbm>>
    %dma_wait3A_77 = arith.constant 0 : i32
    %dma_wait3A_78 = arith.constant 0 : i32
    %dma_wait3A_79 = tpu.memref_slice %arg6[%dma_wait3A_77, %dma_wait3A_78] : memref<79x128xi32, #tpu.memory_space<vmem>> -> memref<78x128xi32, #tpu.memory_space<vmem>>
    %dma_wait3A_80 = arith.constant 0 : i32
    %dma_wait3A_81 = tpu.memref_slice %arg2[%dma_wait3A_70, %mul3A_16, %dma_wait3A_80] : memref<2x2500x128xi32, #tpu.memory_space<hbm>> -> memref<1x78x128xi32, #tpu.memory_space<hbm>>
    %dma_wait3A_82 = tpu.memref_squeeze %dma_wait3A_81 : memref<1x78x128xi32, #tpu.memory_space<hbm>> -> memref<78x128xi32, #tpu.memory_space<hbm>>
    tpu.wait_dma2 semaphore(%arg16 : memref<!tpu.dma_semaphore, #tpu.memory_space<semaphore_mem>>) src(%dma_wait3A_82 : memref<78x128xi32, #tpu.memory_space<hbm>>) dst(%dma_wait3A_79 : memref<78x128xi32, #tpu.memory_space<vmem>>)
    %scan3A_83 = arith.constant 0 : i32
    %scan3A_84 = arith.constant 0 : i32
    %scan3A_85 = arith.constant 79 : i32
    %scan3A_86 = arith.addi %scan3A_84, %scan3A_85 : i32
    %scan3A_87 = arith.constant 1 : i32
    %scan3A_88 = scf.for %scan3A_193 = %scan3A_84 to %scan3A_86 step %scan3A_87 iter_args(%scan3A_194 = %scan3A_83) -> (i32)  : i32 {
      %get3A = arith.index_cast %scan3A_193 : i32 to index
      %get3A_195 = arith.constant 0 : index
      %get3A_196 = tpu.vector_load %arg5[%get3A, %get3A_195] {strides = array<i32>} : memref<79x128xi32, #tpu.memory_space<vmem>>, vector<16xi32>,
      %add3A_197 = arith.addi %get3A_196, %get3A_196 : vector<16xi32>
      %swap3A = arith.index_cast %scan3A_193 : i32 to index
      %swap3A_198 = arith.constant 0 : index
      %swap3A_199 = tpu.vector_load %arg5[%swap3A, %swap3A_198] {strides = array<i32>} : memref<79x128xi32, #tpu.memory_space<vmem>>, vector<16xi32>,
      tpu.vector_store %arg5[%swap3A, %swap3A_198], %add3A_197 {strides = array<i32>} : memref<79x128xi32, #tpu.memory_space<vmem>>, vector<16xi32>,
      %get3A_200 = arith.index_cast %scan3A_193 : i32 to index
      %get3A_201 = arith.constant 16 : index
      %get3A_202 = tpu.vector_load %arg5[%get3A_200, %get3A_201] {strides = array<i32>} : memref<79x128xi32, #tpu.memory_space<vmem>>, vector<16xi32>,
      %add3A_203 = arith.addi %get3A_202, %get3A_202 : vector<16xi32>
      %swap3A_204 = arith.index_cast %scan3A_193 : i32 to index
      %swap3A_205 = arith.constant 16 : index
      %swap3A_206 = tpu.vector_load %arg5[%swap3A_204, %swap3A_205] {strides = array<i32>} : memref<79x128xi32, #tpu.memory_space<vmem>>, vector<16xi32>,
      tpu.vector_store %arg5[%swap3A_204, %swap3A_205], %add3A_203 {strides = array<i32>} : memref<79x128xi32, #tpu.memory_space<vmem>>, vector<16xi32>,
      %get3A_207 = arith.index_cast %scan3A_193 : i32 to index
      %get3A_208 = arith.constant 32 : index
      %get3A_209 = tpu.vector_load %arg5[%get3A_207, %get3A_208] {strides = array<i32>} : memref<79x128xi32, #tpu.memory_space<vmem>>, vector<16xi32>,
      %add3A_210 = arith.addi %get3A_209, %get3A_209 : vector<16xi32>
      %swap3A_211 = arith.index_cast %scan3A_193 : i32 to index
      %swap3A_212 = arith.constant 32 : index
      %swap3A_213 = tpu.vector_load %arg5[%swap3A_211, %swap3A_212] {strides = array<i32>} : memref<79x128xi32, #tpu.memory_space<vmem>>, vector<16xi32>,
      tpu.vector_store %arg5[%swap3A_211, %swap3A_212], %add3A_210 {strides = array<i32>} : memref<79x128xi32, #tpu.memory_space<vmem>>, vector<16xi32>,
      %get3A_214 = arith.index_cast %scan3A_193 : i32 to index
      %get3A_215 = arith.constant 48 : index
      %get3A_216 = tpu.vector_load %arg5[%get3A_214, %get3A_215] {strides = array<i32>} : memref<79x128xi32, #tpu.memory_space<vmem>>, vector<16xi32>,
      %add3A_217 = arith.addi %get3A_216, %get3A_216 : vector<16xi32>
      %swap3A_218 = arith.index_cast %scan3A_193 : i32 to index
      %swap3A_219 = arith.constant 48 : index
      %swap3A_220 = tpu.vector_load %arg5[%swap3A_218, %swap3A_219] {strides = array<i32>} : memref<79x128xi32, #tpu.memory_space<vmem>>, vector<16xi32>,
      tpu.vector_store %arg5[%swap3A_218, %swap3A_219], %add3A_217 {strides = array<i32>} : memref<79x128xi32, #tpu.memory_space<vmem>>, vector<16xi32>,
      %get3A_221 = arith.index_cast %scan3A_193 : i32 to index
      %get3A_222 = arith.constant 64 : index
      %get3A_223 = tpu.vector_load %arg5[%get3A_221, %get3A_222] {strides = array<i32>} : memref<79x128xi32, #tpu.memory_space<vmem>>, vector<16xi32>,
      %add3A_224 = arith.addi %get3A_223, %get3A_223 : vector<16xi32>
      %swap3A_225 = arith.index_cast %scan3A_193 : i32 to index
      %swap3A_226 = arith.constant 64 : index
      %swap3A_227 = tpu.vector_load %arg5[%swap3A_225, %swap3A_226] {strides = array<i32>} : memref<79x128xi32, #tpu.memory_space<vmem>>, vector<16xi32>,
      tpu.vector_store %arg5[%swap3A_225, %swap3A_226], %add3A_224 {strides = array<i32>} : memref<79x128xi32, #tpu.memory_space<vmem>>, vector<16xi32>,
      %get3A_228 = arith.index_cast %scan3A_193 : i32 to index
      %get3A_229 = arith.constant 80 : index
      %get3A_230 = tpu.vector_load %arg5[%get3A_228, %get3A_229] {strides = array<i32>} : memref<79x128xi32, #tpu.memory_space<vmem>>, vector<16xi32>,
      %add3A_231 = arith.addi %get3A_230, %get3A_230 : vector<16xi32>
      %swap3A_232 = arith.index_cast %scan3A_193 : i32 to index
      %swap3A_233 = arith.constant 80 : index
      %swap3A_234 = tpu.vector_load %arg5[%swap3A_232, %swap3A_233] {strides = array<i32>} : memref<79x128xi32, #tpu.memory_space<vmem>>, vector<16xi32>,
      tpu.vector_store %arg5[%swap3A_232, %swap3A_233], %add3A_231 {strides = array<i32>} : memref<79x128xi32, #tpu.memory_space<vmem>>, vector<16xi32>,
      %get3A_235 = arith.index_cast %scan3A_193 : i32 to index
      %get3A_236 = arith.constant 96 : index
      %get3A_237 = tpu.vector_load %arg5[%get3A_235, %get3A_236] {strides = array<i32>} : memref<79x128xi32, #tpu.memory_space<vmem>>, vector<16xi32>,
      %add3A_238 = arith.addi %get3A_237, %get3A_237 : vector<16xi32>
      %swap3A_239 = arith.index_cast %scan3A_193 : i32 to index
      %swap3A_240 = arith.constant 96 : index
      %swap3A_241 = tpu.vector_load %arg5[%swap3A_239, %swap3A_240] {strides = array<i32>} : memref<79x128xi32, #tpu.memory_space<vmem>>, vector<16xi32>,
      tpu.vector_store %arg5[%swap3A_239, %swap3A_240], %add3A_238 {strides = array<i32>} : memref<79x128xi32, #tpu.memory_space<vmem>>, vector<16xi32>,
      %get3A_242 = arith.index_cast %scan3A_193 : i32 to index
      %get3A_243 = arith.constant 112 : index
      %get3A_244 = tpu.vector_load %arg5[%get3A_242, %get3A_243] {strides = array<i32>} : memref<79x128xi32, #tpu.memory_space<vmem>>, vector<16xi32>,
      %add3A_245 = arith.addi %get3A_244, %get3A_244 : vector<16xi32>
      %swap3A_246 = arith.index_cast %scan3A_193 : i32 to index
      %swap3A_247 = arith.constant 112 : index
      %swap3A_248 = tpu.vector_load %arg5[%swap3A_246, %swap3A_247] {strides = array<i32>} : memref<79x128xi32, #tpu.memory_space<vmem>>, vector<16xi32>,
      tpu.vector_store %arg5[%swap3A_246, %swap3A_247], %add3A_245 {strides = array<i32>} : memref<79x128xi32, #tpu.memory_space<vmem>>, vector<16xi32>,
      %scan3A_249 = arith.constant 0 : i32
      scf.yield %scan3A_249 : i32
    }
    %scan3A_89 = arith.constant 79 : i32
    %barrier3A = arith.constant 0 : index
    tpu.barrier barrier_id(%barrier3A)
    %dma_start3A_90 = arith.constant 0 : i32
    %dma_start3A_91 = arith.constant 0 : i32
    %dma_start3A_92 = tpu.memref_slice %arg5[%dma_start3A_90, %dma_start3A_91] : memref<79x128xi32, #tpu.memory_space<vmem>> -> memref<1x128xi32, #tpu.memory_space<vmem>>
    %dma_start3A_93 = tpu.memref_squeeze %dma_start3A_92 : memref<1x128xi32, #tpu.memory_space<vmem>> -> memref<128xi32, #tpu.memory_space<vmem>>
    %dma_start3A_94 = arith.constant 0 : i32
    %dma_start3A_95 = arith.constant 0 : i32
    %dma_start3A_96 = tpu.memref_slice %arg3[%dma_start3A_94, %dma_start3A_95] : memref<20000x64xf32, #tpu.memory_space<hbm>> -> memref<20000x64xf32, #tpu.memory_space<hbm>>
    tpu.enqueue_indirect_dma source(%dma_start3A_96 : memref<20000x64xf32, #tpu.memory_space<hbm>>) target(%arg7 : memref<128x64xf32, #tpu.memory_space<vmem>>) offsets(%dma_start3A_93 : memref<128xi32, #tpu.memory_space<vmem>>) semaphore(%arg15 : memref<!tpu.dma_semaphore, #tpu.memory_space<semaphore_mem>>)
    %dma_start3A_97 = arith.constant 1 : i32
    %dma_start3A_98 = arith.constant 0 : i32
    %dma_start3A_99 = tpu.memref_slice %arg5[%dma_start3A_97, %dma_start3A_98] : memref<79x128xi32, #tpu.memory_space<vmem>> -> memref<1x128xi32, #tpu.memory_space<vmem>>
    %dma_start3A_100 = tpu.memref_squeeze %dma_start3A_99 : memref<1x128xi32, #tpu.memory_space<vmem>> -> memref<128xi32, #tpu.memory_space<vmem>>
    %dma_start3A_101 = arith.constant 0 : i32
    %dma_start3A_102 = arith.constant 0 : i32
    %dma_start3A_103 = tpu.memref_slice %arg3[%dma_start3A_101, %dma_start3A_102] : memref<20000x64xf32, #tpu.memory_space<hbm>> -> memref<20000x64xf32, #tpu.memory_space<hbm>>
    tpu.enqueue_indirect_dma source(%dma_start3A_103 : memref<20000x64xf32, #tpu.memory_space<hbm>>) target(%arg8 : memref<128x64xf32, #tpu.memory_space<vmem>>) offsets(%dma_start3A_100 : memref<128xi32, #tpu.memory_space<vmem>>) semaphore(%arg16 : memref<!tpu.dma_semaphore, #tpu.memory_space<semaphore_mem>>)
    %dma_start3A_104 = arith.constant 2 : i32
    %dma_start3A_105 = arith.constant 0 : i32
    %dma_start3A_106 = tpu.memref_slice %arg5[%dma_start3A_104, %dma_start3A_105] : memref<79x128xi32, #tpu.memory_space<vmem>> -> memref<1x128xi32, #tpu.memory_space<vmem>>
    %dma_start3A_107 = tpu.memref_squeeze %dma_start3A_106 : memref<1x128xi32, #tpu.memory_space<vmem>> -> memref<128xi32, #tpu.memory_space<vmem>>
    %dma_start3A_108 = arith.constant 0 : i32
    %dma_start3A_109 = arith.constant 0 : i32
    %dma_start3A_110 = tpu.memref_slice %arg3[%dma_start3A_108, %dma_start3A_109] : memref<20000x64xf32, #tpu.memory_space<hbm>> -> memref<20000x64xf32, #tpu.memory_space<hbm>>
    tpu.enqueue_indirect_dma source(%dma_start3A_110 : memref<20000x64xf32, #tpu.memory_space<hbm>>) target(%arg9 : memref<128x64xf32, #tpu.memory_space<vmem>>) offsets(%dma_start3A_107 : memref<128xi32, #tpu.memory_space<vmem>>) semaphore(%arg17 : memref<!tpu.dma_semaphore, #tpu.memory_space<semaphore_mem>>)
    %dma_start3A_111 = arith.constant 3 : i32
    %dma_start3A_112 = arith.constant 0 : i32
    %dma_start3A_113 = tpu.memref_slice %arg5[%dma_start3A_111, %dma_start3A_112] : memref<79x128xi32, #tpu.memory_space<vmem>> -> memref<1x128xi32, #tpu.memory_space<vmem>>
    %dma_start3A_114 = tpu.memref_squeeze %dma_start3A_113 : memref<1x128xi32, #tpu.memory_space<vmem>> -> memref<128xi32, #tpu.memory_space<vmem>>
    %dma_start3A_115 = arith.constant 0 : i32
    %dma_start3A_116 = arith.constant 0 : i32
    %dma_start3A_117 = tpu.memref_slice %arg3[%dma_start3A_115, %dma_start3A_116] : memref<20000x64xf32, #tpu.memory_space<hbm>> -> memref<20000x64xf32, #tpu.memory_space<hbm>>
    tpu.enqueue_indirect_dma source(%dma_start3A_117 : memref<20000x64xf32, #tpu.memory_space<hbm>>) target(%arg10 : memref<128x64xf32, #tpu.memory_space<vmem>>) offsets(%dma_start3A_114 : memref<128xi32, #tpu.memory_space<vmem>>) semaphore(%arg18 : memref<!tpu.dma_semaphore, #tpu.memory_space<semaphore_mem>>)
    %dma_start3A_118 = arith.constant 4 : i32
    %dma_start3A_119 = arith.constant 0 : i32
    %dma_start3A_120 = tpu.memref_slice %arg5[%dma_start3A_118, %dma_start3A_119] : memref<79x128xi32, #tpu.memory_space<vmem>> -> memref<1x128xi32, #tpu.memory_space<vmem>>
    %dma_start3A_121 = tpu.memref_squeeze %dma_start3A_120 : memref<1x128xi32, #tpu.memory_space<vmem>> -> memref<128xi32, #tpu.memory_space<vmem>>
    %dma_start3A_122 = arith.constant 0 : i32
    %dma_start3A_123 = arith.constant 0 : i32
    %dma_start3A_124 = tpu.memref_slice %arg3[%dma_start3A_122, %dma_start3A_123] : memref<20000x64xf32, #tpu.memory_space<hbm>> -> memref<20000x64xf32, #tpu.memory_space<hbm>>
    tpu.enqueue_indirect_dma source(%dma_start3A_124 : memref<20000x64xf32, #tpu.memory_space<hbm>>) target(%arg11 : memref<128x64xf32, #tpu.memory_space<vmem>>) offsets(%dma_start3A_121 : memref<128xi32, #tpu.memory_space<vmem>>) semaphore(%arg19 : memref<!tpu.dma_semaphore, #tpu.memory_space<semaphore_mem>>)
    %dma_start3A_125 = arith.constant 5 : i32
    %dma_start3A_126 = arith.constant 0 : i32
    %dma_start3A_127 = tpu.memref_slice %arg5[%dma_start3A_125, %dma_start3A_126] : memref<79x128xi32, #tpu.memory_space<vmem>> -> memref<1x128xi32, #tpu.memory_space<vmem>>
    %dma_start3A_128 = tpu.memref_squeeze %dma_start3A_127 : memref<1x128xi32, #tpu.memory_space<vmem>> -> memref<128xi32, #tpu.memory_space<vmem>>
    %dma_start3A_129 = arith.constant 0 : i32
    %dma_start3A_130 = arith.constant 0 : i32
    %dma_start3A_131 = tpu.memref_slice %arg3[%dma_start3A_129, %dma_start3A_130] : memref<20000x64xf32, #tpu.memory_space<hbm>> -> memref<20000x64xf32, #tpu.memory_space<hbm>>
    tpu.enqueue_indirect_dma source(%dma_start3A_131 : memref<20000x64xf32, #tpu.memory_space<hbm>>) target(%arg12 : memref<128x64xf32, #tpu.memory_space<vmem>>) offsets(%dma_start3A_128 : memref<128xi32, #tpu.memory_space<vmem>>) semaphore(%arg20 : memref<!tpu.dma_semaphore, #tpu.memory_space<semaphore_mem>>)
    %scan3A_132 = arith.constant 0 : i32
    %scan3A_133 = arith.constant 0 : i32
    %scan3A_134 = arith.constant 13 : i32
    %scan3A_135 = arith.addi %scan3A_133, %scan3A_134 : i32
    %scan3A_136 = arith.constant 1 : i32
    %scan3A_137 = scf.for %scan3A_193 = %scan3A_133 to %scan3A_135 step %scan3A_136 iter_args(%scan3A_194 = %scan3A_132) -> (i32)  : i32 {
      %mul3A_195 = arith.constant 6 : i32
      %mul3A_196 = arith.muli %mul3A_195, %scan3A_193 : i32
      %add3A_197 = arith.constant 0 : i32
      %add3A_198 = arith.addi %mul3A_196, %add3A_197 : i32
      %dma_wait3A_199 = arith.constant 0 : i32
      %dma_wait3A_200 = tpu.memref_slice %arg5[%add3A_198, %dma_wait3A_199] : memref<79x128xi32, #tpu.memory_space<vmem>> -> memref<1x128xi32, #tpu.memory_space<vmem>>
      %dma_wait3A_201 = tpu.memref_squeeze %dma_wait3A_200 : memref<1x128xi32, #tpu.memory_space<vmem>> -> memref<128xi32, #tpu.memory_space<vmem>>
      %dma_wait3A_202 = arith.constant 0 : i32
      %dma_wait3A_203 = arith.constant 0 : i32
      %dma_wait3A_204 = tpu.memref_slice %arg3[%dma_wait3A_202, %dma_wait3A_203] : memref<20000x64xf32, #tpu.memory_space<hbm>> -> memref<20000x64xf32, #tpu.memory_space<hbm>>
      tpu.wait_indirect_dma semaphore(%arg15 : memref<!tpu.dma_semaphore, #tpu.memory_space<semaphore_mem>>) src(%dma_wait3A_204 : memref<20000x64xf32, #tpu.memory_space<hbm>>) dst(%arg7 : memref<128x64xf32, #tpu.memory_space<vmem>>)
      %dma_start3A_205 = arith.constant 0 : i32
      %dma_start3A_206 = tpu.memref_slice %arg6[%add3A_198, %dma_start3A_205] : memref<79x128xi32, #tpu.memory_space<vmem>> -> memref<1x128xi32, #tpu.memory_space<vmem>>
      %dma_start3A_207 = tpu.memref_squeeze %dma_start3A_206 : memref<1x128xi32, #tpu.memory_space<vmem>> -> memref<128xi32, #tpu.memory_space<vmem>>
      %dma_start3A_208 = arith.constant 0 : i32
      %dma_start3A_209 = arith.constant 0 : i32
      %dma_start3A_210 = tpu.memref_slice %arg14[%dma_start3A_208, %dma_start3A_209] : memref<10000x64xf32, #tpu.memory_space<vmem_shared>> -> memref<10000x64xf32, #tpu.memory_space<vmem_shared>>
      tpu.enqueue_indirect_dma source(%arg7 : memref<128x64xf32, #tpu.memory_space<vmem>>) target(%dma_start3A_210 : memref<10000x64xf32, #tpu.memory_space<vmem_shared>>) offsets(%dma_start3A_207 : memref<128xi32, #tpu.memory_space<vmem>>) semaphore(%arg21 : memref<!tpu.dma_semaphore, #tpu.memory_space<semaphore_mem>>) {add = true}
      %mul3A_211 = arith.constant 6 : i32
      %mul3A_212 = arith.muli %mul3A_211, %scan3A_193 : i32
      %add3A_213 = arith.constant 1 : i32
      %add3A_214 = arith.addi %mul3A_212, %add3A_213 : i32
      %dma_wait3A_215 = arith.constant 0 : i32
      %dma_wait3A_216 = tpu.memref_slice %arg5[%add3A_214, %dma_wait3A_215] : memref<79x128xi32, #tpu.memory_space<vmem>> -> memref<1x128xi32, #tpu.memory_space<vmem>>
      %dma_wait3A_217 = tpu.memref_squeeze %dma_wait3A_216 : memref<1x128xi32, #tpu.memory_space<vmem>> -> memref<128xi32, #tpu.memory_space<vmem>>
      %dma_wait3A_218 = arith.constant 0 : i32
      %dma_wait3A_219 = arith.constant 0 : i32
      %dma_wait3A_220 = tpu.memref_slice %arg3[%dma_wait3A_218, %dma_wait3A_219] : memref<20000x64xf32, #tpu.memory_space<hbm>> -> memref<20000x64xf32, #tpu.memory_space<hbm>>
      tpu.wait_indirect_dma semaphore(%arg16 : memref<!tpu.dma_semaphore, #tpu.memory_space<semaphore_mem>>) src(%dma_wait3A_220 : memref<20000x64xf32, #tpu.memory_space<hbm>>) dst(%arg8 : memref<128x64xf32, #tpu.memory_space<vmem>>)
      %dma_start3A_221 = arith.constant 0 : i32
      %dma_start3A_222 = tpu.memref_slice %arg6[%add3A_214, %dma_start3A_221] : memref<79x128xi32, #tpu.memory_space<vmem>> -> memref<1x128xi32, #tpu.memory_space<vmem>>
      %dma_start3A_223 = tpu.memref_squeeze %dma_start3A_222 : memref<1x128xi32, #tpu.memory_space<vmem>> -> memref<128xi32, #tpu.memory_space<vmem>>
      %dma_start3A_224 = arith.constant 0 : i32
      %dma_start3A_225 = arith.constant 0 : i32
      %dma_start3A_226 = tpu.memref_slice %arg14[%dma_start3A_224, %dma_start3A_225] : memref<10000x64xf32, #tpu.memory_space<vmem_shared>> -> memref<10000x64xf32, #tpu.memory_space<vmem_shared>>
      tpu.enqueue_indirect_dma source(%arg8 : memref<128x64xf32, #tpu.memory_space<vmem>>) target(%dma_start3A_226 : memref<10000x64xf32, #tpu.memory_space<vmem_shared>>) offsets(%dma_start3A_223 : memref<128xi32, #tpu.memory_space<vmem>>) semaphore(%arg22 : memref<!tpu.dma_semaphore, #tpu.memory_space<semaphore_mem>>) {add = true}
      %mul3A_227 = arith.constant 6 : i32
      %mul3A_228 = arith.muli %mul3A_227, %scan3A_193 : i32
      %add3A_229 = arith.constant 2 : i32
      %add3A_230 = arith.addi %mul3A_228, %add3A_229 : i32
      %dma_wait3A_231 = arith.constant 0 : i32
      %dma_wait3A_232 = tpu.memref_slice %arg5[%add3A_230, %dma_wait3A_231] : memref<79x128xi32, #tpu.memory_space<vmem>> -> memref<1x128xi32, #tpu.memory_space<vmem>>
      %dma_wait3A_233 = tpu.memref_squeeze %dma_wait3A_232 : memref<1x128xi32, #tpu.memory_space<vmem>> -> memref<128xi32, #tpu.memory_space<vmem>>
      %dma_wait3A_234 = arith.constant 0 : i32
      %dma_wait3A_235 = arith.constant 0 : i32
      %dma_wait3A_236 = tpu.memref_slice %arg3[%dma_wait3A_234, %dma_wait3A_235] : memref<20000x64xf32, #tpu.memory_space<hbm>> -> memref<20000x64xf32, #tpu.memory_space<hbm>>
      tpu.wait_indirect_dma semaphore(%arg17 : memref<!tpu.dma_semaphore, #tpu.memory_space<semaphore_mem>>) src(%dma_wait3A_236 : memref<20000x64xf32, #tpu.memory_space<hbm>>) dst(%arg9 : memref<128x64xf32, #tpu.memory_space<vmem>>)
      %dma_start3A_237 = arith.constant 0 : i32
      %dma_start3A_238 = tpu.memref_slice %arg6[%add3A_230, %dma_start3A_237] : memref<79x128xi32, #tpu.memory_space<vmem>> -> memref<1x128xi32, #tpu.memory_space<vmem>>
      %dma_start3A_239 = tpu.memref_squeeze %dma_start3A_238 : memref<1x128xi32, #tpu.memory_space<vmem>> -> memref<128xi32, #tpu.memory_space<vmem>>
      %dma_start3A_240 = arith.constant 0 : i32
      %dma_start3A_241 = arith.constant 0 : i32
      %dma_start3A_242 = tpu.memref_slice %arg14[%dma_start3A_240, %dma_start3A_241] : memref<10000x64xf32, #tpu.memory_space<vmem_shared>> -> memref<10000x64xf32, #tpu.memory_space<vmem_shared>>
      tpu.enqueue_indirect_dma source(%arg9 : memref<128x64xf32, #tpu.memory_space<vmem>>) target(%dma_start3A_242 : memref<10000x64xf32, #tpu.memory_space<vmem_shared>>) offsets(%dma_start3A_239 : memref<128xi32, #tpu.memory_space<vmem>>) semaphore(%arg23 : memref<!tpu.dma_semaphore, #tpu.memory_space<semaphore_mem>>) {add = true}
      %mul3A_243 = arith.constant 6 : i32
      %mul3A_244 = arith.muli %mul3A_243, %scan3A_193 : i32
      %add3A_245 = arith.constant 3 : i32
      %add3A_246 = arith.addi %mul3A_244, %add3A_245 : i32
      %dma_wait3A_247 = arith.constant 0 : i32
      %dma_wait3A_248 = tpu.memref_slice %arg5[%add3A_246, %dma_wait3A_247] : memref<79x128xi32, #tpu.memory_space<vmem>> -> memref<1x128xi32, #tpu.memory_space<vmem>>
      %dma_wait3A_249 = tpu.memref_squeeze %dma_wait3A_248 : memref<1x128xi32, #tpu.memory_space<vmem>> -> memref<128xi32, #tpu.memory_space<vmem>>
      %dma_wait3A_250 = arith.constant 0 : i32
      %dma_wait3A_251 = arith.constant 0 : i32
      %dma_wait3A_252 = tpu.memref_slice %arg3[%dma_wait3A_250, %dma_wait3A_251] : memref<20000x64xf32, #tpu.memory_space<hbm>> -> memref<20000x64xf32, #tpu.memory_space<hbm>>
      tpu.wait_indirect_dma semaphore(%arg18 : memref<!tpu.dma_semaphore, #tpu.memory_space<semaphore_mem>>) src(%dma_wait3A_252 : memref<20000x64xf32, #tpu.memory_space<hbm>>) dst(%arg10 : memref<128x64xf32, #tpu.memory_space<vmem>>)
      %dma_start3A_253 = arith.constant 0 : i32
      %dma_start3A_254 = tpu.memref_slice %arg6[%add3A_246, %dma_start3A_253] : memref<79x128xi32, #tpu.memory_space<vmem>> -> memref<1x128xi32, #tpu.memory_space<vmem>>
      %dma_start3A_255 = tpu.memref_squeeze %dma_start3A_254 : memref<1x128xi32, #tpu.memory_space<vmem>> -> memref<128xi32, #tpu.memory_space<vmem>>
      %dma_start3A_256 = arith.constant 0 : i32
      %dma_start3A_257 = arith.constant 0 : i32
      %dma_start3A_258 = tpu.memref_slice %arg14[%dma_start3A_256, %dma_start3A_257] : memref<10000x64xf32, #tpu.memory_space<vmem_shared>> -> memref<10000x64xf32, #tpu.memory_space<vmem_shared>>
      tpu.enqueue_indirect_dma source(%arg10 : memref<128x64xf32, #tpu.memory_space<vmem>>) target(%dma_start3A_258 : memref<10000x64xf32, #tpu.memory_space<vmem_shared>>) offsets(%dma_start3A_255 : memref<128xi32, #tpu.memory_space<vmem>>) semaphore(%arg24 : memref<!tpu.dma_semaphore, #tpu.memory_space<semaphore_mem>>) {add = true}
      %mul3A_259 = arith.constant 6 : i32
      %mul3A_260 = arith.muli %mul3A_259, %scan3A_193 : i32
      %add3A_261 = arith.constant 4 : i32
      %add3A_262 = arith.addi %mul3A_260, %add3A_261 : i32
      %dma_wait3A_263 = arith.constant 0 : i32
      %dma_wait3A_264 = tpu.memref_slice %arg5[%add3A_262, %dma_wait3A_263] : memref<79x128xi32, #tpu.memory_space<vmem>> -> memref<1x128xi32, #tpu.memory_space<vmem>>
      %dma_wait3A_265 = tpu.memref_squeeze %dma_wait3A_264 : memref<1x128xi32, #tpu.memory_space<vmem>> -> memref<128xi32, #tpu.memory_space<vmem>>
      %dma_wait3A_266 = arith.constant 0 : i32
      %dma_wait3A_267 = arith.constant 0 : i32
      %dma_wait3A_268 = tpu.memref_slice %arg3[%dma_wait3A_266, %dma_wait3A_267] : memref<20000x64xf32, #tpu.memory_space<hbm>> -> memref<20000x64xf32, #tpu.memory_space<hbm>>
      tpu.wait_indirect_dma semaphore(%arg19 : memref<!tpu.dma_semaphore, #tpu.memory_space<semaphore_mem>>) src(%dma_wait3A_268 : memref<20000x64xf32, #tpu.memory_space<hbm>>) dst(%arg11 : memref<128x64xf32, #tpu.memory_space<vmem>>)
      %dma_start3A_269 = arith.constant 0 : i32
      %dma_start3A_270 = tpu.memref_slice %arg6[%add3A_262, %dma_start3A_269] : memref<79x128xi32, #tpu.memory_space<vmem>> -> memref<1x128xi32, #tpu.memory_space<vmem>>
      %dma_start3A_271 = tpu.memref_squeeze %dma_start3A_270 : memref<1x128xi32, #tpu.memory_space<vmem>> -> memref<128xi32, #tpu.memory_space<vmem>>
      %dma_start3A_272 = arith.constant 0 : i32
      %dma_start3A_273 = arith.constant 0 : i32
      %dma_start3A_274 = tpu.memref_slice %arg14[%dma_start3A_272, %dma_start3A_273] : memref<10000x64xf32, #tpu.memory_space<vmem_shared>> -> memref<10000x64xf32, #tpu.memory_space<vmem_shared>>
      tpu.enqueue_indirect_dma source(%arg11 : memref<128x64xf32, #tpu.memory_space<vmem>>) target(%dma_start3A_274 : memref<10000x64xf32, #tpu.memory_space<vmem_shared>>) offsets(%dma_start3A_271 : memref<128xi32, #tpu.memory_space<vmem>>) semaphore(%arg25 : memref<!tpu.dma_semaphore, #tpu.memory_space<semaphore_mem>>) {add = true}
      %mul3A_275 = arith.constant 6 : i32
      %mul3A_276 = arith.muli %mul3A_275, %scan3A_193 : i32
      %add3A_277 = arith.constant 5 : i32
      %add3A_278 = arith.addi %mul3A_276, %add3A_277 : i32
      %dma_wait3A_279 = arith.constant 0 : i32
      %dma_wait3A_280 = tpu.memref_slice %arg5[%add3A_278, %dma_wait3A_279] : memref<79x128xi32, #tpu.memory_space<vmem>> -> memref<1x128xi32, #tpu.memory_space<vmem>>
      %dma_wait3A_281 = tpu.memref_squeeze %dma_wait3A_280 : memref<1x128xi32, #tpu.memory_space<vmem>> -> memref<128xi32, #tpu.memory_space<vmem>>
      %dma_wait3A_282 = arith.constant 0 : i32
      %dma_wait3A_283 = arith.constant 0 : i32
      %dma_wait3A_284 = tpu.memref_slice %arg3[%dma_wait3A_282, %dma_wait3A_283] : memref<20000x64xf32, #tpu.memory_space<hbm>> -> memref<20000x64xf32, #tpu.memory_space<hbm>>
      tpu.wait_indirect_dma semaphore(%arg20 : memref<!tpu.dma_semaphore, #tpu.memory_space<semaphore_mem>>) src(%dma_wait3A_284 : memref<20000x64xf32, #tpu.memory_space<hbm>>) dst(%arg12 : memref<128x64xf32, #tpu.memory_space<vmem>>)
      %dma_start3A_285 = arith.constant 0 : i32
      %dma_start3A_286 = tpu.memref_slice %arg6[%add3A_278, %dma_start3A_285] : memref<79x128xi32, #tpu.memory_space<vmem>> -> memref<1x128xi32, #tpu.memory_space<vmem>>
      %dma_start3A_287 = tpu.memref_squeeze %dma_start3A_286 : memref<1x128xi32, #tpu.memory_space<vmem>> -> memref<128xi32, #tpu.memory_space<vmem>>
      %dma_start3A_288 = arith.constant 0 : i32
      %dma_start3A_289 = arith.constant 0 : i32
      %dma_start3A_290 = tpu.memref_slice %arg14[%dma_start3A_288, %dma_start3A_289] : memref<10000x64xf32, #tpu.memory_space<vmem_shared>> -> memref<10000x64xf32, #tpu.memory_space<vmem_shared>>
      tpu.enqueue_indirect_dma source(%arg12 : memref<128x64xf32, #tpu.memory_space<vmem>>) target(%dma_start3A_290 : memref<10000x64xf32, #tpu.memory_space<vmem_shared>>) offsets(%dma_start3A_287 : memref<128xi32, #tpu.memory_space<vmem>>) semaphore(%arg26 : memref<!tpu.dma_semaphore, #tpu.memory_space<semaphore_mem>>) {add = true}
      %mul3A_291 = arith.constant 6 : i32
      %mul3A_292 = arith.muli %mul3A_291, %scan3A_193 : i32
      %add3A_293 = arith.constant 6 : i32
      %add3A_294 = arith.addi %mul3A_292, %add3A_293 : i32
      %add3A_295 = arith.constant 0 : i32
      %add3A_296 = arith.addi %add3A_294, %add3A_295 : i32
      %min3A = arith.constant 77 : i32
      %min3A_297 = arith.minsi %add3A_296, %min3A : i32
      %dma_wait3A_298 = arith.constant 0 : i32
      %dma_wait3A_299 = arith.constant 0 : i32
      %dma_wait3A_300 = tpu.memref_slice %arg6[%dma_wait3A_298, %dma_wait3A_299] : memref<79x128xi32, #tpu.memory_space<vmem>> -> memref<1x128xi32, #tpu.memory_space<vmem>>
      %dma_wait3A_301 = tpu.memref_squeeze %dma_wait3A_300 : memref<1x128xi32, #tpu.memory_space<vmem>> -> memref<128xi32, #tpu.memory_space<vmem>>
      %dma_wait3A_302 = arith.constant 0 : i32
      %dma_wait3A_303 = arith.constant 0 : i32
      %dma_wait3A_304 = tpu.memref_slice %arg14[%dma_wait3A_302, %dma_wait3A_303] : memref<10000x64xf32, #tpu.memory_space<vmem_shared>> -> memref<10000x64xf32, #tpu.memory_space<vmem_shared>>
      tpu.wait_indirect_dma semaphore(%arg21 : memref<!tpu.dma_semaphore, #tpu.memory_space<semaphore_mem>>) src(%arg7 : memref<128x64xf32, #tpu.memory_space<vmem>>) dst(%dma_wait3A_304 : memref<10000x64xf32, #tpu.memory_space<vmem_shared>>)
      %dma_start3A_305 = arith.constant 0 : i32
      %dma_start3A_306 = tpu.memref_slice %arg5[%min3A_297, %dma_start3A_305] : memref<79x128xi32, #tpu.memory_space<vmem>> -> memref<1x128xi32, #tpu.memory_space<vmem>>
      %dma_start3A_307 = tpu.memref_squeeze %dma_start3A_306 : memref<1x128xi32, #tpu.memory_space<vmem>> -> memref<128xi32, #tpu.memory_space<vmem>>
      %dma_start3A_308 = arith.constant 0 : i32
      %dma_start3A_309 = arith.constant 0 : i32
      %dma_start3A_310 = tpu.memref_slice %arg3[%dma_start3A_308, %dma_start3A_309] : memref<20000x64xf32, #tpu.memory_space<hbm>> -> memref<20000x64xf32, #tpu.memory_space<hbm>>
      tpu.enqueue_indirect_dma source(%dma_start3A_310 : memref<20000x64xf32, #tpu.memory_space<hbm>>) target(%arg7 : memref<128x64xf32, #tpu.memory_space<vmem>>) offsets(%dma_start3A_307 : memref<128xi32, #tpu.memory_space<vmem>>) semaphore(%arg15 : memref<!tpu.dma_semaphore, #tpu.memory_space<semaphore_mem>>)
      %mul3A_311 = arith.constant 6 : i32
      %mul3A_312 = arith.muli %mul3A_311, %scan3A_193 : i32
      %add3A_313 = arith.constant 6 : i32
      %add3A_314 = arith.addi %mul3A_312, %add3A_313 : i32
      %add3A_315 = arith.constant 1 : i32
      %add3A_316 = arith.addi %add3A_314, %add3A_315 : i32
      %min3A_317 = arith.constant 77 : i32
      %min3A_318 = arith.minsi %add3A_316, %min3A_317 : i32
      %dma_wait3A_319 = arith.constant 0 : i32
      %dma_wait3A_320 = arith.constant 0 : i32
      %dma_wait3A_321 = tpu.memref_slice %arg6[%dma_wait3A_319, %dma_wait3A_320] : memref<79x128xi32, #tpu.memory_space<vmem>> -> memref<1x128xi32, #tpu.memory_space<vmem>>
      %dma_wait3A_322 = tpu.memref_squeeze %dma_wait3A_321 : memref<1x128xi32, #tpu.memory_space<vmem>> -> memref<128xi32, #tpu.memory_space<vmem>>
      %dma_wait3A_323 = arith.constant 0 : i32
      %dma_wait3A_324 = arith.constant 0 : i32
      %dma_wait3A_325 = tpu.memref_slice %arg14[%dma_wait3A_323, %dma_wait3A_324] : memref<10000x64xf32, #tpu.memory_space<vmem_shared>> -> memref<10000x64xf32, #tpu.memory_space<vmem_shared>>
      tpu.wait_indirect_dma semaphore(%arg22 : memref<!tpu.dma_semaphore, #tpu.memory_space<semaphore_mem>>) src(%arg8 : memref<128x64xf32, #tpu.memory_space<vmem>>) dst(%dma_wait3A_325 : memref<10000x64xf32, #tpu.memory_space<vmem_shared>>)
      %dma_start3A_326 = arith.constant 0 : i32
      %dma_start3A_327 = tpu.memref_slice %arg5[%min3A_318, %dma_start3A_326] : memref<79x128xi32, #tpu.memory_space<vmem>> -> memref<1x128xi32, #tpu.memory_space<vmem>>
      %dma_start3A_328 = tpu.memref_squeeze %dma_start3A_327 : memref<1x128xi32, #tpu.memory_space<vmem>> -> memref<128xi32, #tpu.memory_space<vmem>>
      %dma_start3A_329 = arith.constant 0 : i32
      %dma_start3A_330 = arith.constant 0 : i32
      %dma_start3A_331 = tpu.memref_slice %arg3[%dma_start3A_329, %dma_start3A_330] : memref<20000x64xf32, #tpu.memory_space<hbm>> -> memref<20000x64xf32, #tpu.memory_space<hbm>>
      tpu.enqueue_indirect_dma source(%dma_start3A_331 : memref<20000x64xf32, #tpu.memory_space<hbm>>) target(%arg8 : memref<128x64xf32, #tpu.memory_space<vmem>>) offsets(%dma_start3A_328 : memref<128xi32, #tpu.memory_space<vmem>>) semaphore(%arg16 : memref<!tpu.dma_semaphore, #tpu.memory_space<semaphore_mem>>)
      %mul3A_332 = arith.constant 6 : i32
      %mul3A_333 = arith.muli %mul3A_332, %scan3A_193 : i32
      %add3A_334 = arith.constant 6 : i32
      %add3A_335 = arith.addi %mul3A_333, %add3A_334 : i32
      %add3A_336 = arith.constant 2 : i32
      %add3A_337 = arith.addi %add3A_335, %add3A_336 : i32
      %min3A_338 = arith.constant 77 : i32
      %min3A_339 = arith.minsi %add3A_337, %min3A_338 : i32
      %dma_wait3A_340 = arith.constant 0 : i32
      %dma_wait3A_341 = arith.constant 0 : i32
      %dma_wait3A_342 = tpu.memref_slice %arg6[%dma_wait3A_340, %dma_wait3A_341] : memref<79x128xi32, #tpu.memory_space<vmem>> -> memref<1x128xi32, #tpu.memory_space<vmem>>
      %dma_wait3A_343 = tpu.memref_squeeze %dma_wait3A_342 : memref<1x128xi32, #tpu.memory_space<vmem>> -> memref<128xi32, #tpu.memory_space<vmem>>
      %dma_wait3A_344 = arith.constant 0 : i32
      %dma_wait3A_345 = arith.constant 0 : i32
      %dma_wait3A_346 = tpu.memref_slice %arg14[%dma_wait3A_344, %dma_wait3A_345] : memref<10000x64xf32, #tpu.memory_space<vmem_shared>> -> memref<10000x64xf32, #tpu.memory_space<vmem_shared>>
      tpu.wait_indirect_dma semaphore(%arg23 : memref<!tpu.dma_semaphore, #tpu.memory_space<semaphore_mem>>) src(%arg9 : memref<128x64xf32, #tpu.memory_space<vmem>>) dst(%dma_wait3A_346 : memref<10000x64xf32, #tpu.memory_space<vmem_shared>>)
      %dma_start3A_347 = arith.constant 0 : i32
      %dma_start3A_348 = tpu.memref_slice %arg5[%min3A_339, %dma_start3A_347] : memref<79x128xi32, #tpu.memory_space<vmem>> -> memref<1x128xi32, #tpu.memory_space<vmem>>
      %dma_start3A_349 = tpu.memref_squeeze %dma_start3A_348 : memref<1x128xi32, #tpu.memory_space<vmem>> -> memref<128xi32, #tpu.memory_space<vmem>>
      %dma_start3A_350 = arith.constant 0 : i32
      %dma_start3A_351 = arith.constant 0 : i32
      %dma_start3A_352 = tpu.memref_slice %arg3[%dma_start3A_350, %dma_start3A_351] : memref<20000x64xf32, #tpu.memory_space<hbm>> -> memref<20000x64xf32, #tpu.memory_space<hbm>>
      tpu.enqueue_indirect_dma source(%dma_start3A_352 : memref<20000x64xf32, #tpu.memory_space<hbm>>) target(%arg9 : memref<128x64xf32, #tpu.memory_space<vmem>>) offsets(%dma_start3A_349 : memref<128xi32, #tpu.memory_space<vmem>>) semaphore(%arg17 : memref<!tpu.dma_semaphore, #tpu.memory_space<semaphore_mem>>)
      %mul3A_353 = arith.constant 6 : i32
      %mul3A_354 = arith.muli %mul3A_353, %scan3A_193 : i32
      %add3A_355 = arith.constant 6 : i32
      %add3A_356 = arith.addi %mul3A_354, %add3A_355 : i32
      %add3A_357 = arith.constant 3 : i32
      %add3A_358 = arith.addi %add3A_356, %add3A_357 : i32
      %min3A_359 = arith.constant 77 : i32
      %min3A_360 = arith.minsi %add3A_358, %min3A_359 : i32
      %dma_wait3A_361 = arith.constant 0 : i32
      %dma_wait3A_362 = arith.constant 0 : i32
      %dma_wait3A_363 = tpu.memref_slice %arg6[%dma_wait3A_361, %dma_wait3A_362] : memref<79x128xi32, #tpu.memory_space<vmem>> -> memref<1x128xi32, #tpu.memory_space<vmem>>
      %dma_wait3A_364 = tpu.memref_squeeze %dma_wait3A_363 : memref<1x128xi32, #tpu.memory_space<vmem>> -> memref<128xi32, #tpu.memory_space<vmem>>
      %dma_wait3A_365 = arith.constant 0 : i32
      %dma_wait3A_366 = arith.constant 0 : i32
      %dma_wait3A_367 = tpu.memref_slice %arg14[%dma_wait3A_365, %dma_wait3A_366] : memref<10000x64xf32, #tpu.memory_space<vmem_shared>> -> memref<10000x64xf32, #tpu.memory_space<vmem_shared>>
      tpu.wait_indirect_dma semaphore(%arg24 : memref<!tpu.dma_semaphore, #tpu.memory_space<semaphore_mem>>) src(%arg10 : memref<128x64xf32, #tpu.memory_space<vmem>>) dst(%dma_wait3A_367 : memref<10000x64xf32, #tpu.memory_space<vmem_shared>>)
      %dma_start3A_368 = arith.constant 0 : i32
      %dma_start3A_369 = tpu.memref_slice %arg5[%min3A_360, %dma_start3A_368] : memref<79x128xi32, #tpu.memory_space<vmem>> -> memref<1x128xi32, #tpu.memory_space<vmem>>
      %dma_start3A_370 = tpu.memref_squeeze %dma_start3A_369 : memref<1x128xi32, #tpu.memory_space<vmem>> -> memref<128xi32, #tpu.memory_space<vmem>>
      %dma_start3A_371 = arith.constant 0 : i32
      %dma_start3A_372 = arith.constant 0 : i32
      %dma_start3A_373 = tpu.memref_slice %arg3[%dma_start3A_371, %dma_start3A_372] : memref<20000x64xf32, #tpu.memory_space<hbm>> -> memref<20000x64xf32, #tpu.memory_space<hbm>>
      tpu.enqueue_indirect_dma source(%dma_start3A_373 : memref<20000x64xf32, #tpu.memory_space<hbm>>) target(%arg10 : memref<128x64xf32, #tpu.memory_space<vmem>>) offsets(%dma_start3A_370 : memref<128xi32, #tpu.memory_space<vmem>>) semaphore(%arg18 : memref<!tpu.dma_semaphore, #tpu.memory_space<semaphore_mem>>)
      %mul3A_374 = arith.constant 6 : i32
      %mul3A_375 = arith.muli %mul3A_374, %scan3A_193 : i32
      %add3A_376 = arith.constant 6 : i32
      %add3A_377 = arith.addi %mul3A_375, %add3A_376 : i32
      %add3A_378 = arith.constant 4 : i32
      %add3A_379 = arith.addi %add3A_377, %add3A_378 : i32
      %min3A_380 = arith.constant 77 : i32
      %min3A_381 = arith.minsi %add3A_379, %min3A_380 : i32
      %dma_wait3A_382 = arith.constant 0 : i32
      %dma_wait3A_383 = arith.constant 0 : i32
      %dma_wait3A_384 = tpu.memref_slice %arg6[%dma_wait3A_382, %dma_wait3A_383] : memref<79x128xi32, #tpu.memory_space<vmem>> -> memref<1x128xi32, #tpu.memory_space<vmem>>
      %dma_wait3A_385 = tpu.memref_squeeze %dma_wait3A_384 : memref<1x128xi32, #tpu.memory_space<vmem>> -> memref<128xi32, #tpu.memory_space<vmem>>
      %dma_wait3A_386 = arith.constant 0 : i32
      %dma_wait3A_387 = arith.constant 0 : i32
      %dma_wait3A_388 = tpu.memref_slice %arg14[%dma_wait3A_386, %dma_wait3A_387] : memref<10000x64xf32, #tpu.memory_space<vmem_shared>> -> memref<10000x64xf32, #tpu.memory_space<vmem_shared>>
      tpu.wait_indirect_dma semaphore(%arg25 : memref<!tpu.dma_semaphore, #tpu.memory_space<semaphore_mem>>) src(%arg11 : memref<128x64xf32, #tpu.memory_space<vmem>>) dst(%dma_wait3A_388 : memref<10000x64xf32, #tpu.memory_space<vmem_shared>>)
      %dma_start3A_389 = arith.constant 0 : i32
      %dma_start3A_390 = tpu.memref_slice %arg5[%min3A_381, %dma_start3A_389] : memref<79x128xi32, #tpu.memory_space<vmem>> -> memref<1x128xi32, #tpu.memory_space<vmem>>
      %dma_start3A_391 = tpu.memref_squeeze %dma_start3A_390 : memref<1x128xi32, #tpu.memory_space<vmem>> -> memref<128xi32, #tpu.memory_space<vmem>>
      %dma_start3A_392 = arith.constant 0 : i32
      %dma_start3A_393 = arith.constant 0 : i32
      %dma_start3A_394 = tpu.memref_slice %arg3[%dma_start3A_392, %dma_start3A_393] : memref<20000x64xf32, #tpu.memory_space<hbm>> -> memref<20000x64xf32, #tpu.memory_space<hbm>>
      tpu.enqueue_indirect_dma source(%dma_start3A_394 : memref<20000x64xf32, #tpu.memory_space<hbm>>) target(%arg11 : memref<128x64xf32, #tpu.memory_space<vmem>>) offsets(%dma_start3A_391 : memref<128xi32, #tpu.memory_space<vmem>>) semaphore(%arg19 : memref<!tpu.dma_semaphore, #tpu.memory_space<semaphore_mem>>)
      %mul3A_395 = arith.constant 6 : i32
      %mul3A_396 = arith.muli %mul3A_395, %scan3A_193 : i32
      %add3A_397 = arith.constant 6 : i32
      %add3A_398 = arith.addi %mul3A_396, %add3A_397 : i32
      %add3A_399 = arith.constant 5 : i32
      %add3A_400 = arith.addi %add3A_398, %add3A_399 : i32
      %min3A_401 = arith.constant 77 : i32
      %min3A_402 = arith.minsi %add3A_400, %min3A_401 : i32
      %dma_wait3A_403 = arith.constant 0 : i32
      %dma_wait3A_404 = arith.constant 0 : i32
      %dma_wait3A_405 = tpu.memref_slice %arg6[%dma_wait3A_403, %dma_wait3A_404] : memref<79x128xi32, #tpu.memory_space<vmem>> -> memref<1x128xi32, #tpu.memory_space<vmem>>
      %dma_wait3A_406 = tpu.memref_squeeze %dma_wait3A_405 : memref<1x128xi32, #tpu.memory_space<vmem>> -> memref<128xi32, #tpu.memory_space<vmem>>
      %dma_wait3A_407 = arith.constant 0 : i32
      %dma_wait3A_408 = arith.constant 0 : i32
      %dma_wait3A_409 = tpu.memref_slice %arg14[%dma_wait3A_407, %dma_wait3A_408] : memref<10000x64xf32, #tpu.memory_space<vmem_shared>> -> memref<10000x64xf32, #tpu.memory_space<vmem_shared>>
      tpu.wait_indirect_dma semaphore(%arg26 : memref<!tpu.dma_semaphore, #tpu.memory_space<semaphore_mem>>) src(%arg12 : memref<128x64xf32, #tpu.memory_space<vmem>>) dst(%dma_wait3A_409 : memref<10000x64xf32, #tpu.memory_space<vmem_shared>>)
      %dma_start3A_410 = arith.constant 0 : i32
      %dma_start3A_411 = tpu.memref_slice %arg5[%min3A_402, %dma_start3A_410] : memref<79x128xi32, #tpu.memory_space<vmem>> -> memref<1x128xi32, #tpu.memory_space<vmem>>
      %dma_start3A_412 = tpu.memref_squeeze %dma_start3A_411 : memref<1x128xi32, #tpu.memory_space<vmem>> -> memref<128xi32, #tpu.memory_space<vmem>>
      %dma_start3A_413 = arith.constant 0 : i32
      %dma_start3A_414 = arith.constant 0 : i32
      %dma_start3A_415 = tpu.memref_slice %arg3[%dma_start3A_413, %dma_start3A_414] : memref<20000x64xf32, #tpu.memory_space<hbm>> -> memref<20000x64xf32, #tpu.memory_space<hbm>>
      tpu.enqueue_indirect_dma source(%dma_start3A_415 : memref<20000x64xf32, #tpu.memory_space<hbm>>) target(%arg12 : memref<128x64xf32, #tpu.memory_space<vmem>>) offsets(%dma_start3A_412 : memref<128xi32, #tpu.memory_space<vmem>>) semaphore(%arg20 : memref<!tpu.dma_semaphore, #tpu.memory_space<semaphore_mem>>)
      %scan3A_416 = arith.constant 0 : i32
      scf.yield %scan3A_416 : i32
    }
    %scan3A_138 = arith.constant 13 : i32
    %dma_wait3A_139 = arith.constant 77 : i32
    %dma_wait3A_140 = arith.constant 0 : i32
    %dma_wait3A_141 = tpu.memref_slice %arg5[%dma_wait3A_139, %dma_wait3A_140] : memref<79x128xi32, #tpu.memory_space<vmem>> -> memref<1x128xi32, #tpu.memory_space<vmem>>
    %dma_wait3A_142 = tpu.memref_squeeze %dma_wait3A_141 : memref<1x128xi32, #tpu.memory_space<vmem>> -> memref<128xi32, #tpu.memory_space<vmem>>
    %dma_wait3A_143 = arith.constant 0 : i32
    %dma_wait3A_144 = arith.constant 0 : i32
    %dma_wait3A_145 = tpu.memref_slice %arg3[%dma_wait3A_143, %dma_wait3A_144] : memref<20000x64xf32, #tpu.memory_space<hbm>> -> memref<20000x64xf32, #tpu.memory_space<hbm>>
    tpu.wait_indirect_dma semaphore(%arg15 : memref<!tpu.dma_semaphore, #tpu.memory_space<semaphore_mem>>) src(%dma_wait3A_145 : memref<20000x64xf32, #tpu.memory_space<hbm>>) dst(%arg7 : memref<128x64xf32, #tpu.memory_space<vmem>>)
    %dma_wait3A_146 = arith.constant 77 : i32
    %dma_wait3A_147 = arith.constant 0 : i32
    %dma_wait3A_148 = tpu.memref_slice %arg5[%dma_wait3A_146, %dma_wait3A_147] : memref<79x128xi32, #tpu.memory_space<vmem>> -> memref<1x128xi32, #tpu.memory_space<vmem>>
    %dma_wait3A_149 = tpu.memref_squeeze %dma_wait3A_148 : memref<1x128xi32, #tpu.memory_space<vmem>> -> memref<128xi32, #tpu.memory_space<vmem>>
    %dma_wait3A_150 = arith.constant 0 : i32
    %dma_wait3A_151 = arith.constant 0 : i32
    %dma_wait3A_152 = tpu.memref_slice %arg3[%dma_wait3A_150, %dma_wait3A_151] : memref<20000x64xf32, #tpu.memory_space<hbm>> -> memref<20000x64xf32, #tpu.memory_space<hbm>>
    tpu.wait_indirect_dma semaphore(%arg16 : memref<!tpu.dma_semaphore, #tpu.memory_space<semaphore_mem>>) src(%dma_wait3A_152 : memref<20000x64xf32, #tpu.memory_space<hbm>>) dst(%arg8 : memref<128x64xf32, #tpu.memory_space<vmem>>)
    %dma_wait3A_153 = arith.constant 77 : i32
    %dma_wait3A_154 = arith.constant 0 : i32
    %dma_wait3A_155 = tpu.memref_slice %arg5[%dma_wait3A_153, %dma_wait3A_154] : memref<79x128xi32, #tpu.memory_space<vmem>> -> memref<1x128xi32, #tpu.memory_space<vmem>>
    %dma_wait3A_156 = tpu.memref_squeeze %dma_wait3A_155 : memref<1x128xi32, #tpu.memory_space<vmem>> -> memref<128xi32, #tpu.memory_space<vmem>>
    %dma_wait3A_157 = arith.constant 0 : i32
    %dma_wait3A_158 = arith.constant 0 : i32
    %dma_wait3A_159 = tpu.memref_slice %arg3[%dma_wait3A_157, %dma_wait3A_158] : memref<20000x64xf32, #tpu.memory_space<hbm>> -> memref<20000x64xf32, #tpu.memory_space<hbm>>
    tpu.wait_indirect_dma semaphore(%arg17 : memref<!tpu.dma_semaphore, #tpu.memory_space<semaphore_mem>>) src(%dma_wait3A_159 : memref<20000x64xf32, #tpu.memory_space<hbm>>) dst(%arg9 : memref<128x64xf32, #tpu.memory_space<vmem>>)
    %dma_wait3A_160 = arith.constant 77 : i32
    %dma_wait3A_161 = arith.constant 0 : i32
    %dma_wait3A_162 = tpu.memref_slice %arg5[%dma_wait3A_160, %dma_wait3A_161] : memref<79x128xi32, #tpu.memory_space<vmem>> -> memref<1x128xi32, #tpu.memory_space<vmem>>
    %dma_wait3A_163 = tpu.memref_squeeze %dma_wait3A_162 : memref<1x128xi32, #tpu.memory_space<vmem>> -> memref<128xi32, #tpu.memory_space<vmem>>
    %dma_wait3A_164 = arith.constant 0 : i32
    %dma_wait3A_165 = arith.constant 0 : i32
    %dma_wait3A_166 = tpu.memref_slice %arg3[%dma_wait3A_164, %dma_wait3A_165] : memref<20000x64xf32, #tpu.memory_space<hbm>> -> memref<20000x64xf32, #tpu.memory_space<hbm>>
    tpu.wait_indirect_dma semaphore(%arg18 : memref<!tpu.dma_semaphore, #tpu.memory_space<semaphore_mem>>) src(%dma_wait3A_166 : memref<20000x64xf32, #tpu.memory_space<hbm>>) dst(%arg10 : memref<128x64xf32, #tpu.memory_space<vmem>>)
    %dma_wait3A_167 = arith.constant 77 : i32
    %dma_wait3A_168 = arith.constant 0 : i32
    %dma_wait3A_169 = tpu.memref_slice %arg5[%dma_wait3A_167, %dma_wait3A_168] : memref<79x128xi32, #tpu.memory_space<vmem>> -> memref<1x128xi32, #tpu.memory_space<vmem>>
    %dma_wait3A_170 = tpu.memref_squeeze %dma_wait3A_169 : memref<1x128xi32, #tpu.memory_space<vmem>> -> memref<128xi32, #tpu.memory_space<vmem>>
    %dma_wait3A_171 = arith.constant 0 : i32
    %dma_wait3A_172 = arith.constant 0 : i32
    %dma_wait3A_173 = tpu.memref_slice %arg3[%dma_wait3A_171, %dma_wait3A_172] : memref<20000x64xf32, #tpu.memory_space<hbm>> -> memref<20000x64xf32, #tpu.memory_space<hbm>>
    tpu.wait_indirect_dma semaphore(%arg19 : memref<!tpu.dma_semaphore, #tpu.memory_space<semaphore_mem>>) src(%dma_wait3A_173 : memref<20000x64xf32, #tpu.memory_space<hbm>>) dst(%arg11 : memref<128x64xf32, #tpu.memory_space<vmem>>)
    %dma_wait3A_174 = arith.constant 77 : i32
    %dma_wait3A_175 = arith.constant 0 : i32
    %dma_wait3A_176 = tpu.memref_slice %arg5[%dma_wait3A_174, %dma_wait3A_175] : memref<79x128xi32, #tpu.memory_space<vmem>> -> memref<1x128xi32, #tpu.memory_space<vmem>>
    %dma_wait3A_177 = tpu.memref_squeeze %dma_wait3A_176 : memref<1x128xi32, #tpu.memory_space<vmem>> -> memref<128xi32, #tpu.memory_space<vmem>>
    %dma_wait3A_178 = arith.constant 0 : i32
    %dma_wait3A_179 = arith.constant 0 : i32
    %dma_wait3A_180 = tpu.memref_slice %arg3[%dma_wait3A_178, %dma_wait3A_179] : memref<20000x64xf32, #tpu.memory_space<hbm>> -> memref<20000x64xf32, #tpu.memory_space<hbm>>
    tpu.wait_indirect_dma semaphore(%arg20 : memref<!tpu.dma_semaphore, #tpu.memory_space<semaphore_mem>>) src(%dma_wait3A_180 : memref<20000x64xf32, #tpu.memory_space<hbm>>) dst(%arg12 : memref<128x64xf32, #tpu.memory_space<vmem>>)
    %lt3A_181 = arith.constant 4 : i32
    %lt3A_182 = arith.cmpi slt, %add3A, %lt3A_181 : i32
    %convert_element_type3A_183 = arith.extui %lt3A_182 : i1 to i32
    %cond3A_184 = arith.constant 0 : i32
    %cond3A_185 = arith.cmpi ne, %convert_element_type3A_183, %cond3A_184 : i32
    scf.if %cond3A_185 {
      %run_scoped3A = arith.constant 78 : i32
      "tpu.region"() ({
        %run_scoped3A_194 = tpu.sem_alloc : memref<!tpu.dma_semaphore, #tpu.memory_space<semaphore_mem>>
        %dma_start3A_195 = arith.constant 0 : i32
        %dma_start3A_196 = tpu.memref_slice %arg5[%run_scoped3A, %dma_start3A_195] : memref<79x128xi32, #tpu.memory_space<vmem>> -> memref<1x128xi32, #tpu.memory_space<vmem>>
        %dma_start3A_197 = tpu.memref_squeeze %dma_start3A_196 : memref<1x128xi32, #tpu.memory_space<vmem>> -> memref<128xi32, #tpu.memory_space<vmem>>
        %dma_start3A_198 = arith.constant 0 : i32
        %dma_start3A_199 = arith.constant 0 : i32
        %dma_start3A_200 = tpu.memref_slice %arg3[%dma_start3A_198, %dma_start3A_199] : memref<20000x64xf32, #tpu.memory_space<hbm>> -> memref<20000x64xf32, #tpu.memory_space<hbm>>
        tpu.enqueue_indirect_dma source(%dma_start3A_200 : memref<20000x64xf32, #tpu.memory_space<hbm>>) target(%arg12 : memref<128x64xf32, #tpu.memory_space<vmem>>) offsets(%dma_start3A_197 : memref<128xi32, #tpu.memory_space<vmem>>) semaphore(%run_scoped3A_194 : memref<!tpu.dma_semaphore, #tpu.memory_space<semaphore_mem>>)
        %dma_wait3A_201 = arith.constant 0 : i32
        %dma_wait3A_202 = tpu.memref_slice %arg5[%run_scoped3A, %dma_wait3A_201] : memref<79x128xi32, #tpu.memory_space<vmem>> -> memref<1x128xi32, #tpu.memory_space<vmem>>
        %dma_wait3A_203 = tpu.memref_squeeze %dma_wait3A_202 : memref<1x128xi32, #tpu.memory_space<vmem>> -> memref<128xi32, #tpu.memory_space<vmem>>
        %dma_wait3A_204 = arith.constant 0 : i32
        %dma_wait3A_205 = arith.constant 0 : i32
        %dma_wait3A_206 = tpu.memref_slice %arg3[%dma_wait3A_204, %dma_wait3A_205] : memref<20000x64xf32, #tpu.memory_space<hbm>> -> memref<20000x64xf32, #tpu.memory_space<hbm>>
        tpu.wait_indirect_dma semaphore(%run_scoped3A_194 : memref<!tpu.dma_semaphore, #tpu.memory_space<semaphore_mem>>) src(%dma_wait3A_206 : memref<20000x64xf32, #tpu.memory_space<hbm>>) dst(%arg12 : memref<128x64xf32, #tpu.memory_space<vmem>>)
        tpu.yield
      }) : () -> ()
      %run_scoped3A_193 = arith.constant 78 : i32
      "tpu.region"() ({
        %run_scoped3A_194 = tpu.sem_alloc : memref<!tpu.dma_semaphore, #tpu.memory_space<semaphore_mem>>
        %dma_start3A_195 = arith.constant 0 : i32
        %dma_start3A_196 = tpu.memref_slice %arg6[%run_scoped3A_193, %dma_start3A_195] : memref<79x128xi32, #tpu.memory_space<vmem>> -> memref<1x128xi32, #tpu.memory_space<vmem>>
        %dma_start3A_197 = tpu.memref_squeeze %dma_start3A_196 : memref<1x128xi32, #tpu.memory_space<vmem>> -> memref<128xi32, #tpu.memory_space<vmem>>
        %dma_start3A_198 = arith.constant 0 : i32
        %dma_start3A_199 = arith.constant 0 : i32
        %dma_start3A_200 = tpu.memref_slice %arg14[%dma_start3A_198, %dma_start3A_199] : memref<10000x64xf32, #tpu.memory_space<vmem_shared>> -> memref<10000x64xf32, #tpu.memory_space<vmem_shared>>
        tpu.enqueue_indirect_dma source(%arg12 : memref<128x64xf32, #tpu.memory_space<vmem>>) target(%dma_start3A_200 : memref<10000x64xf32, #tpu.memory_space<vmem_shared>>) offsets(%dma_start3A_197 : memref<128xi32, #tpu.memory_space<vmem>>) semaphore(%run_scoped3A_194 : memref<!tpu.dma_semaphore, #tpu.memory_space<semaphore_mem>>) {add = true}
        %dma_wait3A_201 = arith.constant 0 : i32
        %dma_wait3A_202 = tpu.memref_slice %arg6[%run_scoped3A_193, %dma_wait3A_201] : memref<79x128xi32, #tpu.memory_space<vmem>> -> memref<1x128xi32, #tpu.memory_space<vmem>>
        %dma_wait3A_203 = tpu.memref_squeeze %dma_wait3A_202 : memref<1x128xi32, #tpu.memory_space<vmem>> -> memref<128xi32, #tpu.memory_space<vmem>>
        %dma_wait3A_204 = arith.constant 0 : i32
        %dma_wait3A_205 = arith.constant 0 : i32
        %dma_wait3A_206 = tpu.memref_slice %arg14[%dma_wait3A_204, %dma_wait3A_205] : memref<10000x64xf32, #tpu.memory_space<vmem_shared>> -> memref<10000x64xf32, #tpu.memory_space<vmem_shared>>
        tpu.wait_indirect_dma semaphore(%run_scoped3A_194 : memref<!tpu.dma_semaphore, #tpu.memory_space<semaphore_mem>>) src(%arg12 : memref<128x64xf32, #tpu.memory_space<vmem>>) dst(%dma_wait3A_206 : memref<10000x64xf32, #tpu.memory_space<vmem_shared>>)
        tpu.yield
      }) : () -> ()
    } else {
    }
    %barrier3A_186 = arith.constant 0 : index
    tpu.barrier barrier_id(%barrier3A_186)
    %mul3A_187 = arith.constant 625 : i32
    %mul3A_188 = arith.muli %arg1, %mul3A_187 : i32
    %mul3A_189 = arith.constant 625 : i32
    %mul3A_190 = arith.muli %arg1, %mul3A_189 : i32
    %mul3A_191 = arith.constant 64 : i32
    %mul3A_192 = arith.muli %arg0, %mul3A_191 : i32
    "tpu.region"() ({
      %run_scoped3A = tpu.sem_alloc : memref<!tpu.dma_semaphore, #tpu.memory_space<semaphore_mem>>
      %dma_start3A_193 = tpu.memref_slice %arg4[%mul3A_190, %mul3A_192] : memref<10000x128xf32, #tpu.memory_space<hbm>> -> memref<625x64xf32, #tpu.memory_space<hbm>>
      %dma_start3A_194 = arith.constant 0 : i32
      %dma_start3A_195 = tpu.memref_slice %arg14[%mul3A_188, %dma_start3A_194] : memref<10000x64xf32, #tpu.memory_space<vmem_shared>> -> memref<625x64xf32, #tpu.memory_space<vmem_shared>>
      tpu.enqueue_dma source(%dma_start3A_195 : memref<625x64xf32, #tpu.memory_space<vmem_shared>>) target(%dma_start3A_193 : memref<625x64xf32, #tpu.memory_space<hbm>>) target_semaphore(%run_scoped3A : memref<!tpu.dma_semaphore, #tpu.memory_space<semaphore_mem>>)
      %dma_wait3A_196 = tpu.memref_slice %arg4[%mul3A_190, %mul3A_192] : memref<10000x128xf32, #tpu.memory_space<hbm>> -> memref<625x64xf32, #tpu.memory_space<hbm>>
      %dma_wait3A_197 = arith.constant 0 : i32
      %dma_wait3A_198 = tpu.memref_slice %arg14[%mul3A_188, %dma_wait3A_197] : memref<10000x64xf32, #tpu.memory_space<vmem_shared>> -> memref<625x64xf32, #tpu.memory_space<vmem_shared>>
      tpu.wait_dma2 semaphore(%run_scoped3A : memref<!tpu.dma_semaphore, #tpu.memory_space<semaphore_mem>>) src(%dma_wait3A_198 : memref<625x64xf32, #tpu.memory_space<vmem_shared>>) dst(%dma_wait3A_196 : memref<625x64xf32, #tpu.memory_space<hbm>>)
      tpu.yield
    }) : () -> ()
    return
  }
}

#map = affine_map<(d0, d1) -> (0, 0, 0)>
#map1 = affine_map<(d0, d1) -> (0, 0)>
module attributes {stable_mosaic.version = 14 : i64} {
  func.func @_sc_agg(%arg0: i32, %arg1: i32, %arg2: memref<2x2500x128xi32, #tpu.memory_space<hbm>>, %arg3: memref<20000x64xf32, #tpu.memory_space<hbm>>, %arg4: memref<10000x128xf32, #tpu.memory_space<hbm>>, %arg5: memref<79x128xi32, #tpu.memory_space<vmem>>, %arg6: memref<79x128xi32, #tpu.memory_space<vmem>>, %arg7: memref<128x64xf32, #tpu.memory_space<vmem>>, %arg8: memref<128x64xf32, #tpu.memory_space<vmem>>, %arg9: memref<128x64xf32, #tpu.memory_space<vmem>>, %arg10: memref<128x64xf32, #tpu.memory_space<vmem>>, %arg11: memref<128x64xf32, #tpu.memory_space<vmem>>, %arg12: memref<128x64xf32, #tpu.memory_space<vmem>>, %arg13: memref<125x64xf32, #tpu.memory_space<vmem>>, %arg14: memref<10000x64xf32, #tpu.memory_space<vmem_shared>>, %arg15: memref<!tpu.dma_semaphore, #tpu.memory_space<semaphore_mem>>, %arg16: memref<!tpu.dma_semaphore, #tpu.memory_space<semaphore_mem>>, %arg17: memref<!tpu.dma_semaphore, #tpu.memory_space<semaphore_mem>>, %arg18: memref<!tpu.dma_semaphore, #tpu.memory_space<semaphore_mem>>, %arg19: memref<!tpu.dma_semaphore, #tpu.memory_space<semaphore_mem>>, %arg20: memref<!tpu.dma_semaphore, #tpu.memory_space<semaphore_mem>>, %arg21: memref<!tpu.dma_semaphore, #tpu.memory_space<semaphore_mem>>, %arg22: memref<!tpu.dma_semaphore, #tpu.memory_space<semaphore_mem>>, %arg23: memref<!tpu.dma_semaphore, #tpu.memory_space<semaphore_mem>>, %arg24: memref<!tpu.dma_semaphore, #tpu.memory_space<semaphore_mem>>, %arg25: memref<!tpu.dma_semaphore, #tpu.memory_space<semaphore_mem>>, %arg26: memref<!tpu.dma_semaphore, #tpu.memory_space<semaphore_mem>>) attributes {dimension_semantics = [#tpu.dimension_semantics<core_parallel>, #tpu.dimension_semantics<subcore_parallel>], iteration_bounds = array<i64: 2, 16>, scalar_prefetch = 0 : i64, scratch_operands = 22 : i64, tpu.core_type = #tpu.core_type<sc_vector_subcore>, window_params = [{transform_indices = #map}, {transform_indices = #map1}, {transform_indices = #map1}]} {
    %mul3A = arith.constant 2 : i32
    %mul3A_0 = arith.muli %arg1, %mul3A : i32
    %add3A = arith.addi %mul3A_0, %arg0 : i32
    %mul3A_1 = arith.constant 78 : i32
    %mul3A_2 = arith.muli %add3A, %mul3A_1 : i32
    %dma_start3A = arith.constant 0 : i32
    %dma_start3A_3 = arith.constant 0 : i32
    %dma_start3A_4 = arith.constant 0 : i32
    %dma_start3A_5 = tpu.memref_slice %arg5[%dma_start3A_3, %dma_start3A_4] : memref<79x128xi32, #tpu.memory_space<vmem>> -> memref<78x128xi32, #tpu.memory_space<vmem>>
    %dma_start3A_6 = arith.constant 0 : i32
    %dma_start3A_7 = tpu.memref_slice %arg2[%dma_start3A, %mul3A_2, %dma_start3A_6] : memref<2x2500x128xi32, #tpu.memory_space<hbm>> -> memref<1x78x128xi32, #tpu.memory_space<hbm>>
    %dma_start3A_8 = tpu.memref_squeeze %dma_start3A_7 : memref<1x78x128xi32, #tpu.memory_space<hbm>> -> memref<78x128xi32, #tpu.memory_space<hbm>>
    %dma_start3A_9 = arith.constant 0 : i32
    %dma_start3A_10 = arith.constant 0 : i32
    %dma_start3A_11 = tpu.memref_slice %arg5[%dma_start3A_9, %dma_start3A_10] : memref<79x128xi32, #tpu.memory_space<vmem>> -> memref<78x128xi32, #tpu.memory_space<vmem>>
    %dma_start3A_12 = arith.constant 0 : i32
    %dma_start3A_13 = tpu.memref_slice %arg2[%dma_start3A, %mul3A_2, %dma_start3A_12] : memref<2x2500x128xi32, #tpu.memory_space<hbm>> -> memref<1x78x128xi32, #tpu.memory_space<hbm>>
    %dma_start3A_14 = tpu.memref_squeeze %dma_start3A_13 : memref<1x78x128xi32, #tpu.memory_space<hbm>> -> memref<78x128xi32, #tpu.memory_space<hbm>>
    tpu.enqueue_dma source(%dma_start3A_14 : memref<78x128xi32, #tpu.memory_space<hbm>>) target(%dma_start3A_11 : memref<78x128xi32, #tpu.memory_space<vmem>>) target_semaphore(%arg15 : memref<!tpu.dma_semaphore, #tpu.memory_space<semaphore_mem>>)
    %mul3A_15 = arith.constant 78 : i32
    %mul3A_16 = arith.muli %add3A, %mul3A_15 : i32
    %dma_start3A_17 = arith.constant 1 : i32
    %dma_start3A_18 = arith.constant 0 : i32
    %dma_start3A_19 = arith.constant 0 : i32
    %dma_start3A_20 = tpu.memref_slice %arg6[%dma_start3A_18, %dma_start3A_19] : memref<79x128xi32, #tpu.memory_space<vmem>> -> memref<78x128xi32, #tpu.memory_space<vmem>>
    %dma_start3A_21 = arith.constant 0 : i32
    %dma_start3A_22 = tpu.memref_slice %arg2[%dma_start3A_17, %mul3A_16, %dma_start3A_21] : memref<2x2500x128xi32, #tpu.memory_space<hbm>> -> memref<1x78x128xi32, #tpu.memory_space<hbm>>
    %dma_start3A_23 = tpu.memref_squeeze %dma_start3A_22 : memref<1x78x128xi32, #tpu.memory_space<hbm>> -> memref<78x128xi32, #tpu.memory_space<hbm>>
    %dma_start3A_24 = arith.constant 0 : i32
    %dma_start3A_25 = arith.constant 0 : i32
    %dma_start3A_26 = tpu.memref_slice %arg6[%dma_start3A_24, %dma_start3A_25] : memref<79x128xi32, #tpu.memory_space<vmem>> -> memref<78x128xi32, #tpu.memory_space<vmem>>
    %dma_start3A_27 = arith.constant 0 : i32
    %dma_start3A_28 = tpu.memref_slice %arg2[%dma_start3A_17, %mul3A_16, %dma_start3A_27] : memref<2x2500x128xi32, #tpu.memory_space<hbm>> -> memref<1x78x128xi32, #tpu.memory_space<hbm>>
    %dma_start3A_29 = tpu.memref_squeeze %dma_start3A_28 : memref<1x78x128xi32, #tpu.memory_space<hbm>> -> memref<78x128xi32, #tpu.memory_space<hbm>>
    tpu.enqueue_dma source(%dma_start3A_29 : memref<78x128xi32, #tpu.memory_space<hbm>>) target(%dma_start3A_26 : memref<78x128xi32, #tpu.memory_space<vmem>>) target_semaphore(%arg16 : memref<!tpu.dma_semaphore, #tpu.memory_space<semaphore_mem>>)
    %lt3A = arith.constant 4 : i32
    %lt3A_30 = arith.cmpi slt, %add3A, %lt3A : i32
    %convert_element_type3A = arith.extui %lt3A_30 : i1 to i32
    %cond3A = arith.constant 0 : i32
    %cond3A_31 = arith.cmpi ne, %convert_element_type3A, %cond3A : i32
    scf.if %cond3A_31 {
      %add3A_193 = arith.constant 2496 : i32
      %add3A_194 = arith.addi %add3A_193, %add3A : i32
      %run_scoped3A = arith.constant 0 : i32
      "tpu.region"() ({
        %run_scoped3A_198 = tpu.sem_alloc : memref<!tpu.dma_semaphore, #tpu.memory_space<semaphore_mem>>
        %dma_start3A_199 = arith.constant 78 : i32
        %dma_start3A_200 = arith.constant 0 : i32
        %dma_start3A_201 = tpu.memref_slice %arg5[%dma_start3A_199, %dma_start3A_200] : memref<79x128xi32, #tpu.memory_space<vmem>> -> memref<1x128xi32, #tpu.memory_space<vmem>>
        %dma_start3A_202 = arith.constant 0 : i32
        %dma_start3A_203 = tpu.memref_slice %arg2[%run_scoped3A, %add3A_194, %dma_start3A_202] : memref<2x2500x128xi32, #tpu.memory_space<hbm>> -> memref<1x1x128xi32, #tpu.memory_space<hbm>>
        %dma_start3A_204 = tpu.memref_squeeze %dma_start3A_203 : memref<1x1x128xi32, #tpu.memory_space<hbm>> -> memref<1x128xi32, #tpu.memory_space<hbm>>
        %dma_start3A_205 = arith.constant 78 : i32
        %dma_start3A_206 = arith.constant 0 : i32
        %dma_start3A_207 = tpu.memref_slice %arg5[%dma_start3A_205, %dma_start3A_206] : memref<79x128xi32, #tpu.memory_space<vmem>> -> memref<1x128xi32, #tpu.memory_space<vmem>>
        %dma_start3A_208 = arith.constant 0 : i32
        %dma_start3A_209 = tpu.memref_slice %arg2[%run_scoped3A, %add3A_194, %dma_start3A_208] : memref<2x2500x128xi32, #tpu.memory_space<hbm>> -> memref<1x1x128xi32, #tpu.memory_space<hbm>>
        %dma_start3A_210 = tpu.memref_squeeze %dma_start3A_209 : memref<1x1x128xi32, #tpu.memory_space<hbm>> -> memref<1x128xi32, #tpu.memory_space<hbm>>
        tpu.enqueue_dma source(%dma_start3A_210 : memref<1x128xi32, #tpu.memory_space<hbm>>) target(%dma_start3A_207 : memref<1x128xi32, #tpu.memory_space<vmem>>) target_semaphore(%run_scoped3A_198 : memref<!tpu.dma_semaphore, #tpu.memory_space<semaphore_mem>>)
        %dma_wait3A_211 = arith.constant 78 : i32
        %dma_wait3A_212 = arith.constant 0 : i32
        %dma_wait3A_213 = tpu.memref_slice %arg5[%dma_wait3A_211, %dma_wait3A_212] : memref<79x128xi32, #tpu.memory_space<vmem>> -> memref<1x128xi32, #tpu.memory_space<vmem>>
        %dma_wait3A_214 = arith.constant 0 : i32
        %dma_wait3A_215 = tpu.memref_slice %arg2[%run_scoped3A, %add3A_194, %dma_wait3A_214] : memref<2x2500x128xi32, #tpu.memory_space<hbm>> -> memref<1x1x128xi32, #tpu.memory_space<hbm>>
        %dma_wait3A_216 = tpu.memref_squeeze %dma_wait3A_215 : memref<1x1x128xi32, #tpu.memory_space<hbm>> -> memref<1x128xi32, #tpu.memory_space<hbm>>
        %dma_wait3A_217 = arith.constant 78 : i32
        %dma_wait3A_218 = arith.constant 0 : i32
        %dma_wait3A_219 = tpu.memref_slice %arg5[%dma_wait3A_217, %dma_wait3A_218] : memref<79x128xi32, #tpu.memory_space<vmem>> -> memref<1x128xi32, #tpu.memory_space<vmem>>
        %dma_wait3A_220 = arith.constant 0 : i32
        %dma_wait3A_221 = tpu.memref_slice %arg2[%run_scoped3A, %add3A_194, %dma_wait3A_220] : memref<2x2500x128xi32, #tpu.memory_space<hbm>> -> memref<1x1x128xi32, #tpu.memory_space<hbm>>
        %dma_wait3A_222 = tpu.memref_squeeze %dma_wait3A_221 : memref<1x1x128xi32, #tpu.memory_space<hbm>> -> memref<1x128xi32, #tpu.memory_space<hbm>>
        tpu.wait_dma2 semaphore(%run_scoped3A_198 : memref<!tpu.dma_semaphore, #tpu.memory_space<semaphore_mem>>) src(%dma_wait3A_222 : memref<1x128xi32, #tpu.memory_space<hbm>>) dst(%dma_wait3A_219 : memref<1x128xi32, #tpu.memory_space<vmem>>)
        tpu.yield
      }) : () -> ()
      %add3A_195 = arith.constant 2496 : i32
      %add3A_196 = arith.addi %add3A_195, %add3A : i32
      %run_scoped3A_197 = arith.constant 1 : i32
      "tpu.region"() ({
        %run_scoped3A_198 = tpu.sem_alloc : memref<!tpu.dma_semaphore, #tpu.memory_space<semaphore_mem>>
        %dma_start3A_199 = arith.constant 78 : i32
        %dma_start3A_200 = arith.constant 0 : i32
        %dma_start3A_201 = tpu.memref_slice %arg6[%dma_start3A_199, %dma_start3A_200] : memref<79x128xi32, #tpu.memory_space<vmem>> -> memref<1x128xi32, #tpu.memory_space<vmem>>
        %dma_start3A_202 = arith.constant 0 : i32
        %dma_start3A_203 = tpu.memref_slice %arg2[%run_scoped3A_197, %add3A_196, %dma_start3A_202] : memref<2x2500x128xi32, #tpu.memory_space<hbm>> -> memref<1x1x128xi32, #tpu.memory_space<hbm>>
        %dma_start3A_204 = tpu.memref_squeeze %dma_start3A_203 : memref<1x1x128xi32, #tpu.memory_space<hbm>> -> memref<1x128xi32, #tpu.memory_space<hbm>>
        %dma_start3A_205 = arith.constant 78 : i32
        %dma_start3A_206 = arith.constant 0 : i32
        %dma_start3A_207 = tpu.memref_slice %arg6[%dma_start3A_205, %dma_start3A_206] : memref<79x128xi32, #tpu.memory_space<vmem>> -> memref<1x128xi32, #tpu.memory_space<vmem>>
        %dma_start3A_208 = arith.constant 0 : i32
        %dma_start3A_209 = tpu.memref_slice %arg2[%run_scoped3A_197, %add3A_196, %dma_start3A_208] : memref<2x2500x128xi32, #tpu.memory_space<hbm>> -> memref<1x1x128xi32, #tpu.memory_space<hbm>>
        %dma_start3A_210 = tpu.memref_squeeze %dma_start3A_209 : memref<1x1x128xi32, #tpu.memory_space<hbm>> -> memref<1x128xi32, #tpu.memory_space<hbm>>
        tpu.enqueue_dma source(%dma_start3A_210 : memref<1x128xi32, #tpu.memory_space<hbm>>) target(%dma_start3A_207 : memref<1x128xi32, #tpu.memory_space<vmem>>) target_semaphore(%run_scoped3A_198 : memref<!tpu.dma_semaphore, #tpu.memory_space<semaphore_mem>>)
        %dma_wait3A_211 = arith.constant 78 : i32
        %dma_wait3A_212 = arith.constant 0 : i32
        %dma_wait3A_213 = tpu.memref_slice %arg6[%dma_wait3A_211, %dma_wait3A_212] : memref<79x128xi32, #tpu.memory_space<vmem>> -> memref<1x128xi32, #tpu.memory_space<vmem>>
        %dma_wait3A_214 = arith.constant 0 : i32
        %dma_wait3A_215 = tpu.memref_slice %arg2[%run_scoped3A_197, %add3A_196, %dma_wait3A_214] : memref<2x2500x128xi32, #tpu.memory_space<hbm>> -> memref<1x1x128xi32, #tpu.memory_space<hbm>>
        %dma_wait3A_216 = tpu.memref_squeeze %dma_wait3A_215 : memref<1x1x128xi32, #tpu.memory_space<hbm>> -> memref<1x128xi32, #tpu.memory_space<hbm>>
        %dma_wait3A_217 = arith.constant 78 : i32
        %dma_wait3A_218 = arith.constant 0 : i32
        %dma_wait3A_219 = tpu.memref_slice %arg6[%dma_wait3A_217, %dma_wait3A_218] : memref<79x128xi32, #tpu.memory_space<vmem>> -> memref<1x128xi32, #tpu.memory_space<vmem>>
        %dma_wait3A_220 = arith.constant 0 : i32
        %dma_wait3A_221 = tpu.memref_slice %arg2[%run_scoped3A_197, %add3A_196, %dma_wait3A_220] : memref<2x2500x128xi32, #tpu.memory_space<hbm>> -> memref<1x1x128xi32, #tpu.memory_space<hbm>>
        %dma_wait3A_222 = tpu.memref_squeeze %dma_wait3A_221 : memref<1x1x128xi32, #tpu.memory_space<hbm>> -> memref<1x128xi32, #tpu.memory_space<hbm>>
        tpu.wait_dma2 semaphore(%run_scoped3A_198 : memref<!tpu.dma_semaphore, #tpu.memory_space<semaphore_mem>>) src(%dma_wait3A_222 : memref<1x128xi32, #tpu.memory_space<hbm>>) dst(%dma_wait3A_219 : memref<1x128xi32, #tpu.memory_space<vmem>>)
        tpu.yield
      }) : () -> ()
    } else {
    }
    %scan3A = arith.constant 0 : i32
    %scan3A_32 = arith.constant 0 : i32
    %scan3A_33 = arith.constant 125 : i32
    %scan3A_34 = arith.addi %scan3A_32, %scan3A_33 : i32
    %scan3A_35 = arith.constant 1 : i32
    %scan3A_36 = scf.for %scan3A_193 = %scan3A_32 to %scan3A_34 step %scan3A_35 iter_args(%scan3A_194 = %scan3A) -> (i32)  : i32 {
      %broadcast_in_dim3A = arith.constant 0.000000e+00 : f32
      %broadcast_in_dim3A_195 = vector.broadcast %broadcast_in_dim3A : f32 to vector<16xf32>
      %swap3A = arith.index_cast %scan3A_193 : i32 to index
      %swap3A_196 = arith.constant 0 : index
      %swap3A_197 = tpu.vector_load %arg13[%swap3A, %swap3A_196] {strides = array<i32>} : memref<125x64xf32, #tpu.memory_space<vmem>>, vector<16xf32>,
      tpu.vector_store %arg13[%swap3A, %swap3A_196], %broadcast_in_dim3A_195 {strides = array<i32>} : memref<125x64xf32, #tpu.memory_space<vmem>>, vector<16xf32>,
      %broadcast_in_dim3A_198 = arith.constant 0.000000e+00 : f32
      %broadcast_in_dim3A_199 = vector.broadcast %broadcast_in_dim3A_198 : f32 to vector<16xf32>
      %swap3A_200 = arith.index_cast %scan3A_193 : i32 to index
      %swap3A_201 = arith.constant 16 : index
      %swap3A_202 = tpu.vector_load %arg13[%swap3A_200, %swap3A_201] {strides = array<i32>} : memref<125x64xf32, #tpu.memory_space<vmem>>, vector<16xf32>,
      tpu.vector_store %arg13[%swap3A_200, %swap3A_201], %broadcast_in_dim3A_199 {strides = array<i32>} : memref<125x64xf32, #tpu.memory_space<vmem>>, vector<16xf32>,
      %broadcast_in_dim3A_203 = arith.constant 0.000000e+00 : f32
      %broadcast_in_dim3A_204 = vector.broadcast %broadcast_in_dim3A_203 : f32 to vector<16xf32>
      %swap3A_205 = arith.index_cast %scan3A_193 : i32 to index
      %swap3A_206 = arith.constant 32 : index
      %swap3A_207 = tpu.vector_load %arg13[%swap3A_205, %swap3A_206] {strides = array<i32>} : memref<125x64xf32, #tpu.memory_space<vmem>>, vector<16xf32>,
      tpu.vector_store %arg13[%swap3A_205, %swap3A_206], %broadcast_in_dim3A_204 {strides = array<i32>} : memref<125x64xf32, #tpu.memory_space<vmem>>, vector<16xf32>,
      %broadcast_in_dim3A_208 = arith.constant 0.000000e+00 : f32
      %broadcast_in_dim3A_209 = vector.broadcast %broadcast_in_dim3A_208 : f32 to vector<16xf32>
      %swap3A_210 = arith.index_cast %scan3A_193 : i32 to index
      %swap3A_211 = arith.constant 48 : index
      %swap3A_212 = tpu.vector_load %arg13[%swap3A_210, %swap3A_211] {strides = array<i32>} : memref<125x64xf32, #tpu.memory_space<vmem>>, vector<16xf32>,
      tpu.vector_store %arg13[%swap3A_210, %swap3A_211], %broadcast_in_dim3A_209 {strides = array<i32>} : memref<125x64xf32, #tpu.memory_space<vmem>>, vector<16xf32>,
      %scan3A_213 = arith.constant 0 : i32
      scf.yield %scan3A_213 : i32
    }
    %scan3A_37 = arith.constant 125 : i32
    %mul3A_38 = arith.constant 625 : i32
    %mul3A_39 = arith.muli %arg1, %mul3A_38 : i32
    %add3A_40 = arith.constant 0 : i32
    %add3A_41 = arith.addi %mul3A_39, %add3A_40 : i32
    "tpu.region"() ({
      %run_scoped3A = tpu.sem_alloc : memref<!tpu.dma_semaphore, #tpu.memory_space<semaphore_mem>>
      %dma_start3A_193 = arith.constant 0 : i32
      %dma_start3A_194 = tpu.memref_slice %arg14[%add3A_41, %dma_start3A_193] : memref<10000x64xf32, #tpu.memory_space<vmem_shared>> -> memref<125x64xf32, #tpu.memory_space<vmem_shared>>
      %dma_start3A_195 = arith.constant 0 : i32
      %dma_start3A_196 = tpu.memref_slice %arg14[%add3A_41, %dma_start3A_195] : memref<10000x64xf32, #tpu.memory_space<vmem_shared>> -> memref<125x64xf32, #tpu.memory_space<vmem_shared>>
      tpu.enqueue_dma source(%arg13 : memref<125x64xf32, #tpu.memory_space<vmem>>) target(%dma_start3A_196 : memref<125x64xf32, #tpu.memory_space<vmem_shared>>) target_semaphore(%run_scoped3A : memref<!tpu.dma_semaphore, #tpu.memory_space<semaphore_mem>>)
      %dma_wait3A_197 = arith.constant 0 : i32
      %dma_wait3A_198 = tpu.memref_slice %arg14[%add3A_41, %dma_wait3A_197] : memref<10000x64xf32, #tpu.memory_space<vmem_shared>> -> memref<125x64xf32, #tpu.memory_space<vmem_shared>>
      %dma_wait3A_199 = arith.constant 0 : i32
      %dma_wait3A_200 = tpu.memref_slice %arg14[%add3A_41, %dma_wait3A_199] : memref<10000x64xf32, #tpu.memory_space<vmem_shared>> -> memref<125x64xf32, #tpu.memory_space<vmem_shared>>
      tpu.wait_dma2 semaphore(%run_scoped3A : memref<!tpu.dma_semaphore, #tpu.memory_space<semaphore_mem>>) src(%arg13 : memref<125x64xf32, #tpu.memory_space<vmem>>) dst(%dma_wait3A_200 : memref<125x64xf32, #tpu.memory_space<vmem_shared>>)
      tpu.yield
    }) : () -> ()
    %mul3A_42 = arith.constant 625 : i32
    %mul3A_43 = arith.muli %arg1, %mul3A_42 : i32
    %add3A_44 = arith.constant 125 : i32
    %add3A_45 = arith.addi %mul3A_43, %add3A_44 : i32
    "tpu.region"() ({
      %run_scoped3A = tpu.sem_alloc : memref<!tpu.dma_semaphore, #tpu.memory_space<semaphore_mem>>
      %dma_start3A_193 = arith.constant 0 : i32
      %dma_start3A_194 = tpu.memref_slice %arg14[%add3A_45, %dma_start3A_193] : memref<10000x64xf32, #tpu.memory_space<vmem_shared>> -> memref<125x64xf32, #tpu.memory_space<vmem_shared>>
      %dma_start3A_195 = arith.constant 0 : i32
      %dma_start3A_196 = tpu.memref_slice %arg14[%add3A_45, %dma_start3A_195] : memref<10000x64xf32, #tpu.memory_space<vmem_shared>> -> memref<125x64xf32, #tpu.memory_space<vmem_shared>>
      tpu.enqueue_dma source(%arg13 : memref<125x64xf32, #tpu.memory_space<vmem>>) target(%dma_start3A_196 : memref<125x64xf32, #tpu.memory_space<vmem_shared>>) target_semaphore(%run_scoped3A : memref<!tpu.dma_semaphore, #tpu.memory_space<semaphore_mem>>)
      %dma_wait3A_197 = arith.constant 0 : i32
      %dma_wait3A_198 = tpu.memref_slice %arg14[%add3A_45, %dma_wait3A_197] : memref<10000x64xf32, #tpu.memory_space<vmem_shared>> -> memref<125x64xf32, #tpu.memory_space<vmem_shared>>
      %dma_wait3A_199 = arith.constant 0 : i32
      %dma_wait3A_200 = tpu.memref_slice %arg14[%add3A_45, %dma_wait3A_199] : memref<10000x64xf32, #tpu.memory_space<vmem_shared>> -> memref<125x64xf32, #tpu.memory_space<vmem_shared>>
      tpu.wait_dma2 semaphore(%run_scoped3A : memref<!tpu.dma_semaphore, #tpu.memory_space<semaphore_mem>>) src(%arg13 : memref<125x64xf32, #tpu.memory_space<vmem>>) dst(%dma_wait3A_200 : memref<125x64xf32, #tpu.memory_space<vmem_shared>>)
      tpu.yield
    }) : () -> ()
    %mul3A_46 = arith.constant 625 : i32
    %mul3A_47 = arith.muli %arg1, %mul3A_46 : i32
    %add3A_48 = arith.constant 250 : i32
    %add3A_49 = arith.addi %mul3A_47, %add3A_48 : i32
    "tpu.region"() ({
      %run_scoped3A = tpu.sem_alloc : memref<!tpu.dma_semaphore, #tpu.memory_space<semaphore_mem>>
      %dma_start3A_193 = arith.constant 0 : i32
      %dma_start3A_194 = tpu.memref_slice %arg14[%add3A_49, %dma_start3A_193] : memref<10000x64xf32, #tpu.memory_space<vmem_shared>> -> memref<125x64xf32, #tpu.memory_space<vmem_shared>>
      %dma_start3A_195 = arith.constant 0 : i32
      %dma_start3A_196 = tpu.memref_slice %arg14[%add3A_49, %dma_start3A_195] : memref<10000x64xf32, #tpu.memory_space<vmem_shared>> -> memref<125x64xf32, #tpu.memory_space<vmem_shared>>
      tpu.enqueue_dma source(%arg13 : memref<125x64xf32, #tpu.memory_space<vmem>>) target(%dma_start3A_196 : memref<125x64xf32, #tpu.memory_space<vmem_shared>>) target_semaphore(%run_scoped3A : memref<!tpu.dma_semaphore, #tpu.memory_space<semaphore_mem>>)
      %dma_wait3A_197 = arith.constant 0 : i32
      %dma_wait3A_198 = tpu.memref_slice %arg14[%add3A_49, %dma_wait3A_197] : memref<10000x64xf32, #tpu.memory_space<vmem_shared>> -> memref<125x64xf32, #tpu.memory_space<vmem_shared>>
      %dma_wait3A_199 = arith.constant 0 : i32
      %dma_wait3A_200 = tpu.memref_slice %arg14[%add3A_49, %dma_wait3A_199] : memref<10000x64xf32, #tpu.memory_space<vmem_shared>> -> memref<125x64xf32, #tpu.memory_space<vmem_shared>>
      tpu.wait_dma2 semaphore(%run_scoped3A : memref<!tpu.dma_semaphore, #tpu.memory_space<semaphore_mem>>) src(%arg13 : memref<125x64xf32, #tpu.memory_space<vmem>>) dst(%dma_wait3A_200 : memref<125x64xf32, #tpu.memory_space<vmem_shared>>)
      tpu.yield
    }) : () -> ()
    %mul3A_50 = arith.constant 625 : i32
    %mul3A_51 = arith.muli %arg1, %mul3A_50 : i32
    %add3A_52 = arith.constant 375 : i32
    %add3A_53 = arith.addi %mul3A_51, %add3A_52 : i32
    "tpu.region"() ({
      %run_scoped3A = tpu.sem_alloc : memref<!tpu.dma_semaphore, #tpu.memory_space<semaphore_mem>>
      %dma_start3A_193 = arith.constant 0 : i32
      %dma_start3A_194 = tpu.memref_slice %arg14[%add3A_53, %dma_start3A_193] : memref<10000x64xf32, #tpu.memory_space<vmem_shared>> -> memref<125x64xf32, #tpu.memory_space<vmem_shared>>
      %dma_start3A_195 = arith.constant 0 : i32
      %dma_start3A_196 = tpu.memref_slice %arg14[%add3A_53, %dma_start3A_195] : memref<10000x64xf32, #tpu.memory_space<vmem_shared>> -> memref<125x64xf32, #tpu.memory_space<vmem_shared>>
      tpu.enqueue_dma source(%arg13 : memref<125x64xf32, #tpu.memory_space<vmem>>) target(%dma_start3A_196 : memref<125x64xf32, #tpu.memory_space<vmem_shared>>) target_semaphore(%run_scoped3A : memref<!tpu.dma_semaphore, #tpu.memory_space<semaphore_mem>>)
      %dma_wait3A_197 = arith.constant 0 : i32
      %dma_wait3A_198 = tpu.memref_slice %arg14[%add3A_53, %dma_wait3A_197] : memref<10000x64xf32, #tpu.memory_space<vmem_shared>> -> memref<125x64xf32, #tpu.memory_space<vmem_shared>>
      %dma_wait3A_199 = arith.constant 0 : i32
      %dma_wait3A_200 = tpu.memref_slice %arg14[%add3A_53, %dma_wait3A_199] : memref<10000x64xf32, #tpu.memory_space<vmem_shared>> -> memref<125x64xf32, #tpu.memory_space<vmem_shared>>
      tpu.wait_dma2 semaphore(%run_scoped3A : memref<!tpu.dma_semaphore, #tpu.memory_space<semaphore_mem>>) src(%arg13 : memref<125x64xf32, #tpu.memory_space<vmem>>) dst(%dma_wait3A_200 : memref<125x64xf32, #tpu.memory_space<vmem_shared>>)
      tpu.yield
    }) : () -> ()
    %mul3A_54 = arith.constant 625 : i32
    %mul3A_55 = arith.muli %arg1, %mul3A_54 : i32
    %add3A_56 = arith.constant 500 : i32
    %add3A_57 = arith.addi %mul3A_55, %add3A_56 : i32
    "tpu.region"() ({
      %run_scoped3A = tpu.sem_alloc : memref<!tpu.dma_semaphore, #tpu.memory_space<semaphore_mem>>
      %dma_start3A_193 = arith.constant 0 : i32
      %dma_start3A_194 = tpu.memref_slice %arg14[%add3A_57, %dma_start3A_193] : memref<10000x64xf32, #tpu.memory_space<vmem_shared>> -> memref<125x64xf32, #tpu.memory_space<vmem_shared>>
      %dma_start3A_195 = arith.constant 0 : i32
      %dma_start3A_196 = tpu.memref_slice %arg14[%add3A_57, %dma_start3A_195] : memref<10000x64xf32, #tpu.memory_space<vmem_shared>> -> memref<125x64xf32, #tpu.memory_space<vmem_shared>>
      tpu.enqueue_dma source(%arg13 : memref<125x64xf32, #tpu.memory_space<vmem>>) target(%dma_start3A_196 : memref<125x64xf32, #tpu.memory_space<vmem_shared>>) target_semaphore(%run_scoped3A : memref<!tpu.dma_semaphore, #tpu.memory_space<semaphore_mem>>)
      %dma_wait3A_197 = arith.constant 0 : i32
      %dma_wait3A_198 = tpu.memref_slice %arg14[%add3A_57, %dma_wait3A_197] : memref<10000x64xf32, #tpu.memory_space<vmem_shared>> -> memref<125x64xf32, #tpu.memory_space<vmem_shared>>
      %dma_wait3A_199 = arith.constant 0 : i32
      %dma_wait3A_200 = tpu.memref_slice %arg14[%add3A_57, %dma_wait3A_199] : memref<10000x64xf32, #tpu.memory_space<vmem_shared>> -> memref<125x64xf32, #tpu.memory_space<vmem_shared>>
      tpu.wait_dma2 semaphore(%run_scoped3A : memref<!tpu.dma_semaphore, #tpu.memory_space<semaphore_mem>>) src(%arg13 : memref<125x64xf32, #tpu.memory_space<vmem>>) dst(%dma_wait3A_200 : memref<125x64xf32, #tpu.memory_space<vmem_shared>>)
      tpu.yield
    }) : () -> ()
    %dma_wait3A = arith.constant 0 : i32
    %dma_wait3A_58 = arith.constant 0 : i32
    %dma_wait3A_59 = arith.constant 0 : i32
    %dma_wait3A_60 = tpu.memref_slice %arg5[%dma_wait3A_58, %dma_wait3A_59] : memref<79x128xi32, #tpu.memory_space<vmem>> -> memref<78x128xi32, #tpu.memory_space<vmem>>
    %dma_wait3A_61 = arith.constant 0 : i32
    %dma_wait3A_62 = tpu.memref_slice %arg2[%dma_wait3A, %mul3A_2, %dma_wait3A_61] : memref<2x2500x128xi32, #tpu.memory_space<hbm>> -> memref<1x78x128xi32, #tpu.memory_space<hbm>>
    %dma_wait3A_63 = tpu.memref_squeeze %dma_wait3A_62 : memref<1x78x128xi32, #tpu.memory_space<hbm>> -> memref<78x128xi32, #tpu.memory_space<hbm>>
    %dma_wait3A_64 = arith.constant 0 : i32
    %dma_wait3A_65 = arith.constant 0 : i32
    %dma_wait3A_66 = tpu.memref_slice %arg5[%dma_wait3A_64, %dma_wait3A_65] : memref<79x128xi32, #tpu.memory_space<vmem>> -> memref<78x128xi32, #tpu.memory_space<vmem>>
    %dma_wait3A_67 = arith.constant 0 : i32
    %dma_wait3A_68 = tpu.memref_slice %arg2[%dma_wait3A, %mul3A_2, %dma_wait3A_67] : memref<2x2500x128xi32, #tpu.memory_space<hbm>> -> memref<1x78x128xi32, #tpu.memory_space<hbm>>
    %dma_wait3A_69 = tpu.memref_squeeze %dma_wait3A_68 : memref<1x78x128xi32, #tpu.memory_space<hbm>> -> memref<78x128xi32, #tpu.memory_space<hbm>>
    tpu.wait_dma2 semaphore(%arg15 : memref<!tpu.dma_semaphore, #tpu.memory_space<semaphore_mem>>) src(%dma_wait3A_69 : memref<78x128xi32, #tpu.memory_space<hbm>>) dst(%dma_wait3A_66 : memref<78x128xi32, #tpu.memory_space<vmem>>)
    %dma_wait3A_70 = arith.constant 1 : i32
    %dma_wait3A_71 = arith.constant 0 : i32
    %dma_wait3A_72 = arith.constant 0 : i32
    %dma_wait3A_73 = tpu.memref_slice %arg6[%dma_wait3A_71, %dma_wait3A_72] : memref<79x128xi32, #tpu.memory_space<vmem>> -> memref<78x128xi32, #tpu.memory_space<vmem>>
    %dma_wait3A_74 = arith.constant 0 : i32
    %dma_wait3A_75 = tpu.memref_slice %arg2[%dma_wait3A_70, %mul3A_16, %dma_wait3A_74] : memref<2x2500x128xi32, #tpu.memory_space<hbm>> -> memref<1x78x128xi32, #tpu.memory_space<hbm>>
    %dma_wait3A_76 = tpu.memref_squeeze %dma_wait3A_75 : memref<1x78x128xi32, #tpu.memory_space<hbm>> -> memref<78x128xi32, #tpu.memory_space<hbm>>
    %dma_wait3A_77 = arith.constant 0 : i32
    %dma_wait3A_78 = arith.constant 0 : i32
    %dma_wait3A_79 = tpu.memref_slice %arg6[%dma_wait3A_77, %dma_wait3A_78] : memref<79x128xi32, #tpu.memory_space<vmem>> -> memref<78x128xi32, #tpu.memory_space<vmem>>
    %dma_wait3A_80 = arith.constant 0 : i32
    %dma_wait3A_81 = tpu.memref_slice %arg2[%dma_wait3A_70, %mul3A_16, %dma_wait3A_80] : memref<2x2500x128xi32, #tpu.memory_space<hbm>> -> memref<1x78x128xi32, #tpu.memory_space<hbm>>
    %dma_wait3A_82 = tpu.memref_squeeze %dma_wait3A_81 : memref<1x78x128xi32, #tpu.memory_space<hbm>> -> memref<78x128xi32, #tpu.memory_space<hbm>>
    tpu.wait_dma2 semaphore(%arg16 : memref<!tpu.dma_semaphore, #tpu.memory_space<semaphore_mem>>) src(%dma_wait3A_82 : memref<78x128xi32, #tpu.memory_space<hbm>>) dst(%dma_wait3A_79 : memref<78x128xi32, #tpu.memory_space<vmem>>)
    %scan3A_83 = arith.constant 0 : i32
    %scan3A_84 = arith.constant 0 : i32
    %scan3A_85 = arith.constant 79 : i32
    %scan3A_86 = arith.addi %scan3A_84, %scan3A_85 : i32
    %scan3A_87 = arith.constant 1 : i32
    %scan3A_88 = scf.for %scan3A_193 = %scan3A_84 to %scan3A_86 step %scan3A_87 iter_args(%scan3A_194 = %scan3A_83) -> (i32)  : i32 {
      %get3A = arith.index_cast %scan3A_193 : i32 to index
      %get3A_195 = arith.constant 0 : index
      %get3A_196 = tpu.vector_load %arg5[%get3A, %get3A_195] {strides = array<i32>} : memref<79x128xi32, #tpu.memory_space<vmem>>, vector<16xi32>,
      %add3A_197 = arith.addi %get3A_196, %get3A_196 : vector<16xi32>
      %swap3A = arith.index_cast %scan3A_193 : i32 to index
      %swap3A_198 = arith.constant 0 : index
      %swap3A_199 = tpu.vector_load %arg5[%swap3A, %swap3A_198] {strides = array<i32>} : memref<79x128xi32, #tpu.memory_space<vmem>>, vector<16xi32>,
      tpu.vector_store %arg5[%swap3A, %swap3A_198], %add3A_197 {strides = array<i32>} : memref<79x128xi32, #tpu.memory_space<vmem>>, vector<16xi32>,
      %get3A_200 = arith.index_cast %scan3A_193 : i32 to index
      %get3A_201 = arith.constant 16 : index
      %get3A_202 = tpu.vector_load %arg5[%get3A_200, %get3A_201] {strides = array<i32>} : memref<79x128xi32, #tpu.memory_space<vmem>>, vector<16xi32>,
      %add3A_203 = arith.addi %get3A_202, %get3A_202 : vector<16xi32>
      %swap3A_204 = arith.index_cast %scan3A_193 : i32 to index
      %swap3A_205 = arith.constant 16 : index
      %swap3A_206 = tpu.vector_load %arg5[%swap3A_204, %swap3A_205] {strides = array<i32>} : memref<79x128xi32, #tpu.memory_space<vmem>>, vector<16xi32>,
      tpu.vector_store %arg5[%swap3A_204, %swap3A_205], %add3A_203 {strides = array<i32>} : memref<79x128xi32, #tpu.memory_space<vmem>>, vector<16xi32>,
      %get3A_207 = arith.index_cast %scan3A_193 : i32 to index
      %get3A_208 = arith.constant 32 : index
      %get3A_209 = tpu.vector_load %arg5[%get3A_207, %get3A_208] {strides = array<i32>} : memref<79x128xi32, #tpu.memory_space<vmem>>, vector<16xi32>,
      %add3A_210 = arith.addi %get3A_209, %get3A_209 : vector<16xi32>
      %swap3A_211 = arith.index_cast %scan3A_193 : i32 to index
      %swap3A_212 = arith.constant 32 : index
      %swap3A_213 = tpu.vector_load %arg5[%swap3A_211, %swap3A_212] {strides = array<i32>} : memref<79x128xi32, #tpu.memory_space<vmem>>, vector<16xi32>,
      tpu.vector_store %arg5[%swap3A_211, %swap3A_212], %add3A_210 {strides = array<i32>} : memref<79x128xi32, #tpu.memory_space<vmem>>, vector<16xi32>,
      %get3A_214 = arith.index_cast %scan3A_193 : i32 to index
      %get3A_215 = arith.constant 48 : index
      %get3A_216 = tpu.vector_load %arg5[%get3A_214, %get3A_215] {strides = array<i32>} : memref<79x128xi32, #tpu.memory_space<vmem>>, vector<16xi32>,
      %add3A_217 = arith.addi %get3A_216, %get3A_216 : vector<16xi32>
      %swap3A_218 = arith.index_cast %scan3A_193 : i32 to index
      %swap3A_219 = arith.constant 48 : index
      %swap3A_220 = tpu.vector_load %arg5[%swap3A_218, %swap3A_219] {strides = array<i32>} : memref<79x128xi32, #tpu.memory_space<vmem>>, vector<16xi32>,
      tpu.vector_store %arg5[%swap3A_218, %swap3A_219], %add3A_217 {strides = array<i32>} : memref<79x128xi32, #tpu.memory_space<vmem>>, vector<16xi32>,
      %get3A_221 = arith.index_cast %scan3A_193 : i32 to index
      %get3A_222 = arith.constant 64 : index
      %get3A_223 = tpu.vector_load %arg5[%get3A_221, %get3A_222] {strides = array<i32>} : memref<79x128xi32, #tpu.memory_space<vmem>>, vector<16xi32>,
      %add3A_224 = arith.addi %get3A_223, %get3A_223 : vector<16xi32>
      %swap3A_225 = arith.index_cast %scan3A_193 : i32 to index
      %swap3A_226 = arith.constant 64 : index
      %swap3A_227 = tpu.vector_load %arg5[%swap3A_225, %swap3A_226] {strides = array<i32>} : memref<79x128xi32, #tpu.memory_space<vmem>>, vector<16xi32>,
      tpu.vector_store %arg5[%swap3A_225, %swap3A_226], %add3A_224 {strides = array<i32>} : memref<79x128xi32, #tpu.memory_space<vmem>>, vector<16xi32>,
      %get3A_228 = arith.index_cast %scan3A_193 : i32 to index
      %get3A_229 = arith.constant 80 : index
      %get3A_230 = tpu.vector_load %arg5[%get3A_228, %get3A_229] {strides = array<i32>} : memref<79x128xi32, #tpu.memory_space<vmem>>, vector<16xi32>,
      %add3A_231 = arith.addi %get3A_230, %get3A_230 : vector<16xi32>
      %swap3A_232 = arith.index_cast %scan3A_193 : i32 to index
      %swap3A_233 = arith.constant 80 : index
      %swap3A_234 = tpu.vector_load %arg5[%swap3A_232, %swap3A_233] {strides = array<i32>} : memref<79x128xi32, #tpu.memory_space<vmem>>, vector<16xi32>,
      tpu.vector_store %arg5[%swap3A_232, %swap3A_233], %add3A_231 {strides = array<i32>} : memref<79x128xi32, #tpu.memory_space<vmem>>, vector<16xi32>,
      %get3A_235 = arith.index_cast %scan3A_193 : i32 to index
      %get3A_236 = arith.constant 96 : index
      %get3A_237 = tpu.vector_load %arg5[%get3A_235, %get3A_236] {strides = array<i32>} : memref<79x128xi32, #tpu.memory_space<vmem>>, vector<16xi32>,
      %add3A_238 = arith.addi %get3A_237, %get3A_237 : vector<16xi32>
      %swap3A_239 = arith.index_cast %scan3A_193 : i32 to index
      %swap3A_240 = arith.constant 96 : index
      %swap3A_241 = tpu.vector_load %arg5[%swap3A_239, %swap3A_240] {strides = array<i32>} : memref<79x128xi32, #tpu.memory_space<vmem>>, vector<16xi32>,
      tpu.vector_store %arg5[%swap3A_239, %swap3A_240], %add3A_238 {strides = array<i32>} : memref<79x128xi32, #tpu.memory_space<vmem>>, vector<16xi32>,
      %get3A_242 = arith.index_cast %scan3A_193 : i32 to index
      %get3A_243 = arith.constant 112 : index
      %get3A_244 = tpu.vector_load %arg5[%get3A_242, %get3A_243] {strides = array<i32>} : memref<79x128xi32, #tpu.memory_space<vmem>>, vector<16xi32>,
      %add3A_245 = arith.addi %get3A_244, %get3A_244 : vector<16xi32>
      %swap3A_246 = arith.index_cast %scan3A_193 : i32 to index
      %swap3A_247 = arith.constant 112 : index
      %swap3A_248 = tpu.vector_load %arg5[%swap3A_246, %swap3A_247] {strides = array<i32>} : memref<79x128xi32, #tpu.memory_space<vmem>>, vector<16xi32>,
      tpu.vector_store %arg5[%swap3A_246, %swap3A_247], %add3A_245 {strides = array<i32>} : memref<79x128xi32, #tpu.memory_space<vmem>>, vector<16xi32>,
      %scan3A_249 = arith.constant 0 : i32
      scf.yield %scan3A_249 : i32
    }
    %scan3A_89 = arith.constant 79 : i32
    %barrier3A = arith.constant 0 : index
    tpu.barrier barrier_id(%barrier3A)
    %dma_start3A_90 = arith.constant 0 : i32
    %dma_start3A_91 = arith.constant 0 : i32
    %dma_start3A_92 = tpu.memref_slice %arg5[%dma_start3A_90, %dma_start3A_91] : memref<79x128xi32, #tpu.memory_space<vmem>> -> memref<1x128xi32, #tpu.memory_space<vmem>>
    %dma_start3A_93 = tpu.memref_squeeze %dma_start3A_92 : memref<1x128xi32, #tpu.memory_space<vmem>> -> memref<128xi32, #tpu.memory_space<vmem>>
    %dma_start3A_94 = arith.constant 0 : i32
    %dma_start3A_95 = arith.constant 0 : i32
    %dma_start3A_96 = tpu.memref_slice %arg3[%dma_start3A_94, %dma_start3A_95] : memref<20000x64xf32, #tpu.memory_space<hbm>> -> memref<20000x64xf32, #tpu.memory_space<hbm>>
    tpu.enqueue_indirect_dma source(%dma_start3A_96 : memref<20000x64xf32, #tpu.memory_space<hbm>>) target(%arg7 : memref<128x64xf32, #tpu.memory_space<vmem>>) offsets(%dma_start3A_93 : memref<128xi32, #tpu.memory_space<vmem>>) semaphore(%arg15 : memref<!tpu.dma_semaphore, #tpu.memory_space<semaphore_mem>>)
    %dma_start3A_97 = arith.constant 1 : i32
    %dma_start3A_98 = arith.constant 0 : i32
    %dma_start3A_99 = tpu.memref_slice %arg5[%dma_start3A_97, %dma_start3A_98] : memref<79x128xi32, #tpu.memory_space<vmem>> -> memref<1x128xi32, #tpu.memory_space<vmem>>
    %dma_start3A_100 = tpu.memref_squeeze %dma_start3A_99 : memref<1x128xi32, #tpu.memory_space<vmem>> -> memref<128xi32, #tpu.memory_space<vmem>>
    %dma_start3A_101 = arith.constant 0 : i32
    %dma_start3A_102 = arith.constant 0 : i32
    %dma_start3A_103 = tpu.memref_slice %arg3[%dma_start3A_101, %dma_start3A_102] : memref<20000x64xf32, #tpu.memory_space<hbm>> -> memref<20000x64xf32, #tpu.memory_space<hbm>>
    tpu.enqueue_indirect_dma source(%dma_start3A_103 : memref<20000x64xf32, #tpu.memory_space<hbm>>) target(%arg8 : memref<128x64xf32, #tpu.memory_space<vmem>>) offsets(%dma_start3A_100 : memref<128xi32, #tpu.memory_space<vmem>>) semaphore(%arg16 : memref<!tpu.dma_semaphore, #tpu.memory_space<semaphore_mem>>)
    %dma_start3A_104 = arith.constant 2 : i32
    %dma_start3A_105 = arith.constant 0 : i32
    %dma_start3A_106 = tpu.memref_slice %arg5[%dma_start3A_104, %dma_start3A_105] : memref<79x128xi32, #tpu.memory_space<vmem>> -> memref<1x128xi32, #tpu.memory_space<vmem>>
    %dma_start3A_107 = tpu.memref_squeeze %dma_start3A_106 : memref<1x128xi32, #tpu.memory_space<vmem>> -> memref<128xi32, #tpu.memory_space<vmem>>
    %dma_start3A_108 = arith.constant 0 : i32
    %dma_start3A_109 = arith.constant 0 : i32
    %dma_start3A_110 = tpu.memref_slice %arg3[%dma_start3A_108, %dma_start3A_109] : memref<20000x64xf32, #tpu.memory_space<hbm>> -> memref<20000x64xf32, #tpu.memory_space<hbm>>
    tpu.enqueue_indirect_dma source(%dma_start3A_110 : memref<20000x64xf32, #tpu.memory_space<hbm>>) target(%arg9 : memref<128x64xf32, #tpu.memory_space<vmem>>) offsets(%dma_start3A_107 : memref<128xi32, #tpu.memory_space<vmem>>) semaphore(%arg17 : memref<!tpu.dma_semaphore, #tpu.memory_space<semaphore_mem>>)
    %dma_start3A_111 = arith.constant 3 : i32
    %dma_start3A_112 = arith.constant 0 : i32
    %dma_start3A_113 = tpu.memref_slice %arg5[%dma_start3A_111, %dma_start3A_112] : memref<79x128xi32, #tpu.memory_space<vmem>> -> memref<1x128xi32, #tpu.memory_space<vmem>>
    %dma_start3A_114 = tpu.memref_squeeze %dma_start3A_113 : memref<1x128xi32, #tpu.memory_space<vmem>> -> memref<128xi32, #tpu.memory_space<vmem>>
    %dma_start3A_115 = arith.constant 0 : i32
    %dma_start3A_116 = arith.constant 0 : i32
    %dma_start3A_117 = tpu.memref_slice %arg3[%dma_start3A_115, %dma_start3A_116] : memref<20000x64xf32, #tpu.memory_space<hbm>> -> memref<20000x64xf32, #tpu.memory_space<hbm>>
    tpu.enqueue_indirect_dma source(%dma_start3A_117 : memref<20000x64xf32, #tpu.memory_space<hbm>>) target(%arg10 : memref<128x64xf32, #tpu.memory_space<vmem>>) offsets(%dma_start3A_114 : memref<128xi32, #tpu.memory_space<vmem>>) semaphore(%arg18 : memref<!tpu.dma_semaphore, #tpu.memory_space<semaphore_mem>>)
    %dma_start3A_118 = arith.constant 4 : i32
    %dma_start3A_119 = arith.constant 0 : i32
    %dma_start3A_120 = tpu.memref_slice %arg5[%dma_start3A_118, %dma_start3A_119] : memref<79x128xi32, #tpu.memory_space<vmem>> -> memref<1x128xi32, #tpu.memory_space<vmem>>
    %dma_start3A_121 = tpu.memref_squeeze %dma_start3A_120 : memref<1x128xi32, #tpu.memory_space<vmem>> -> memref<128xi32, #tpu.memory_space<vmem>>
    %dma_start3A_122 = arith.constant 0 : i32
    %dma_start3A_123 = arith.constant 0 : i32
    %dma_start3A_124 = tpu.memref_slice %arg3[%dma_start3A_122, %dma_start3A_123] : memref<20000x64xf32, #tpu.memory_space<hbm>> -> memref<20000x64xf32, #tpu.memory_space<hbm>>
    tpu.enqueue_indirect_dma source(%dma_start3A_124 : memref<20000x64xf32, #tpu.memory_space<hbm>>) target(%arg11 : memref<128x64xf32, #tpu.memory_space<vmem>>) offsets(%dma_start3A_121 : memref<128xi32, #tpu.memory_space<vmem>>) semaphore(%arg19 : memref<!tpu.dma_semaphore, #tpu.memory_space<semaphore_mem>>)
    %dma_start3A_125 = arith.constant 5 : i32
    %dma_start3A_126 = arith.constant 0 : i32
    %dma_start3A_127 = tpu.memref_slice %arg5[%dma_start3A_125, %dma_start3A_126] : memref<79x128xi32, #tpu.memory_space<vmem>> -> memref<1x128xi32, #tpu.memory_space<vmem>>
    %dma_start3A_128 = tpu.memref_squeeze %dma_start3A_127 : memref<1x128xi32, #tpu.memory_space<vmem>> -> memref<128xi32, #tpu.memory_space<vmem>>
    %dma_start3A_129 = arith.constant 0 : i32
    %dma_start3A_130 = arith.constant 0 : i32
    %dma_start3A_131 = tpu.memref_slice %arg3[%dma_start3A_129, %dma_start3A_130] : memref<20000x64xf32, #tpu.memory_space<hbm>> -> memref<20000x64xf32, #tpu.memory_space<hbm>>
    tpu.enqueue_indirect_dma source(%dma_start3A_131 : memref<20000x64xf32, #tpu.memory_space<hbm>>) target(%arg12 : memref<128x64xf32, #tpu.memory_space<vmem>>) offsets(%dma_start3A_128 : memref<128xi32, #tpu.memory_space<vmem>>) semaphore(%arg20 : memref<!tpu.dma_semaphore, #tpu.memory_space<semaphore_mem>>)
    %scan3A_132 = arith.constant 0 : i32
    %scan3A_133 = arith.constant 0 : i32
    %scan3A_134 = arith.constant 13 : i32
    %scan3A_135 = arith.addi %scan3A_133, %scan3A_134 : i32
    %scan3A_136 = arith.constant 1 : i32
    %scan3A_137 = scf.for %scan3A_193 = %scan3A_133 to %scan3A_135 step %scan3A_136 iter_args(%scan3A_194 = %scan3A_132) -> (i32)  : i32 {
      %mul3A_195 = arith.constant 6 : i32
      %mul3A_196 = arith.muli %mul3A_195, %scan3A_193 : i32
      %add3A_197 = arith.constant 0 : i32
      %add3A_198 = arith.addi %mul3A_196, %add3A_197 : i32
      %dma_wait3A_199 = arith.constant 0 : i32
      %dma_wait3A_200 = tpu.memref_slice %arg5[%add3A_198, %dma_wait3A_199] : memref<79x128xi32, #tpu.memory_space<vmem>> -> memref<1x128xi32, #tpu.memory_space<vmem>>
      %dma_wait3A_201 = tpu.memref_squeeze %dma_wait3A_200 : memref<1x128xi32, #tpu.memory_space<vmem>> -> memref<128xi32, #tpu.memory_space<vmem>>
      %dma_wait3A_202 = arith.constant 0 : i32
      %dma_wait3A_203 = arith.constant 0 : i32
      %dma_wait3A_204 = tpu.memref_slice %arg3[%dma_wait3A_202, %dma_wait3A_203] : memref<20000x64xf32, #tpu.memory_space<hbm>> -> memref<20000x64xf32, #tpu.memory_space<hbm>>
      tpu.wait_indirect_dma semaphore(%arg15 : memref<!tpu.dma_semaphore, #tpu.memory_space<semaphore_mem>>) src(%dma_wait3A_204 : memref<20000x64xf32, #tpu.memory_space<hbm>>) dst(%arg7 : memref<128x64xf32, #tpu.memory_space<vmem>>)
      %dma_start3A_205 = arith.constant 0 : i32
      %dma_start3A_206 = tpu.memref_slice %arg6[%add3A_198, %dma_start3A_205] : memref<79x128xi32, #tpu.memory_space<vmem>> -> memref<1x128xi32, #tpu.memory_space<vmem>>
      %dma_start3A_207 = tpu.memref_squeeze %dma_start3A_206 : memref<1x128xi32, #tpu.memory_space<vmem>> -> memref<128xi32, #tpu.memory_space<vmem>>
      %dma_start3A_208 = arith.constant 0 : i32
      %dma_start3A_209 = arith.constant 0 : i32
      %dma_start3A_210 = tpu.memref_slice %arg14[%dma_start3A_208, %dma_start3A_209] : memref<10000x64xf32, #tpu.memory_space<vmem_shared>> -> memref<10000x64xf32, #tpu.memory_space<vmem_shared>>
      tpu.enqueue_indirect_dma source(%arg7 : memref<128x64xf32, #tpu.memory_space<vmem>>) target(%dma_start3A_210 : memref<10000x64xf32, #tpu.memory_space<vmem_shared>>) offsets(%dma_start3A_207 : memref<128xi32, #tpu.memory_space<vmem>>) semaphore(%arg21 : memref<!tpu.dma_semaphore, #tpu.memory_space<semaphore_mem>>) {add = true}
      %mul3A_211 = arith.constant 6 : i32
      %mul3A_212 = arith.muli %mul3A_211, %scan3A_193 : i32
      %add3A_213 = arith.constant 1 : i32
      %add3A_214 = arith.addi %mul3A_212, %add3A_213 : i32
      %dma_wait3A_215 = arith.constant 0 : i32
      %dma_wait3A_216 = tpu.memref_slice %arg5[%add3A_214, %dma_wait3A_215] : memref<79x128xi32, #tpu.memory_space<vmem>> -> memref<1x128xi32, #tpu.memory_space<vmem>>
      %dma_wait3A_217 = tpu.memref_squeeze %dma_wait3A_216 : memref<1x128xi32, #tpu.memory_space<vmem>> -> memref<128xi32, #tpu.memory_space<vmem>>
      %dma_wait3A_218 = arith.constant 0 : i32
      %dma_wait3A_219 = arith.constant 0 : i32
      %dma_wait3A_220 = tpu.memref_slice %arg3[%dma_wait3A_218, %dma_wait3A_219] : memref<20000x64xf32, #tpu.memory_space<hbm>> -> memref<20000x64xf32, #tpu.memory_space<hbm>>
      tpu.wait_indirect_dma semaphore(%arg16 : memref<!tpu.dma_semaphore, #tpu.memory_space<semaphore_mem>>) src(%dma_wait3A_220 : memref<20000x64xf32, #tpu.memory_space<hbm>>) dst(%arg8 : memref<128x64xf32, #tpu.memory_space<vmem>>)
      %dma_start3A_221 = arith.constant 0 : i32
      %dma_start3A_222 = tpu.memref_slice %arg6[%add3A_214, %dma_start3A_221] : memref<79x128xi32, #tpu.memory_space<vmem>> -> memref<1x128xi32, #tpu.memory_space<vmem>>
      %dma_start3A_223 = tpu.memref_squeeze %dma_start3A_222 : memref<1x128xi32, #tpu.memory_space<vmem>> -> memref<128xi32, #tpu.memory_space<vmem>>
      %dma_start3A_224 = arith.constant 0 : i32
      %dma_start3A_225 = arith.constant 0 : i32
      %dma_start3A_226 = tpu.memref_slice %arg14[%dma_start3A_224, %dma_start3A_225] : memref<10000x64xf32, #tpu.memory_space<vmem_shared>> -> memref<10000x64xf32, #tpu.memory_space<vmem_shared>>
      tpu.enqueue_indirect_dma source(%arg8 : memref<128x64xf32, #tpu.memory_space<vmem>>) target(%dma_start3A_226 : memref<10000x64xf32, #tpu.memory_space<vmem_shared>>) offsets(%dma_start3A_223 : memref<128xi32, #tpu.memory_space<vmem>>) semaphore(%arg22 : memref<!tpu.dma_semaphore, #tpu.memory_space<semaphore_mem>>) {add = true}
      %mul3A_227 = arith.constant 6 : i32
      %mul3A_228 = arith.muli %mul3A_227, %scan3A_193 : i32
      %add3A_229 = arith.constant 2 : i32
      %add3A_230 = arith.addi %mul3A_228, %add3A_229 : i32
      %dma_wait3A_231 = arith.constant 0 : i32
      %dma_wait3A_232 = tpu.memref_slice %arg5[%add3A_230, %dma_wait3A_231] : memref<79x128xi32, #tpu.memory_space<vmem>> -> memref<1x128xi32, #tpu.memory_space<vmem>>
      %dma_wait3A_233 = tpu.memref_squeeze %dma_wait3A_232 : memref<1x128xi32, #tpu.memory_space<vmem>> -> memref<128xi32, #tpu.memory_space<vmem>>
      %dma_wait3A_234 = arith.constant 0 : i32
      %dma_wait3A_235 = arith.constant 0 : i32
      %dma_wait3A_236 = tpu.memref_slice %arg3[%dma_wait3A_234, %dma_wait3A_235] : memref<20000x64xf32, #tpu.memory_space<hbm>> -> memref<20000x64xf32, #tpu.memory_space<hbm>>
      tpu.wait_indirect_dma semaphore(%arg17 : memref<!tpu.dma_semaphore, #tpu.memory_space<semaphore_mem>>) src(%dma_wait3A_236 : memref<20000x64xf32, #tpu.memory_space<hbm>>) dst(%arg9 : memref<128x64xf32, #tpu.memory_space<vmem>>)
      %dma_start3A_237 = arith.constant 0 : i32
      %dma_start3A_238 = tpu.memref_slice %arg6[%add3A_230, %dma_start3A_237] : memref<79x128xi32, #tpu.memory_space<vmem>> -> memref<1x128xi32, #tpu.memory_space<vmem>>
      %dma_start3A_239 = tpu.memref_squeeze %dma_start3A_238 : memref<1x128xi32, #tpu.memory_space<vmem>> -> memref<128xi32, #tpu.memory_space<vmem>>
      %dma_start3A_240 = arith.constant 0 : i32
      %dma_start3A_241 = arith.constant 0 : i32
      %dma_start3A_242 = tpu.memref_slice %arg14[%dma_start3A_240, %dma_start3A_241] : memref<10000x64xf32, #tpu.memory_space<vmem_shared>> -> memref<10000x64xf32, #tpu.memory_space<vmem_shared>>
      tpu.enqueue_indirect_dma source(%arg9 : memref<128x64xf32, #tpu.memory_space<vmem>>) target(%dma_start3A_242 : memref<10000x64xf32, #tpu.memory_space<vmem_shared>>) offsets(%dma_start3A_239 : memref<128xi32, #tpu.memory_space<vmem>>) semaphore(%arg23 : memref<!tpu.dma_semaphore, #tpu.memory_space<semaphore_mem>>) {add = true}
      %mul3A_243 = arith.constant 6 : i32
      %mul3A_244 = arith.muli %mul3A_243, %scan3A_193 : i32
      %add3A_245 = arith.constant 3 : i32
      %add3A_246 = arith.addi %mul3A_244, %add3A_245 : i32
      %dma_wait3A_247 = arith.constant 0 : i32
      %dma_wait3A_248 = tpu.memref_slice %arg5[%add3A_246, %dma_wait3A_247] : memref<79x128xi32, #tpu.memory_space<vmem>> -> memref<1x128xi32, #tpu.memory_space<vmem>>
      %dma_wait3A_249 = tpu.memref_squeeze %dma_wait3A_248 : memref<1x128xi32, #tpu.memory_space<vmem>> -> memref<128xi32, #tpu.memory_space<vmem>>
      %dma_wait3A_250 = arith.constant 0 : i32
      %dma_wait3A_251 = arith.constant 0 : i32
      %dma_wait3A_252 = tpu.memref_slice %arg3[%dma_wait3A_250, %dma_wait3A_251] : memref<20000x64xf32, #tpu.memory_space<hbm>> -> memref<20000x64xf32, #tpu.memory_space<hbm>>
      tpu.wait_indirect_dma semaphore(%arg18 : memref<!tpu.dma_semaphore, #tpu.memory_space<semaphore_mem>>) src(%dma_wait3A_252 : memref<20000x64xf32, #tpu.memory_space<hbm>>) dst(%arg10 : memref<128x64xf32, #tpu.memory_space<vmem>>)
      %dma_start3A_253 = arith.constant 0 : i32
      %dma_start3A_254 = tpu.memref_slice %arg6[%add3A_246, %dma_start3A_253] : memref<79x128xi32, #tpu.memory_space<vmem>> -> memref<1x128xi32, #tpu.memory_space<vmem>>
      %dma_start3A_255 = tpu.memref_squeeze %dma_start3A_254 : memref<1x128xi32, #tpu.memory_space<vmem>> -> memref<128xi32, #tpu.memory_space<vmem>>
      %dma_start3A_256 = arith.constant 0 : i32
      %dma_start3A_257 = arith.constant 0 : i32
      %dma_start3A_258 = tpu.memref_slice %arg14[%dma_start3A_256, %dma_start3A_257] : memref<10000x64xf32, #tpu.memory_space<vmem_shared>> -> memref<10000x64xf32, #tpu.memory_space<vmem_shared>>
      tpu.enqueue_indirect_dma source(%arg10 : memref<128x64xf32, #tpu.memory_space<vmem>>) target(%dma_start3A_258 : memref<10000x64xf32, #tpu.memory_space<vmem_shared>>) offsets(%dma_start3A_255 : memref<128xi32, #tpu.memory_space<vmem>>) semaphore(%arg24 : memref<!tpu.dma_semaphore, #tpu.memory_space<semaphore_mem>>) {add = true}
      %mul3A_259 = arith.constant 6 : i32
      %mul3A_260 = arith.muli %mul3A_259, %scan3A_193 : i32
      %add3A_261 = arith.constant 4 : i32
      %add3A_262 = arith.addi %mul3A_260, %add3A_261 : i32
      %dma_wait3A_263 = arith.constant 0 : i32
      %dma_wait3A_264 = tpu.memref_slice %arg5[%add3A_262, %dma_wait3A_263] : memref<79x128xi32, #tpu.memory_space<vmem>> -> memref<1x128xi32, #tpu.memory_space<vmem>>
      %dma_wait3A_265 = tpu.memref_squeeze %dma_wait3A_264 : memref<1x128xi32, #tpu.memory_space<vmem>> -> memref<128xi32, #tpu.memory_space<vmem>>
      %dma_wait3A_266 = arith.constant 0 : i32
      %dma_wait3A_267 = arith.constant 0 : i32
      %dma_wait3A_268 = tpu.memref_slice %arg3[%dma_wait3A_266, %dma_wait3A_267] : memref<20000x64xf32, #tpu.memory_space<hbm>> -> memref<20000x64xf32, #tpu.memory_space<hbm>>
      tpu.wait_indirect_dma semaphore(%arg19 : memref<!tpu.dma_semaphore, #tpu.memory_space<semaphore_mem>>) src(%dma_wait3A_268 : memref<20000x64xf32, #tpu.memory_space<hbm>>) dst(%arg11 : memref<128x64xf32, #tpu.memory_space<vmem>>)
      %dma_start3A_269 = arith.constant 0 : i32
      %dma_start3A_270 = tpu.memref_slice %arg6[%add3A_262, %dma_start3A_269] : memref<79x128xi32, #tpu.memory_space<vmem>> -> memref<1x128xi32, #tpu.memory_space<vmem>>
      %dma_start3A_271 = tpu.memref_squeeze %dma_start3A_270 : memref<1x128xi32, #tpu.memory_space<vmem>> -> memref<128xi32, #tpu.memory_space<vmem>>
      %dma_start3A_272 = arith.constant 0 : i32
      %dma_start3A_273 = arith.constant 0 : i32
      %dma_start3A_274 = tpu.memref_slice %arg14[%dma_start3A_272, %dma_start3A_273] : memref<10000x64xf32, #tpu.memory_space<vmem_shared>> -> memref<10000x64xf32, #tpu.memory_space<vmem_shared>>
      tpu.enqueue_indirect_dma source(%arg11 : memref<128x64xf32, #tpu.memory_space<vmem>>) target(%dma_start3A_274 : memref<10000x64xf32, #tpu.memory_space<vmem_shared>>) offsets(%dma_start3A_271 : memref<128xi32, #tpu.memory_space<vmem>>) semaphore(%arg25 : memref<!tpu.dma_semaphore, #tpu.memory_space<semaphore_mem>>) {add = true}
      %mul3A_275 = arith.constant 6 : i32
      %mul3A_276 = arith.muli %mul3A_275, %scan3A_193 : i32
      %add3A_277 = arith.constant 5 : i32
      %add3A_278 = arith.addi %mul3A_276, %add3A_277 : i32
      %dma_wait3A_279 = arith.constant 0 : i32
      %dma_wait3A_280 = tpu.memref_slice %arg5[%add3A_278, %dma_wait3A_279] : memref<79x128xi32, #tpu.memory_space<vmem>> -> memref<1x128xi32, #tpu.memory_space<vmem>>
      %dma_wait3A_281 = tpu.memref_squeeze %dma_wait3A_280 : memref<1x128xi32, #tpu.memory_space<vmem>> -> memref<128xi32, #tpu.memory_space<vmem>>
      %dma_wait3A_282 = arith.constant 0 : i32
      %dma_wait3A_283 = arith.constant 0 : i32
      %dma_wait3A_284 = tpu.memref_slice %arg3[%dma_wait3A_282, %dma_wait3A_283] : memref<20000x64xf32, #tpu.memory_space<hbm>> -> memref<20000x64xf32, #tpu.memory_space<hbm>>
      tpu.wait_indirect_dma semaphore(%arg20 : memref<!tpu.dma_semaphore, #tpu.memory_space<semaphore_mem>>) src(%dma_wait3A_284 : memref<20000x64xf32, #tpu.memory_space<hbm>>) dst(%arg12 : memref<128x64xf32, #tpu.memory_space<vmem>>)
      %dma_start3A_285 = arith.constant 0 : i32
      %dma_start3A_286 = tpu.memref_slice %arg6[%add3A_278, %dma_start3A_285] : memref<79x128xi32, #tpu.memory_space<vmem>> -> memref<1x128xi32, #tpu.memory_space<vmem>>
      %dma_start3A_287 = tpu.memref_squeeze %dma_start3A_286 : memref<1x128xi32, #tpu.memory_space<vmem>> -> memref<128xi32, #tpu.memory_space<vmem>>
      %dma_start3A_288 = arith.constant 0 : i32
      %dma_start3A_289 = arith.constant 0 : i32
      %dma_start3A_290 = tpu.memref_slice %arg14[%dma_start3A_288, %dma_start3A_289] : memref<10000x64xf32, #tpu.memory_space<vmem_shared>> -> memref<10000x64xf32, #tpu.memory_space<vmem_shared>>
      tpu.enqueue_indirect_dma source(%arg12 : memref<128x64xf32, #tpu.memory_space<vmem>>) target(%dma_start3A_290 : memref<10000x64xf32, #tpu.memory_space<vmem_shared>>) offsets(%dma_start3A_287 : memref<128xi32, #tpu.memory_space<vmem>>) semaphore(%arg26 : memref<!tpu.dma_semaphore, #tpu.memory_space<semaphore_mem>>) {add = true}
      %mul3A_291 = arith.constant 6 : i32
      %mul3A_292 = arith.muli %mul3A_291, %scan3A_193 : i32
      %add3A_293 = arith.constant 6 : i32
      %add3A_294 = arith.addi %mul3A_292, %add3A_293 : i32
      %add3A_295 = arith.constant 0 : i32
      %add3A_296 = arith.addi %add3A_294, %add3A_295 : i32
      %min3A = arith.constant 77 : i32
      %min3A_297 = arith.minsi %add3A_296, %min3A : i32
      %dma_wait3A_298 = arith.constant 0 : i32
      %dma_wait3A_299 = arith.constant 0 : i32
      %dma_wait3A_300 = tpu.memref_slice %arg6[%dma_wait3A_298, %dma_wait3A_299] : memref<79x128xi32, #tpu.memory_space<vmem>> -> memref<1x128xi32, #tpu.memory_space<vmem>>
      %dma_wait3A_301 = tpu.memref_squeeze %dma_wait3A_300 : memref<1x128xi32, #tpu.memory_space<vmem>> -> memref<128xi32, #tpu.memory_space<vmem>>
      %dma_wait3A_302 = arith.constant 0 : i32
      %dma_wait3A_303 = arith.constant 0 : i32
      %dma_wait3A_304 = tpu.memref_slice %arg14[%dma_wait3A_302, %dma_wait3A_303] : memref<10000x64xf32, #tpu.memory_space<vmem_shared>> -> memref<10000x64xf32, #tpu.memory_space<vmem_shared>>
      tpu.wait_indirect_dma semaphore(%arg21 : memref<!tpu.dma_semaphore, #tpu.memory_space<semaphore_mem>>) src(%arg7 : memref<128x64xf32, #tpu.memory_space<vmem>>) dst(%dma_wait3A_304 : memref<10000x64xf32, #tpu.memory_space<vmem_shared>>)
      %dma_start3A_305 = arith.constant 0 : i32
      %dma_start3A_306 = tpu.memref_slice %arg5[%min3A_297, %dma_start3A_305] : memref<79x128xi32, #tpu.memory_space<vmem>> -> memref<1x128xi32, #tpu.memory_space<vmem>>
      %dma_start3A_307 = tpu.memref_squeeze %dma_start3A_306 : memref<1x128xi32, #tpu.memory_space<vmem>> -> memref<128xi32, #tpu.memory_space<vmem>>
      %dma_start3A_308 = arith.constant 0 : i32
      %dma_start3A_309 = arith.constant 0 : i32
      %dma_start3A_310 = tpu.memref_slice %arg3[%dma_start3A_308, %dma_start3A_309] : memref<20000x64xf32, #tpu.memory_space<hbm>> -> memref<20000x64xf32, #tpu.memory_space<hbm>>
      tpu.enqueue_indirect_dma source(%dma_start3A_310 : memref<20000x64xf32, #tpu.memory_space<hbm>>) target(%arg7 : memref<128x64xf32, #tpu.memory_space<vmem>>) offsets(%dma_start3A_307 : memref<128xi32, #tpu.memory_space<vmem>>) semaphore(%arg15 : memref<!tpu.dma_semaphore, #tpu.memory_space<semaphore_mem>>)
      %mul3A_311 = arith.constant 6 : i32
      %mul3A_312 = arith.muli %mul3A_311, %scan3A_193 : i32
      %add3A_313 = arith.constant 6 : i32
      %add3A_314 = arith.addi %mul3A_312, %add3A_313 : i32
      %add3A_315 = arith.constant 1 : i32
      %add3A_316 = arith.addi %add3A_314, %add3A_315 : i32
      %min3A_317 = arith.constant 77 : i32
      %min3A_318 = arith.minsi %add3A_316, %min3A_317 : i32
      %dma_wait3A_319 = arith.constant 0 : i32
      %dma_wait3A_320 = arith.constant 0 : i32
      %dma_wait3A_321 = tpu.memref_slice %arg6[%dma_wait3A_319, %dma_wait3A_320] : memref<79x128xi32, #tpu.memory_space<vmem>> -> memref<1x128xi32, #tpu.memory_space<vmem>>
      %dma_wait3A_322 = tpu.memref_squeeze %dma_wait3A_321 : memref<1x128xi32, #tpu.memory_space<vmem>> -> memref<128xi32, #tpu.memory_space<vmem>>
      %dma_wait3A_323 = arith.constant 0 : i32
      %dma_wait3A_324 = arith.constant 0 : i32
      %dma_wait3A_325 = tpu.memref_slice %arg14[%dma_wait3A_323, %dma_wait3A_324] : memref<10000x64xf32, #tpu.memory_space<vmem_shared>> -> memref<10000x64xf32, #tpu.memory_space<vmem_shared>>
      tpu.wait_indirect_dma semaphore(%arg22 : memref<!tpu.dma_semaphore, #tpu.memory_space<semaphore_mem>>) src(%arg8 : memref<128x64xf32, #tpu.memory_space<vmem>>) dst(%dma_wait3A_325 : memref<10000x64xf32, #tpu.memory_space<vmem_shared>>)
      %dma_start3A_326 = arith.constant 0 : i32
      %dma_start3A_327 = tpu.memref_slice %arg5[%min3A_318, %dma_start3A_326] : memref<79x128xi32, #tpu.memory_space<vmem>> -> memref<1x128xi32, #tpu.memory_space<vmem>>
      %dma_start3A_328 = tpu.memref_squeeze %dma_start3A_327 : memref<1x128xi32, #tpu.memory_space<vmem>> -> memref<128xi32, #tpu.memory_space<vmem>>
      %dma_start3A_329 = arith.constant 0 : i32
      %dma_start3A_330 = arith.constant 0 : i32
      %dma_start3A_331 = tpu.memref_slice %arg3[%dma_start3A_329, %dma_start3A_330] : memref<20000x64xf32, #tpu.memory_space<hbm>> -> memref<20000x64xf32, #tpu.memory_space<hbm>>
      tpu.enqueue_indirect_dma source(%dma_start3A_331 : memref<20000x64xf32, #tpu.memory_space<hbm>>) target(%arg8 : memref<128x64xf32, #tpu.memory_space<vmem>>) offsets(%dma_start3A_328 : memref<128xi32, #tpu.memory_space<vmem>>) semaphore(%arg16 : memref<!tpu.dma_semaphore, #tpu.memory_space<semaphore_mem>>)
      %mul3A_332 = arith.constant 6 : i32
      %mul3A_333 = arith.muli %mul3A_332, %scan3A_193 : i32
      %add3A_334 = arith.constant 6 : i32
      %add3A_335 = arith.addi %mul3A_333, %add3A_334 : i32
      %add3A_336 = arith.constant 2 : i32
      %add3A_337 = arith.addi %add3A_335, %add3A_336 : i32
      %min3A_338 = arith.constant 77 : i32
      %min3A_339 = arith.minsi %add3A_337, %min3A_338 : i32
      %dma_wait3A_340 = arith.constant 0 : i32
      %dma_wait3A_341 = arith.constant 0 : i32
      %dma_wait3A_342 = tpu.memref_slice %arg6[%dma_wait3A_340, %dma_wait3A_341] : memref<79x128xi32, #tpu.memory_space<vmem>> -> memref<1x128xi32, #tpu.memory_space<vmem>>
      %dma_wait3A_343 = tpu.memref_squeeze %dma_wait3A_342 : memref<1x128xi32, #tpu.memory_space<vmem>> -> memref<128xi32, #tpu.memory_space<vmem>>
      %dma_wait3A_344 = arith.constant 0 : i32
      %dma_wait3A_345 = arith.constant 0 : i32
      %dma_wait3A_346 = tpu.memref_slice %arg14[%dma_wait3A_344, %dma_wait3A_345] : memref<10000x64xf32, #tpu.memory_space<vmem_shared>> -> memref<10000x64xf32, #tpu.memory_space<vmem_shared>>
      tpu.wait_indirect_dma semaphore(%arg23 : memref<!tpu.dma_semaphore, #tpu.memory_space<semaphore_mem>>) src(%arg9 : memref<128x64xf32, #tpu.memory_space<vmem>>) dst(%dma_wait3A_346 : memref<10000x64xf32, #tpu.memory_space<vmem_shared>>)
      %dma_start3A_347 = arith.constant 0 : i32
      %dma_start3A_348 = tpu.memref_slice %arg5[%min3A_339, %dma_start3A_347] : memref<79x128xi32, #tpu.memory_space<vmem>> -> memref<1x128xi32, #tpu.memory_space<vmem>>
      %dma_start3A_349 = tpu.memref_squeeze %dma_start3A_348 : memref<1x128xi32, #tpu.memory_space<vmem>> -> memref<128xi32, #tpu.memory_space<vmem>>
      %dma_start3A_350 = arith.constant 0 : i32
      %dma_start3A_351 = arith.constant 0 : i32
      %dma_start3A_352 = tpu.memref_slice %arg3[%dma_start3A_350, %dma_start3A_351] : memref<20000x64xf32, #tpu.memory_space<hbm>> -> memref<20000x64xf32, #tpu.memory_space<hbm>>
      tpu.enqueue_indirect_dma source(%dma_start3A_352 : memref<20000x64xf32, #tpu.memory_space<hbm>>) target(%arg9 : memref<128x64xf32, #tpu.memory_space<vmem>>) offsets(%dma_start3A_349 : memref<128xi32, #tpu.memory_space<vmem>>) semaphore(%arg17 : memref<!tpu.dma_semaphore, #tpu.memory_space<semaphore_mem>>)
      %mul3A_353 = arith.constant 6 : i32
      %mul3A_354 = arith.muli %mul3A_353, %scan3A_193 : i32
      %add3A_355 = arith.constant 6 : i32
      %add3A_356 = arith.addi %mul3A_354, %add3A_355 : i32
      %add3A_357 = arith.constant 3 : i32
      %add3A_358 = arith.addi %add3A_356, %add3A_357 : i32
      %min3A_359 = arith.constant 77 : i32
      %min3A_360 = arith.minsi %add3A_358, %min3A_359 : i32
      %dma_wait3A_361 = arith.constant 0 : i32
      %dma_wait3A_362 = arith.constant 0 : i32
      %dma_wait3A_363 = tpu.memref_slice %arg6[%dma_wait3A_361, %dma_wait3A_362] : memref<79x128xi32, #tpu.memory_space<vmem>> -> memref<1x128xi32, #tpu.memory_space<vmem>>
      %dma_wait3A_364 = tpu.memref_squeeze %dma_wait3A_363 : memref<1x128xi32, #tpu.memory_space<vmem>> -> memref<128xi32, #tpu.memory_space<vmem>>
      %dma_wait3A_365 = arith.constant 0 : i32
      %dma_wait3A_366 = arith.constant 0 : i32
      %dma_wait3A_367 = tpu.memref_slice %arg14[%dma_wait3A_365, %dma_wait3A_366] : memref<10000x64xf32, #tpu.memory_space<vmem_shared>> -> memref<10000x64xf32, #tpu.memory_space<vmem_shared>>
      tpu.wait_indirect_dma semaphore(%arg24 : memref<!tpu.dma_semaphore, #tpu.memory_space<semaphore_mem>>) src(%arg10 : memref<128x64xf32, #tpu.memory_space<vmem>>) dst(%dma_wait3A_367 : memref<10000x64xf32, #tpu.memory_space<vmem_shared>>)
      %dma_start3A_368 = arith.constant 0 : i32
      %dma_start3A_369 = tpu.memref_slice %arg5[%min3A_360, %dma_start3A_368] : memref<79x128xi32, #tpu.memory_space<vmem>> -> memref<1x128xi32, #tpu.memory_space<vmem>>
      %dma_start3A_370 = tpu.memref_squeeze %dma_start3A_369 : memref<1x128xi32, #tpu.memory_space<vmem>> -> memref<128xi32, #tpu.memory_space<vmem>>
      %dma_start3A_371 = arith.constant 0 : i32
      %dma_start3A_372 = arith.constant 0 : i32
      %dma_start3A_373 = tpu.memref_slice %arg3[%dma_start3A_371, %dma_start3A_372] : memref<20000x64xf32, #tpu.memory_space<hbm>> -> memref<20000x64xf32, #tpu.memory_space<hbm>>
      tpu.enqueue_indirect_dma source(%dma_start3A_373 : memref<20000x64xf32, #tpu.memory_space<hbm>>) target(%arg10 : memref<128x64xf32, #tpu.memory_space<vmem>>) offsets(%dma_start3A_370 : memref<128xi32, #tpu.memory_space<vmem>>) semaphore(%arg18 : memref<!tpu.dma_semaphore, #tpu.memory_space<semaphore_mem>>)
      %mul3A_374 = arith.constant 6 : i32
      %mul3A_375 = arith.muli %mul3A_374, %scan3A_193 : i32
      %add3A_376 = arith.constant 6 : i32
      %add3A_377 = arith.addi %mul3A_375, %add3A_376 : i32
      %add3A_378 = arith.constant 4 : i32
      %add3A_379 = arith.addi %add3A_377, %add3A_378 : i32
      %min3A_380 = arith.constant 77 : i32
      %min3A_381 = arith.minsi %add3A_379, %min3A_380 : i32
      %dma_wait3A_382 = arith.constant 0 : i32
      %dma_wait3A_383 = arith.constant 0 : i32
      %dma_wait3A_384 = tpu.memref_slice %arg6[%dma_wait3A_382, %dma_wait3A_383] : memref<79x128xi32, #tpu.memory_space<vmem>> -> memref<1x128xi32, #tpu.memory_space<vmem>>
      %dma_wait3A_385 = tpu.memref_squeeze %dma_wait3A_384 : memref<1x128xi32, #tpu.memory_space<vmem>> -> memref<128xi32, #tpu.memory_space<vmem>>
      %dma_wait3A_386 = arith.constant 0 : i32
      %dma_wait3A_387 = arith.constant 0 : i32
      %dma_wait3A_388 = tpu.memref_slice %arg14[%dma_wait3A_386, %dma_wait3A_387] : memref<10000x64xf32, #tpu.memory_space<vmem_shared>> -> memref<10000x64xf32, #tpu.memory_space<vmem_shared>>
      tpu.wait_indirect_dma semaphore(%arg25 : memref<!tpu.dma_semaphore, #tpu.memory_space<semaphore_mem>>) src(%arg11 : memref<128x64xf32, #tpu.memory_space<vmem>>) dst(%dma_wait3A_388 : memref<10000x64xf32, #tpu.memory_space<vmem_shared>>)
      %dma_start3A_389 = arith.constant 0 : i32
      %dma_start3A_390 = tpu.memref_slice %arg5[%min3A_381, %dma_start3A_389] : memref<79x128xi32, #tpu.memory_space<vmem>> -> memref<1x128xi32, #tpu.memory_space<vmem>>
      %dma_start3A_391 = tpu.memref_squeeze %dma_start3A_390 : memref<1x128xi32, #tpu.memory_space<vmem>> -> memref<128xi32, #tpu.memory_space<vmem>>
      %dma_start3A_392 = arith.constant 0 : i32
      %dma_start3A_393 = arith.constant 0 : i32
      %dma_start3A_394 = tpu.memref_slice %arg3[%dma_start3A_392, %dma_start3A_393] : memref<20000x64xf32, #tpu.memory_space<hbm>> -> memref<20000x64xf32, #tpu.memory_space<hbm>>
      tpu.enqueue_indirect_dma source(%dma_start3A_394 : memref<20000x64xf32, #tpu.memory_space<hbm>>) target(%arg11 : memref<128x64xf32, #tpu.memory_space<vmem>>) offsets(%dma_start3A_391 : memref<128xi32, #tpu.memory_space<vmem>>) semaphore(%arg19 : memref<!tpu.dma_semaphore, #tpu.memory_space<semaphore_mem>>)
      %mul3A_395 = arith.constant 6 : i32
      %mul3A_396 = arith.muli %mul3A_395, %scan3A_193 : i32
      %add3A_397 = arith.constant 6 : i32
      %add3A_398 = arith.addi %mul3A_396, %add3A_397 : i32
      %add3A_399 = arith.constant 5 : i32
      %add3A_400 = arith.addi %add3A_398, %add3A_399 : i32
      %min3A_401 = arith.constant 77 : i32
      %min3A_402 = arith.minsi %add3A_400, %min3A_401 : i32
      %dma_wait3A_403 = arith.constant 0 : i32
      %dma_wait3A_404 = arith.constant 0 : i32
      %dma_wait3A_405 = tpu.memref_slice %arg6[%dma_wait3A_403, %dma_wait3A_404] : memref<79x128xi32, #tpu.memory_space<vmem>> -> memref<1x128xi32, #tpu.memory_space<vmem>>
      %dma_wait3A_406 = tpu.memref_squeeze %dma_wait3A_405 : memref<1x128xi32, #tpu.memory_space<vmem>> -> memref<128xi32, #tpu.memory_space<vmem>>
      %dma_wait3A_407 = arith.constant 0 : i32
      %dma_wait3A_408 = arith.constant 0 : i32
      %dma_wait3A_409 = tpu.memref_slice %arg14[%dma_wait3A_407, %dma_wait3A_408] : memref<10000x64xf32, #tpu.memory_space<vmem_shared>> -> memref<10000x64xf32, #tpu.memory_space<vmem_shared>>
      tpu.wait_indirect_dma semaphore(%arg26 : memref<!tpu.dma_semaphore, #tpu.memory_space<semaphore_mem>>) src(%arg12 : memref<128x64xf32, #tpu.memory_space<vmem>>) dst(%dma_wait3A_409 : memref<10000x64xf32, #tpu.memory_space<vmem_shared>>)
      %dma_start3A_410 = arith.constant 0 : i32
      %dma_start3A_411 = tpu.memref_slice %arg5[%min3A_402, %dma_start3A_410] : memref<79x128xi32, #tpu.memory_space<vmem>> -> memref<1x128xi32, #tpu.memory_space<vmem>>
      %dma_start3A_412 = tpu.memref_squeeze %dma_start3A_411 : memref<1x128xi32, #tpu.memory_space<vmem>> -> memref<128xi32, #tpu.memory_space<vmem>>
      %dma_start3A_413 = arith.constant 0 : i32
      %dma_start3A_414 = arith.constant 0 : i32
      %dma_start3A_415 = tpu.memref_slice %arg3[%dma_start3A_413, %dma_start3A_414] : memref<20000x64xf32, #tpu.memory_space<hbm>> -> memref<20000x64xf32, #tpu.memory_space<hbm>>
      tpu.enqueue_indirect_dma source(%dma_start3A_415 : memref<20000x64xf32, #tpu.memory_space<hbm>>) target(%arg12 : memref<128x64xf32, #tpu.memory_space<vmem>>) offsets(%dma_start3A_412 : memref<128xi32, #tpu.memory_space<vmem>>) semaphore(%arg20 : memref<!tpu.dma_semaphore, #tpu.memory_space<semaphore_mem>>)
      %scan3A_416 = arith.constant 0 : i32
      scf.yield %scan3A_416 : i32
    }
    %scan3A_138 = arith.constant 13 : i32
    %dma_wait3A_139 = arith.constant 77 : i32
    %dma_wait3A_140 = arith.constant 0 : i32
    %dma_wait3A_141 = tpu.memref_slice %arg5[%dma_wait3A_139, %dma_wait3A_140] : memref<79x128xi32, #tpu.memory_space<vmem>> -> memref<1x128xi32, #tpu.memory_space<vmem>>
    %dma_wait3A_142 = tpu.memref_squeeze %dma_wait3A_141 : memref<1x128xi32, #tpu.memory_space<vmem>> -> memref<128xi32, #tpu.memory_space<vmem>>
    %dma_wait3A_143 = arith.constant 0 : i32
    %dma_wait3A_144 = arith.constant 0 : i32
    %dma_wait3A_145 = tpu.memref_slice %arg3[%dma_wait3A_143, %dma_wait3A_144] : memref<20000x64xf32, #tpu.memory_space<hbm>> -> memref<20000x64xf32, #tpu.memory_space<hbm>>
    tpu.wait_indirect_dma semaphore(%arg15 : memref<!tpu.dma_semaphore, #tpu.memory_space<semaphore_mem>>) src(%dma_wait3A_145 : memref<20000x64xf32, #tpu.memory_space<hbm>>) dst(%arg7 : memref<128x64xf32, #tpu.memory_space<vmem>>)
    %dma_wait3A_146 = arith.constant 77 : i32
    %dma_wait3A_147 = arith.constant 0 : i32
    %dma_wait3A_148 = tpu.memref_slice %arg5[%dma_wait3A_146, %dma_wait3A_147] : memref<79x128xi32, #tpu.memory_space<vmem>> -> memref<1x128xi32, #tpu.memory_space<vmem>>
    %dma_wait3A_149 = tpu.memref_squeeze %dma_wait3A_148 : memref<1x128xi32, #tpu.memory_space<vmem>> -> memref<128xi32, #tpu.memory_space<vmem>>
    %dma_wait3A_150 = arith.constant 0 : i32
    %dma_wait3A_151 = arith.constant 0 : i32
    %dma_wait3A_152 = tpu.memref_slice %arg3[%dma_wait3A_150, %dma_wait3A_151] : memref<20000x64xf32, #tpu.memory_space<hbm>> -> memref<20000x64xf32, #tpu.memory_space<hbm>>
    tpu.wait_indirect_dma semaphore(%arg16 : memref<!tpu.dma_semaphore, #tpu.memory_space<semaphore_mem>>) src(%dma_wait3A_152 : memref<20000x64xf32, #tpu.memory_space<hbm>>) dst(%arg8 : memref<128x64xf32, #tpu.memory_space<vmem>>)
    %dma_wait3A_153 = arith.constant 77 : i32
    %dma_wait3A_154 = arith.constant 0 : i32
    %dma_wait3A_155 = tpu.memref_slice %arg5[%dma_wait3A_153, %dma_wait3A_154] : memref<79x128xi32, #tpu.memory_space<vmem>> -> memref<1x128xi32, #tpu.memory_space<vmem>>
    %dma_wait3A_156 = tpu.memref_squeeze %dma_wait3A_155 : memref<1x128xi32, #tpu.memory_space<vmem>> -> memref<128xi32, #tpu.memory_space<vmem>>
    %dma_wait3A_157 = arith.constant 0 : i32
    %dma_wait3A_158 = arith.constant 0 : i32
    %dma_wait3A_159 = tpu.memref_slice %arg3[%dma_wait3A_157, %dma_wait3A_158] : memref<20000x64xf32, #tpu.memory_space<hbm>> -> memref<20000x64xf32, #tpu.memory_space<hbm>>
    tpu.wait_indirect_dma semaphore(%arg17 : memref<!tpu.dma_semaphore, #tpu.memory_space<semaphore_mem>>) src(%dma_wait3A_159 : memref<20000x64xf32, #tpu.memory_space<hbm>>) dst(%arg9 : memref<128x64xf32, #tpu.memory_space<vmem>>)
    %dma_wait3A_160 = arith.constant 77 : i32
    %dma_wait3A_161 = arith.constant 0 : i32
    %dma_wait3A_162 = tpu.memref_slice %arg5[%dma_wait3A_160, %dma_wait3A_161] : memref<79x128xi32, #tpu.memory_space<vmem>> -> memref<1x128xi32, #tpu.memory_space<vmem>>
    %dma_wait3A_163 = tpu.memref_squeeze %dma_wait3A_162 : memref<1x128xi32, #tpu.memory_space<vmem>> -> memref<128xi32, #tpu.memory_space<vmem>>
    %dma_wait3A_164 = arith.constant 0 : i32
    %dma_wait3A_165 = arith.constant 0 : i32
    %dma_wait3A_166 = tpu.memref_slice %arg3[%dma_wait3A_164, %dma_wait3A_165] : memref<20000x64xf32, #tpu.memory_space<hbm>> -> memref<20000x64xf32, #tpu.memory_space<hbm>>
    tpu.wait_indirect_dma semaphore(%arg18 : memref<!tpu.dma_semaphore, #tpu.memory_space<semaphore_mem>>) src(%dma_wait3A_166 : memref<20000x64xf32, #tpu.memory_space<hbm>>) dst(%arg10 : memref<128x64xf32, #tpu.memory_space<vmem>>)
    %dma_wait3A_167 = arith.constant 77 : i32
    %dma_wait3A_168 = arith.constant 0 : i32
    %dma_wait3A_169 = tpu.memref_slice %arg5[%dma_wait3A_167, %dma_wait3A_168] : memref<79x128xi32, #tpu.memory_space<vmem>> -> memref<1x128xi32, #tpu.memory_space<vmem>>
    %dma_wait3A_170 = tpu.memref_squeeze %dma_wait3A_169 : memref<1x128xi32, #tpu.memory_space<vmem>> -> memref<128xi32, #tpu.memory_space<vmem>>
    %dma_wait3A_171 = arith.constant 0 : i32
    %dma_wait3A_172 = arith.constant 0 : i32
    %dma_wait3A_173 = tpu.memref_slice %arg3[%dma_wait3A_171, %dma_wait3A_172] : memref<20000x64xf32, #tpu.memory_space<hbm>> -> memref<20000x64xf32, #tpu.memory_space<hbm>>
    tpu.wait_indirect_dma semaphore(%arg19 : memref<!tpu.dma_semaphore, #tpu.memory_space<semaphore_mem>>) src(%dma_wait3A_173 : memref<20000x64xf32, #tpu.memory_space<hbm>>) dst(%arg11 : memref<128x64xf32, #tpu.memory_space<vmem>>)
    %dma_wait3A_174 = arith.constant 77 : i32
    %dma_wait3A_175 = arith.constant 0 : i32
    %dma_wait3A_176 = tpu.memref_slice %arg5[%dma_wait3A_174, %dma_wait3A_175] : memref<79x128xi32, #tpu.memory_space<vmem>> -> memref<1x128xi32, #tpu.memory_space<vmem>>
    %dma_wait3A_177 = tpu.memref_squeeze %dma_wait3A_176 : memref<1x128xi32, #tpu.memory_space<vmem>> -> memref<128xi32, #tpu.memory_space<vmem>>
    %dma_wait3A_178 = arith.constant 0 : i32
    %dma_wait3A_179 = arith.constant 0 : i32
    %dma_wait3A_180 = tpu.memref_slice %arg3[%dma_wait3A_178, %dma_wait3A_179] : memref<20000x64xf32, #tpu.memory_space<hbm>> -> memref<20000x64xf32, #tpu.memory_space<hbm>>
    tpu.wait_indirect_dma semaphore(%arg20 : memref<!tpu.dma_semaphore, #tpu.memory_space<semaphore_mem>>) src(%dma_wait3A_180 : memref<20000x64xf32, #tpu.memory_space<hbm>>) dst(%arg12 : memref<128x64xf32, #tpu.memory_space<vmem>>)
    %lt3A_181 = arith.constant 4 : i32
    %lt3A_182 = arith.cmpi slt, %add3A, %lt3A_181 : i32
    %convert_element_type3A_183 = arith.extui %lt3A_182 : i1 to i32
    %cond3A_184 = arith.constant 0 : i32
    %cond3A_185 = arith.cmpi ne, %convert_element_type3A_183, %cond3A_184 : i32
    scf.if %cond3A_185 {
      %run_scoped3A = arith.constant 78 : i32
      "tpu.region"() ({
        %run_scoped3A_194 = tpu.sem_alloc : memref<!tpu.dma_semaphore, #tpu.memory_space<semaphore_mem>>
        %dma_start3A_195 = arith.constant 0 : i32
        %dma_start3A_196 = tpu.memref_slice %arg5[%run_scoped3A, %dma_start3A_195] : memref<79x128xi32, #tpu.memory_space<vmem>> -> memref<1x128xi32, #tpu.memory_space<vmem>>
        %dma_start3A_197 = tpu.memref_squeeze %dma_start3A_196 : memref<1x128xi32, #tpu.memory_space<vmem>> -> memref<128xi32, #tpu.memory_space<vmem>>
        %dma_start3A_198 = arith.constant 0 : i32
        %dma_start3A_199 = arith.constant 0 : i32
        %dma_start3A_200 = tpu.memref_slice %arg3[%dma_start3A_198, %dma_start3A_199] : memref<20000x64xf32, #tpu.memory_space<hbm>> -> memref<20000x64xf32, #tpu.memory_space<hbm>>
        tpu.enqueue_indirect_dma source(%dma_start3A_200 : memref<20000x64xf32, #tpu.memory_space<hbm>>) target(%arg12 : memref<128x64xf32, #tpu.memory_space<vmem>>) offsets(%dma_start3A_197 : memref<128xi32, #tpu.memory_space<vmem>>) semaphore(%run_scoped3A_194 : memref<!tpu.dma_semaphore, #tpu.memory_space<semaphore_mem>>)
        %dma_wait3A_201 = arith.constant 0 : i32
        %dma_wait3A_202 = tpu.memref_slice %arg5[%run_scoped3A, %dma_wait3A_201] : memref<79x128xi32, #tpu.memory_space<vmem>> -> memref<1x128xi32, #tpu.memory_space<vmem>>
        %dma_wait3A_203 = tpu.memref_squeeze %dma_wait3A_202 : memref<1x128xi32, #tpu.memory_space<vmem>> -> memref<128xi32, #tpu.memory_space<vmem>>
        %dma_wait3A_204 = arith.constant 0 : i32
        %dma_wait3A_205 = arith.constant 0 : i32
        %dma_wait3A_206 = tpu.memref_slice %arg3[%dma_wait3A_204, %dma_wait3A_205] : memref<20000x64xf32, #tpu.memory_space<hbm>> -> memref<20000x64xf32, #tpu.memory_space<hbm>>
        tpu.wait_indirect_dma semaphore(%run_scoped3A_194 : memref<!tpu.dma_semaphore, #tpu.memory_space<semaphore_mem>>) src(%dma_wait3A_206 : memref<20000x64xf32, #tpu.memory_space<hbm>>) dst(%arg12 : memref<128x64xf32, #tpu.memory_space<vmem>>)
        tpu.yield
      }) : () -> ()
      %run_scoped3A_193 = arith.constant 78 : i32
      "tpu.region"() ({
        %run_scoped3A_194 = tpu.sem_alloc : memref<!tpu.dma_semaphore, #tpu.memory_space<semaphore_mem>>
        %dma_start3A_195 = arith.constant 0 : i32
        %dma_start3A_196 = tpu.memref_slice %arg6[%run_scoped3A_193, %dma_start3A_195] : memref<79x128xi32, #tpu.memory_space<vmem>> -> memref<1x128xi32, #tpu.memory_space<vmem>>
        %dma_start3A_197 = tpu.memref_squeeze %dma_start3A_196 : memref<1x128xi32, #tpu.memory_space<vmem>> -> memref<128xi32, #tpu.memory_space<vmem>>
        %dma_start3A_198 = arith.constant 0 : i32
        %dma_start3A_199 = arith.constant 0 : i32
        %dma_start3A_200 = tpu.memref_slice %arg14[%dma_start3A_198, %dma_start3A_199] : memref<10000x64xf32, #tpu.memory_space<vmem_shared>> -> memref<10000x64xf32, #tpu.memory_space<vmem_shared>>
        tpu.enqueue_indirect_dma source(%arg12 : memref<128x64xf32, #tpu.memory_space<vmem>>) target(%dma_start3A_200 : memref<10000x64xf32, #tpu.memory_space<vmem_shared>>) offsets(%dma_start3A_197 : memref<128xi32, #tpu.memory_space<vmem>>) semaphore(%run_scoped3A_194 : memref<!tpu.dma_semaphore, #tpu.memory_space<semaphore_mem>>) {add = true}
        %dma_wait3A_201 = arith.constant 0 : i32
        %dma_wait3A_202 = tpu.memref_slice %arg6[%run_scoped3A_193, %dma_wait3A_201] : memref<79x128xi32, #tpu.memory_space<vmem>> -> memref<1x128xi32, #tpu.memory_space<vmem>>
        %dma_wait3A_203 = tpu.memref_squeeze %dma_wait3A_202 : memref<1x128xi32, #tpu.memory_space<vmem>> -> memref<128xi32, #tpu.memory_space<vmem>>
        %dma_wait3A_204 = arith.constant 0 : i32
        %dma_wait3A_205 = arith.constant 0 : i32
        %dma_wait3A_206 = tpu.memref_slice %arg14[%dma_wait3A_204, %dma_wait3A_205] : memref<10000x64xf32, #tpu.memory_space<vmem_shared>> -> memref<10000x64xf32, #tpu.memory_space<vmem_shared>>
        tpu.wait_indirect_dma semaphore(%run_scoped3A_194 : memref<!tpu.dma_semaphore, #tpu.memory_space<semaphore_mem>>) src(%arg12 : memref<128x64xf32, #tpu.memory_space<vmem>>) dst(%dma_wait3A_206 : memref<10000x64xf32, #tpu.memory_space<vmem_shared>>)
        tpu.yield
      }) : () -> ()
    } else {
    }
    %barrier3A_186 = arith.constant 0 : index
    tpu.barrier barrier_id(%barrier3A_186)
    %mul3A_187 = arith.constant 625 : i32
    %mul3A_188 = arith.muli %arg1, %mul3A_187 : i32
    %mul3A_189 = arith.constant 625 : i32
    %mul3A_190 = arith.muli %arg1, %mul3A_189 : i32
    %mul3A_191 = arith.constant 64 : i32
    %mul3A_192 = arith.muli %arg0, %mul3A_191 : i32
    "tpu.region"() ({
      %run_scoped3A = tpu.sem_alloc : memref<!tpu.dma_semaphore, #tpu.memory_space<semaphore_mem>>
      %dma_start3A_193 = tpu.memref_slice %arg4[%mul3A_190, %mul3A_192] : memref<10000x128xf32, #tpu.memory_space<hbm>> -> memref<625x64xf32, #tpu.memory_space<hbm>>
      %dma_start3A_194 = arith.constant 0 : i32
      %dma_start3A_195 = tpu.memref_slice %arg14[%mul3A_188, %dma_start3A_194] : memref<10000x64xf32, #tpu.memory_space<vmem_shared>> -> memref<625x64xf32, #tpu.memory_space<vmem_shared>>
      tpu.enqueue_dma source(%dma_start3A_195 : memref<625x64xf32, #tpu.memory_space<vmem_shared>>) target(%dma_start3A_193 : memref<625x64xf32, #tpu.memory_space<hbm>>) target_semaphore(%run_scoped3A : memref<!tpu.dma_semaphore, #tpu.memory_space<semaphore_mem>>)
      %dma_wait3A_196 = tpu.memref_slice %arg4[%mul3A_190, %mul3A_192] : memref<10000x128xf32, #tpu.memory_space<hbm>> -> memref<625x64xf32, #tpu.memory_space<hbm>>
      %dma_wait3A_197 = arith.constant 0 : i32
      %dma_wait3A_198 = tpu.memref_slice %arg14[%mul3A_188, %dma_wait3A_197] : memref<10000x64xf32, #tpu.memory_space<vmem_shared>> -> memref<625x64xf32, #tpu.memory_space<vmem_shared>>
      tpu.wait_dma2 semaphore(%run_scoped3A : memref<!tpu.dma_semaphore, #tpu.memory_space<semaphore_mem>>) src(%dma_wait3A_198 : memref<625x64xf32, #tpu.memory_space<vmem_shared>>) dst(%dma_wait3A_196 : memref<625x64xf32, #tpu.memory_space<hbm>>)
      tpu.yield
    }) : () -> ()
    return
  }
}

module attributes {stable_mosaic.version = 14 : i64} {
  func.func @_t1a_body(%arg0: memref<10000x128xf32, #tpu.memory_space<vmem>>, %arg1: memref<128x128xf32, #tpu.memory_space<vmem>>, %arg2: memref<10000x128xf32, #tpu.memory_space<vmem>>) attributes {dimension_semantics = [], scalar_prefetch = 0 : i64, scratch_operands = 0 : i64, tpu.core_type = #tpu.core_type<tc>} {
    %get3A = arith.constant 0 : index
    %get3A_0 = arith.constant 0 : index
    %get3A_1 = vector.load %arg0[%get3A, %get3A_0] : memref<10000x128xf32, #tpu.memory_space<vmem>>, vector<10000x128xf32>
    %get3A_2 = arith.constant 0 : index
    %get3A_3 = arith.constant 0 : index
    %get3A_4 = vector.load %arg1[%get3A_2, %get3A_3] : memref<128x128xf32, #tpu.memory_space<vmem>>, vector<128x128xf32>
    %dot_general3A = arith.constant dense<0.000000e+00> : vector<10000x128xf32>
    %dot_general3A_5 = tpu.matmul %get3A_1, %get3A_4, %dot_general3A {dimension_numbers = #tpu.dot_dimension_numbers<[1], [0], [0], [1], [0, 0, 1, 1], [], []>, transpose_lhs_hint = false} : vector<10000x128xf32>, vector<128x128xf32>, vector<10000x128xf32> -> vector<10000x128xf32>
    %swap3A = arith.constant 0 : index
    %swap3A_6 = arith.constant 0 : index
    %swap3A_7 = vector.load %arg2[%swap3A, %swap3A_6] : memref<10000x128xf32, #tpu.memory_space<vmem>>, vector<10000x128xf32>
    tpu.vector_store %arg2[%swap3A, %swap3A_6], %dot_general3A_5 {strides = array<i32>} : memref<10000x128xf32, #tpu.memory_space<vmem>>, vector<10000x128xf32>,
    return
  }
}

module attributes {stable_mosaic.version = 14 : i64} {
  func.func @_t1b_body(%arg0: memref<32x10000xf32, #tpu.memory_space<vmem>>, %arg1: memref<10000x128xf32, #tpu.memory_space<vmem>>, %arg2: memref<10000x128xf32, #tpu.memory_space<vmem>>) attributes {dimension_semantics = [], scalar_prefetch = 0 : i64, scratch_operands = 0 : i64, tpu.core_type = #tpu.core_type<tc>} {
    %get3A = arith.constant 0 : index
    %get3A_0 = arith.constant 0 : index
    %get3A_1 = vector.load %arg0[%get3A, %get3A_0] : memref<32x10000xf32, #tpu.memory_space<vmem>>, vector<32x10000xf32>
    %broadcast_in_dim3A = arith.constant 1.000000e+00 : f32
    %broadcast_in_dim3A_2 = vector.broadcast %broadcast_in_dim3A : f32 to vector<32x1xf32>
    %dot_general3A = arith.constant dense<0.000000e+00> : vector<10000x1xf32>
    %dot_general3A_3 = tpu.matmul %get3A_1, %broadcast_in_dim3A_2, %dot_general3A {dimension_numbers = #tpu.dot_dimension_numbers<[0], [0], [1], [1], [0, 1, 1, 1], [], []>, transpose_lhs_hint = false} : vector<32x10000xf32>, vector<32x1xf32>, vector<10000x1xf32> -> vector<10000x1xf32>
    %add3A = arith.constant 1.000000e+00 : f32
    %add3A_4 = vector.broadcast %add3A : f32 to vector<10000x1xf32>
    %add3A_5 = arith.addf %dot_general3A_3, %add3A_4 : vector<10000x1xf32>
    %rsqrt3A = math.rsqrt %add3A_5 : vector<10000x1xf32>
    %get3A_6 = arith.constant 0 : index
    %get3A_7 = arith.constant 0 : index
    %get3A_8 = vector.load %arg1[%get3A_6, %get3A_7] : memref<10000x128xf32, #tpu.memory_space<vmem>>, vector<10000x128xf32>
    %mul3A = vector.broadcast %rsqrt3A : vector<10000x1xf32> to vector<10000x128xf32>
    %mul3A_9 = arith.mulf %get3A_8, %mul3A : vector<10000x128xf32>
    %iota3A = tpu.iota {dimensions = array<i32: 1>} : vector<10000x128xi32>
    %eq3A = arith.constant 64 : i32
    %eq3A_10 = vector.broadcast %eq3A : i32 to vector<10000x128xi32>
    %eq3A_11 = arith.cmpi eq, %iota3A, %eq3A_10 : vector<10000x128xi32>
    %jit3A = arith.constant 0.000000e+00 : f32
    %broadcast_in_dim3A_12 = vector.shape_cast %rsqrt3A : vector<10000x1xf32> to vector<10000x1xf32>
    %broadcast_in_dim3A_13 = vector.broadcast %broadcast_in_dim3A_12 : vector<10000x1xf32> to vector<10000x128xf32>
    %broadcast_in_dim3A_14 = vector.broadcast %jit3A : f32 to vector<10000x128xf32>
    %select_n3A = arith.select %eq3A_11, %broadcast_in_dim3A_13, %broadcast_in_dim3A_14 : vector<10000x128xi1>, vector<10000x128xf32>
    %add3A_15 = arith.addf %mul3A_9, %select_n3A : vector<10000x128xf32>
    %swap3A = arith.constant 0 : index
    %swap3A_16 = arith.constant 0 : index
    %swap3A_17 = vector.load %arg2[%swap3A, %swap3A_16] : memref<10000x128xf32, #tpu.memory_space<vmem>>, vector<10000x128xf32>
    tpu.vector_store %arg2[%swap3A, %swap3A_16], %add3A_15 {strides = array<i32>} : memref<10000x128xf32, #tpu.memory_space<vmem>>, vector<10000x128xf32>,
    return
  }
}

module attributes {stable_mosaic.version = 14 : i64} {
  func.func @_t2_body(%arg0: memref<10000x128xf32, #tpu.memory_space<vmem>>, %arg1: memref<10000x128xf32, #tpu.memory_space<vmem>>, %arg2: memref<1x64xf32, #tpu.memory_space<vmem>>, %arg3: memref<1x64xf32, #tpu.memory_space<vmem>>, %arg4: memref<1x64xf32, #tpu.memory_space<vmem>>, %arg5: memref<64x128xf32, #tpu.memory_space<vmem>>, %arg6: memref<10000x128xf32, #tpu.memory_space<vmem>>) attributes {dimension_semantics = [], scalar_prefetch = 0 : i64, scratch_operands = 0 : i64, tpu.core_type = #tpu.core_type<tc>} {
    %get3A = arith.constant 0 : index
    %get3A_0 = arith.constant 0 : index
    %get3A_1 = vector.load %arg0[%get3A, %get3A_0] : memref<10000x128xf32, #tpu.memory_space<vmem>>, vector<10000x128xf32>
    %get3A_2 = arith.constant 0 : index
    %get3A_3 = arith.constant 0 : index
    %get3A_4 = vector.load %arg1[%get3A_2, %get3A_3] : memref<10000x128xf32, #tpu.memory_space<vmem>>, vector<10000x128xf32>
    %slice3A = vector.extract_strided_slice %get3A_4 {offsets = [0, 64], sizes = [10000, 1], strides = [1, 1]} : vector<10000x128xf32> to vector<10000x1xf32>
    %slice3A_5 = vector.extract_strided_slice %get3A_1 {offsets = [0, 0], sizes = [10000, 64], strides = [1, 1]} : vector<10000x128xf32> to vector<10000x64xf32>
    %slice3A_6 = vector.extract_strided_slice %get3A_1 {offsets = [0, 64], sizes = [10000, 64], strides = [1, 1]} : vector<10000x128xf32> to vector<10000x64xf32>
    %add3A = arith.addf %slice3A_5, %slice3A_6 : vector<10000x64xf32>
    %slice3A_7 = vector.extract_strided_slice %get3A_4 {offsets = [0, 0], sizes = [10000, 64], strides = [1, 1]} : vector<10000x128xf32> to vector<10000x64xf32>
    %add3A_8 = arith.addf %add3A, %slice3A_7 : vector<10000x64xf32>
    %mul3A = vector.broadcast %slice3A : vector<10000x1xf32> to vector<10000x64xf32>
    %mul3A_9 = arith.mulf %mul3A, %add3A_8 : vector<10000x64xf32>
    %get3A_10 = arith.constant 0 : index
    %get3A_11 = arith.constant 0 : index
    %get3A_12 = vector.load %arg2[%get3A_10, %get3A_11] : memref<1x64xf32, #tpu.memory_space<vmem>>, vector<1x64xf32>
    %add3A_13 = vector.broadcast %get3A_12 : vector<1x64xf32> to vector<10000x64xf32>
    %add3A_14 = arith.addf %mul3A_9, %add3A_13 : vector<10000x64xf32>
    %get3A_15 = arith.constant 0 : index
    %get3A_16 = arith.constant 0 : index
    %get3A_17 = vector.load %arg3[%get3A_15, %get3A_16] : memref<1x64xf32, #tpu.memory_space<vmem>>, vector<1x64xf32>
    %mul3A_18 = arith.constant 0.999994993 : f32
    %mul3A_19 = vector.broadcast %mul3A_18 : f32 to vector<1x64xf32>
    %mul3A_20 = arith.mulf %get3A_17, %mul3A_19 : vector<1x64xf32>
    %mul3A_21 = vector.broadcast %mul3A_20 : vector<1x64xf32> to vector<10000x64xf32>
    %mul3A_22 = arith.mulf %add3A_14, %mul3A_21 : vector<10000x64xf32>
    %get3A_23 = arith.constant 0 : index
    %get3A_24 = arith.constant 0 : index
    %get3A_25 = vector.load %arg4[%get3A_23, %get3A_24] : memref<1x64xf32, #tpu.memory_space<vmem>>, vector<1x64xf32>
    %add3A_26 = vector.broadcast %get3A_25 : vector<1x64xf32> to vector<10000x64xf32>
    %add3A_27 = arith.addf %mul3A_22, %add3A_26 : vector<10000x64xf32>
    %max3A = arith.constant 0.000000e+00 : f32
    %max3A_28 = vector.broadcast %max3A : f32 to vector<10000x64xf32>
    %max3A_29 = arith.maximumf %add3A_27, %max3A_28 : vector<10000x64xf32>
    %get3A_30 = arith.constant 0 : index
    %get3A_31 = arith.constant 0 : index
    %get3A_32 = vector.load %arg5[%get3A_30, %get3A_31] : memref<64x128xf32, #tpu.memory_space<vmem>>, vector<64x128xf32>
    %dot_general3A = arith.constant dense<0.000000e+00> : vector<10000x128xf32>
    %dot_general3A_33 = tpu.matmul %max3A_29, %get3A_32, %dot_general3A {dimension_numbers = #tpu.dot_dimension_numbers<[1], [0], [0], [1], [0, 0, 1, 1], [], []>, transpose_lhs_hint = false} : vector<10000x64xf32>, vector<64x128xf32>, vector<10000x128xf32> -> vector<10000x128xf32>
    %mul3A_34 = vector.broadcast %slice3A : vector<10000x1xf32> to vector<10000x128xf32>
    %mul3A_35 = arith.mulf %dot_general3A_33, %mul3A_34 : vector<10000x128xf32>
    %iota3A = tpu.iota {dimensions = array<i32: 1>} : vector<10000x128xi32>
    %eq3A = arith.constant 64 : i32
    %eq3A_36 = vector.broadcast %eq3A : i32 to vector<10000x128xi32>
    %eq3A_37 = arith.cmpi eq, %iota3A, %eq3A_36 : vector<10000x128xi32>
    %jit3A = arith.constant 0.000000e+00 : f32
    %broadcast_in_dim3A = vector.shape_cast %slice3A : vector<10000x1xf32> to vector<10000x1xf32>
    %broadcast_in_dim3A_38 = vector.broadcast %broadcast_in_dim3A : vector<10000x1xf32> to vector<10000x128xf32>
    %broadcast_in_dim3A_39 = vector.broadcast %jit3A : f32 to vector<10000x128xf32>
    %select_n3A = arith.select %eq3A_37, %broadcast_in_dim3A_38, %broadcast_in_dim3A_39 : vector<10000x128xi1>, vector<10000x128xf32>
    %add3A_40 = arith.addf %mul3A_35, %select_n3A : vector<10000x128xf32>
    %swap3A = arith.constant 0 : index
    %swap3A_41 = arith.constant 0 : index
    %swap3A_42 = vector.load %arg6[%swap3A, %swap3A_41] : memref<10000x128xf32, #tpu.memory_space<vmem>>, vector<10000x128xf32>
    tpu.vector_store %arg6[%swap3A, %swap3A_41], %add3A_40 {strides = array<i32>} : memref<10000x128xf32, #tpu.memory_space<vmem>>, vector<10000x128xf32>,
    return
  }
}

module attributes {stable_mosaic.version = 14 : i64} {
  func.func @_t3_body(%arg0: memref<10000x128xf32, #tpu.memory_space<vmem>>, %arg1: memref<10000x128xf32, #tpu.memory_space<vmem>>, %arg2: memref<1x64xf32, #tpu.memory_space<vmem>>, %arg3: memref<1x64xf32, #tpu.memory_space<vmem>>, %arg4: memref<1x64xf32, #tpu.memory_space<vmem>>, %arg5: memref<1x10000xi32, #tpu.memory_space<vmem>>, %arg6: memref<64x32xf32, #tpu.memory_space<vmem>>, %arg7: memref<1x32xf32, #tpu.memory_space<vmem>>, %arg8: memref<32x2xf32, #tpu.memory_space<vmem>>, %arg9: memref<1x2xf32, #tpu.memory_space<vmem>>, %arg10: memref<128x2xf32, #tpu.memory_space<vmem>>) attributes {dimension_semantics = [], scalar_prefetch = 0 : i64, scratch_operands = 0 : i64, tpu.core_type = #tpu.core_type<tc>} {
    %get3A = arith.constant 0 : index
    %get3A_0 = arith.constant 0 : index
    %get3A_1 = vector.load %arg0[%get3A, %get3A_0] : memref<10000x128xf32, #tpu.memory_space<vmem>>, vector<10000x128xf32>
    %get3A_2 = arith.constant 0 : index
    %get3A_3 = arith.constant 0 : index
    %get3A_4 = vector.load %arg1[%get3A_2, %get3A_3] : memref<10000x128xf32, #tpu.memory_space<vmem>>, vector<10000x128xf32>
    %slice3A = vector.extract_strided_slice %get3A_4 {offsets = [0, 64], sizes = [10000, 1], strides = [1, 1]} : vector<10000x128xf32> to vector<10000x1xf32>
    %slice3A_5 = vector.extract_strided_slice %get3A_1 {offsets = [0, 0], sizes = [10000, 64], strides = [1, 1]} : vector<10000x128xf32> to vector<10000x64xf32>
    %slice3A_6 = vector.extract_strided_slice %get3A_1 {offsets = [0, 64], sizes = [10000, 64], strides = [1, 1]} : vector<10000x128xf32> to vector<10000x64xf32>
    %add3A = arith.addf %slice3A_5, %slice3A_6 : vector<10000x64xf32>
    %slice3A_7 = vector.extract_strided_slice %get3A_4 {offsets = [0, 0], sizes = [10000, 64], strides = [1, 1]} : vector<10000x128xf32> to vector<10000x64xf32>
    %add3A_8 = arith.addf %add3A, %slice3A_7 : vector<10000x64xf32>
    %mul3A = vector.broadcast %slice3A : vector<10000x1xf32> to vector<10000x64xf32>
    %mul3A_9 = arith.mulf %mul3A, %add3A_8 : vector<10000x64xf32>
    %get3A_10 = arith.constant 0 : index
    %get3A_11 = arith.constant 0 : index
    %get3A_12 = vector.load %arg2[%get3A_10, %get3A_11] : memref<1x64xf32, #tpu.memory_space<vmem>>, vector<1x64xf32>
    %add3A_13 = vector.broadcast %get3A_12 : vector<1x64xf32> to vector<10000x64xf32>
    %add3A_14 = arith.addf %mul3A_9, %add3A_13 : vector<10000x64xf32>
    %get3A_15 = arith.constant 0 : index
    %get3A_16 = arith.constant 0 : index
    %get3A_17 = vector.load %arg3[%get3A_15, %get3A_16] : memref<1x64xf32, #tpu.memory_space<vmem>>, vector<1x64xf32>
    %mul3A_18 = arith.constant 0.999994993 : f32
    %mul3A_19 = vector.broadcast %mul3A_18 : f32 to vector<1x64xf32>
    %mul3A_20 = arith.mulf %get3A_17, %mul3A_19 : vector<1x64xf32>
    %mul3A_21 = vector.broadcast %mul3A_20 : vector<1x64xf32> to vector<10000x64xf32>
    %mul3A_22 = arith.mulf %add3A_14, %mul3A_21 : vector<10000x64xf32>
    %get3A_23 = arith.constant 0 : index
    %get3A_24 = arith.constant 0 : index
    %get3A_25 = vector.load %arg4[%get3A_23, %get3A_24] : memref<1x64xf32, #tpu.memory_space<vmem>>, vector<1x64xf32>
    %add3A_26 = vector.broadcast %get3A_25 : vector<1x64xf32> to vector<10000x64xf32>
    %add3A_27 = arith.addf %mul3A_22, %add3A_26 : vector<10000x64xf32>
    %max3A = arith.constant 0.000000e+00 : f32
    %max3A_28 = vector.broadcast %max3A : f32 to vector<10000x64xf32>
    %max3A_29 = arith.maximumf %add3A_27, %max3A_28 : vector<10000x64xf32>
    %get3A_30 = arith.constant 0 : index
    %get3A_31 = arith.constant 0 : index
    %get3A_32 = vector.load %arg5[%get3A_30, %get3A_31] : memref<1x10000xi32, #tpu.memory_space<vmem>>, vector<1x10000xi32>
    %iota3A = tpu.iota {dimensions = array<i32: 0>} : vector<128x10000xi32>
    %eq3A = vector.broadcast %get3A_32 : vector<1x10000xi32> to vector<128x10000xi32>
    %eq3A_33 = arith.cmpi eq, %iota3A, %eq3A : vector<128x10000xi32>
    %convert_element_type3A = arith.extui %eq3A_33 : vector<128x10000xi1> to vector<128x10000xi32>
    %convert_element_type3A_34 = arith.sitofp %convert_element_type3A : vector<128x10000xi32> to vector<128x10000xf32>
    %dot_general3A = arith.constant dense<0.000000e+00> : vector<128x64xf32>
    %dot_general3A_35 = tpu.matmul %convert_element_type3A_34, %max3A_29, %dot_general3A {dimension_numbers = #tpu.dot_dimension_numbers<[1], [0], [0], [1], [0, 0, 1, 1], [], []>, transpose_lhs_hint = false} : vector<128x10000xf32>, vector<10000x64xf32>, vector<128x64xf32> -> vector<128x64xf32>
    %reduce_sum3A = arith.constant dense<0.000000e+00> : vector<128xf32>
    %reduce_sum3A_36 = vector.multi_reduction <add>, %convert_element_type3A_34, %reduce_sum3A [1] : vector<128x10000xf32> to vector<128xf32>
    %broadcast_in_dim3A = vector.shape_cast %reduce_sum3A_36 : vector<128xf32> to vector<128x1xf32>
    %max3A_37 = arith.constant 1.000000e+00 : f32
    %max3A_38 = vector.broadcast %max3A_37 : f32 to vector<128x1xf32>
    %max3A_39 = arith.maximumf %broadcast_in_dim3A, %max3A_38 : vector<128x1xf32>
    %div3A = vector.broadcast %max3A_39 : vector<128x1xf32> to vector<128x64xf32>
    %div3A_40 = arith.divf %dot_general3A_35, %div3A : vector<128x64xf32>
    %get3A_41 = arith.constant 0 : index
    %get3A_42 = arith.constant 0 : index
    %get3A_43 = vector.load %arg6[%get3A_41, %get3A_42] : memref<64x32xf32, #tpu.memory_space<vmem>>, vector<64x32xf32>
    %dot_general3A_44 = arith.constant dense<0.000000e+00> : vector<128x32xf32>
    %dot_general3A_45 = tpu.matmul %div3A_40, %get3A_43, %dot_general3A_44 {dimension_numbers = #tpu.dot_dimension_numbers<[1], [0], [0], [1], [0, 0, 1, 1], [], []>, transpose_lhs_hint = false} : vector<128x64xf32>, vector<64x32xf32>, vector<128x32xf32> -> vector<128x32xf32>
    %get3A_46 = arith.constant 0 : index
    %get3A_47 = arith.constant 0 : index
    %get3A_48 = vector.load %arg7[%get3A_46, %get3A_47] : memref<1x32xf32, #tpu.memory_space<vmem>>, vector<1x32xf32>
    %add3A_49 = vector.broadcast %get3A_48 : vector<1x32xf32> to vector<128x32xf32>
    %add3A_50 = arith.addf %dot_general3A_45, %add3A_49 : vector<128x32xf32>
    %max3A_51 = arith.constant 0.000000e+00 : f32
    %max3A_52 = vector.broadcast %max3A_51 : f32 to vector<128x32xf32>
    %max3A_53 = arith.maximumf %add3A_50, %max3A_52 : vector<128x32xf32>
    %get3A_54 = arith.constant 0 : index
    %get3A_55 = arith.constant 0 : index
    %get3A_56 = vector.load %arg8[%get3A_54, %get3A_55] : memref<32x2xf32, #tpu.memory_space<vmem>>, vector<32x2xf32>
    %dot_general3A_57 = arith.constant dense<0.000000e+00> : vector<128x2xf32>
    %dot_general3A_58 = tpu.matmul %max3A_53, %get3A_56, %dot_general3A_57 {dimension_numbers = #tpu.dot_dimension_numbers<[1], [0], [0], [1], [0, 0, 1, 1], [], []>, transpose_lhs_hint = false} : vector<128x32xf32>, vector<32x2xf32>, vector<128x2xf32> -> vector<128x2xf32>
    %get3A_59 = arith.constant 0 : index
    %get3A_60 = arith.constant 0 : index
    %get3A_61 = vector.load %arg9[%get3A_59, %get3A_60] : memref<1x2xf32, #tpu.memory_space<vmem>>, vector<1x2xf32>
    %add3A_62 = vector.broadcast %get3A_61 : vector<1x2xf32> to vector<128x2xf32>
    %add3A_63 = arith.addf %dot_general3A_58, %add3A_62 : vector<128x2xf32>
    %swap3A = arith.constant 0 : index
    %swap3A_64 = arith.constant 0 : index
    %swap3A_65 = vector.load %arg10[%swap3A, %swap3A_64] : memref<128x2xf32, #tpu.memory_space<vmem>>, vector<128x2xf32>
    tpu.vector_store %arg10[%swap3A, %swap3A_64], %add3A_63 {strides = array<i32>} : memref<128x2xf32, #tpu.memory_space<vmem>>, vector<128x2xf32>,
    return
  }
}

</mosaic_0001>

<sc_bundles>
// kernel: kernel.12.cloned.1.call-start
scs
__scs_entry_jumppad:
0x0: {  	(pc) =	sbr.rel $0x88, $3  }
0x1: {  	(tag) =	ssettag $0x0;
	lr =	simm.s32 $0x1  }
0x2: {  	[smem:$0x3F92] =	sst lr;
	_ =	strace $0xD0000000  }
0x3: {  	_ = 	snop  }
0x4: {  	_ = 	snop  }
0x5: {  	_ = 	snop  }
0x6: {  	_ = 	snop  }
0x7: {  	_ = 	snop  }
__scs_overlays_trampoline_lowered:
0x8: {  	[smem:$0x3FA1] =	sst s0  }
0x9: {  	[smem:$0x3FA2] =	sst s1  }
0xa: {  	[smem:$0x3FA3] =	sst s2  }
0xb: {  	[smem:$0x3FA4] =	sst s3  }
0xc: {  	[smem:$0x3FA5] =	sst s4  }
0xd: {  	[smem:$0x3FA6] =	sst s5  }
0xe: {  	[smem:$0x3FA7] =	sst s6  }
0xf: {  	[smem:$0x3FA8] =	sst s7  }
0x10: {  	[smem:$0x3FA9] =	sst s8  }
0x11: {  	[smem:$0x3FAA] =	sst s9;
	s0 =	simm.s32 @!p0 $0x0  }
0x12: {  	s1 =	sld [smem:$0x3F90];
	s0 =	simm.s32 @p0 $0x1  }
0x13: {  	[smem:$0x3FAB] =	sst s0;
	s0 =	simm.s32 @!p1 $0x0  }
0x14: {  	s2 =	sld [smem:$0x3F8F];
	s0 =	simm.s32 @p1 $0x1  }
0x15: {  	[smem:$0x3FAC] =	sst s0;
	s0 =	simm.s32 @!p2 $0x0  }
0x16: {  	s3 =	sld [smem:$0x3FDB];
	s0 =	simm.s32 @p2 $0x1  }
0x17: {  	s4 =	simm.s32 $0x1BF5;
	[smem:$0x3FAE] =	sst s0  }
0x18: {  	s0 =	sld [smem:$0x3F91];
	_ =	swait.ge [sflag:s4], $0x0  }
0x19: {  	s7 =	sld [smem:$0x3F92]  }
0x1a: {  	s8 =	sadd.s32 $0xFFFFE003, lr  }
0x1b: {  	s9 =	sadd.s32 $0xFFFFFEF7, lr;
	s5 =	simm.s32 $0xFFFFFFFF;
	p2 =	slt.u32 s8, $0xFFFFF086  }
0x1c: {  	p1 =	slt.u32 s9, $0xF7A;
	s5 =	simm.s32 @!p2 $0x0  }
0x1d: {  	s5 =	simm.s32 @p1 $0x1;
	p0 =	seq.s32 s7, s2  }
0x1e: {  	s7 =	smul.u32 @!p0 $0xF7A, s2;
	p2 =	seq.s32 @!p0 s5, $0x0  }
0x1f: {  	s9 =	smul.u32 $0xF7A, s1;
	s8 =	simm.s32 @!p0 $0x1BF5;
	p2 =	por !p2, p0  }
0x20: {  	[sflag:s8] =	ssyncset.s32 @!p0 $0xFFFFF086;
	s6 =	sadd.s32 @!p0 s3, s7;
	s7 =	simm.s32 @!p0 $0x108  }
0x21: {  	s3 =	sadd.s32 s3, s9;
	s6 =	sadd.s32 @!p0 $0x88, s6;
	s7 =	simm.s32 @p2 $0x1082  }
0x22: {  	[simem:s7], [sflag:s8] =	dma.local @!p0 [hbm:s6], $0xF7A  }
0x23: {  	s9 =	sor.u32 $0xD0000000, s2;
	s6 =	simm.s32 $0x108;
	_ =	swait.ge @!p0 [sflag:s8], $0x0  }
0x24: {  	s3 =	sadd.s32 $0x88, s3;
	s6 =	simm.s32 @!p1 $0x1082;
	[sflag:s4] =	ssyncset.s32 $0xFFFFF086  }
0x25: {  	[simem:s6], [sflag:s4] =	dma.local [hbm:s3], $0xF7A  }
0x26: {  	[smem:$0x3F92] =	sst s1;
	(tag) =	ssettag s2;
	_ =	strace s9  }
0x27: {  	s1 =	sld [smem:$0x3FA2]  }
0x28: {  	s2 =	sld [smem:$0x3FA3]  }
0x29: {  	s4 =	sld [smem:$0x3FA5]  }
0x2a: {  	p0 =	seq.s32 s5, $0x0;
	s5 =	sld [smem:$0x3FA6]  }
0x2b: {  	s6 =	sld [smem:$0x3FA7]  }
0x2c: {  	s7 =	sld [smem:$0x3FA8]  }
0x2d: {  	s3 =	simm.s32 $0x108;
	s8 =	sld [smem:$0x3FA9]  }
0x2e: {  	s3 =	simm.s32 @!p0 $0x1082;
	s9 =	sld [smem:$0x3FAA]  }
0x2f: {  	lr =	sadd.s32 s0, s3;
	s0 =	sld [smem:$0x3FA1]  }
0x30: {  	s3 =	sld [smem:$0x3FA4]  }
0x31: {  	[smem:$0x3FAD] =	sst s10  }
0x32: {  	s10 =	sld [smem:$0x3FAB];
	_ =	sdelay $0x3  }
0x33: {  	p0 =	seq.s32 s10, $0x1;
	s10 =	sld [smem:$0x3FAD];
	_ =	sdelay $0x3  }
0x34: {  	[smem:$0x3FAD] =	sst s10  }
0x35: {  	s10 =	sld [smem:$0x3FAC];
	_ =	sdelay $0x3  }
0x36: {  	p1 =	seq.s32 s10, $0x1;
	s10 =	sld [smem:$0x3FAD];
	_ =	sdelay $0x3  }
0x37: {  	[smem:$0x3FAD] =	sst s10  }
0x38: {  	s10 =	sld [smem:$0x3FAE]  }
0x39: {  	_ = 	snop;
	(pc) =	sbr.ind lr, $3  }
0x3a: {  	_ = 	snop  }
0x3b: {  	_ = 	snop  }
0x3c: {  	p2 =	seq.s32 s10, $0x1;
	s10 =	sld [smem:$0x3FAD]  }
0x3d: {  	_ =	shalt  }
0x3e: {  	_ =	shalt  }
0x3f: {  	_ =	shalt  }
0x40: {  	_ =	shalt  }
0x41: {  	_ =	shalt  }
0x42: {  	_ =	shalt  }
0x43: {  	_ =	shalt  }
0x44: {  	_ =	shalt  }
0x45: {  	_ =	shalt  }
0x46: {  	_ =	shalt  }
0x47: {  	_ =	shalt  }
0x48: {  	_ =	shalt  }
0x49: {  	_ =	shalt  }
0x4a: {  	_ =	shalt  }
0x4b: {  	_ =	shalt  }
0x4c: {  	_ =	shalt  }
0x4d: {  	_ =	shalt  }
0x4e: {  	_ =	shalt  }
0x4f: {  	_ =	shalt  }
0x50: {  	_ =	shalt  }
0x51: {  	_ =	shalt  }
0x52: {  	_ =	shalt  }
0x53: {  	_ =	shalt  }
0x54: {  	_ =	shalt  }
0x55: {  	_ =	shalt  }
0x56: {  	_ =	shalt  }
0x57: {  	_ =	shalt  }
0x58: {  	_ =	shalt  }
0x59: {  	_ =	shalt  }
0x5a: {  	_ =	shalt  }
0x5b: {  	_ =	shalt  }
0x5c: {  	_ =	shalt  }
0x5d: {  	_ =	shalt  }
0x5e: {  	_ =	shalt  }
0x5f: {  	_ =	shalt  }
0x60: {  	_ =	shalt  }
0x61: {  	_ =	shalt  }
0x62: {  	_ =	shalt  }
0x63: {  	_ =	shalt  }
0x64: {  	_ =	shalt  }
0x65: {  	_ =	shalt  }
0x66: {  	_ =	shalt  }
0x67: {  	_ =	shalt  }
0x68: {  	_ =	shalt  }
0x69: {  	_ =	shalt  }
0x6a: {  	_ =	shalt  }
0x6b: {  	_ =	shalt  }
0x6c: {  	_ =	shalt  }
0x6d: {  	_ =	shalt  }
0x6e: {  	_ =	shalt  }
0x6f: {  	_ =	shalt  }
0x70: {  	_ =	shalt  }
0x71: {  	_ =	shalt  }
0x72: {  	_ =	shalt  }
0x73: {  	_ =	shalt  }
0x74: {  	_ =	shalt  }
0x75: {  	_ =	shalt  }
0x76: {  	_ =	shalt  }
0x77: {  	_ =	shalt  }
0x78: {  	_ =	shalt  }
0x79: {  	_ =	shalt  }
0x7a: {  	_ =	shalt  }
0x7b: {  	_ =	shalt  }
0x7c: {  	_ =	shalt  }
0x7d: {  	_ =	shalt  }
0x7e: {  	_ =	shalt  }
0x7f: {  	_ =	shalt  }
0x80: {  	_ =	shalt  }
0x81: {  	_ =	shalt  }
0x82: {  	_ =	shalt  }
0x83: {  	_ =	shalt  }
0x84: {  	_ =	shalt  }
0x85: {  	_ =	shalt  }
0x86: {  	_ =	shalt  }
0x87: {  	_ =	shalt  }
.Lfunc_end0:
.L_simem_size_0:
called_computation.1_lowered:
.L_overlay_start_0:
0x88: {  	s2 =	sld [smem:$0x3FD9]  }
0x89: {  	s3 =	sld [smem:$0x3FFE];
	_ =	sdelay $0x1  }
0x8a: {  	s1 =	srdreg.scid  }
0x8b: {  	s0 =	sand.u32 $0x1, s1  }
0x8c: {  	s16 =	sshll.u32 s0, $0xA;
	s2 =	sadd.s32 s3, s2  }
0x8d: {  	s2 =	sadd.s32 s2, s16  }
0x8e: {  	[smem:$0x3FB9] =	sst s2  }
0x8f: {  	_ = 	snop  }
0x90: {  	(tm) =	ssettm $0x1  }
0x91: {  	s17 =	sld [smem:$0x3FFB];
	_ =	sdelay $0x3  }
0x92: {  	_ =	strace s17  }
0x93: {  	s2 =	sld [smem:$0x3FFC];
	_ =	sdelay $0x3  }
0x94: {  	_ =	strace s2  }
0x95: {  	s2 =	sld [smem:$0x3FFD];
	_ =	sdelay $0x3  }
0x96: {  	_ =	strace s2  }
0x97: {  	_ =	strace $0x8FFFFFFF  }
0x98: {  	s18 =	sld [smem:$0x3FDB];
	_ =	sdelay $0x1  }
0x99: {  	s19 =	simm.s32 $_scs_section_size  }
0x9a: {  	s4 =	simm.s32 $_size__tile_overlayer_lowered;
	s5 =	simm.s32 $_tile_overlayer_lowered  }
0x9b: {  	s22 =	simm.s32 $0x1BFF;
	s21 =	sshll.u32 s5, $0x1;
	s2 =	sadd.s32 s19, s18  }
0x9c: {  	s6 =	simm.s32 $0x0;
	s20 =	sshll.u32 s4, $0x1;
	s4 =	sadd.s32 s21, s2  }
0x9d: {  	[timem:s6], [sflag:s22] =	dma.local [hbm:s4], s20  }
0x9e: {  	_ =	swait.ge [sflag:s22], s20  }
0x9f: {  	s3 =	ssub.s32 $0x0, s20;
	[sflag:s22] =	ssyncset.done $0x0  }
0xa0: {  	[sflag:s22] =	ssyncadd.s32 s3;
	_ =	sdelay $0x1  }
0xa1: {  	s23 =	simm.s32 $0x1B8B  }
0xa2: {  	_ =	swait.ge [sflag:s23], $0x1  }
0xa3: {  	[sflag:s23] =	ssyncset.done $0x0  }
0xa4: {  	s25 =	simm.s32 $0x1B8E;
	s24 =	sld [smem:$0x3FFE];
	[sflag:s23] =	ssyncadd.s32 $0xFFFFFFFF  }
0xa5: {  	s26 =	simm.s32 $execute0_lowered;
	[smem:$0x3FD2] =	sst s25  }
0xa6: {  	s4 =	sshll.u32 s26, $0x1;
	_ =	strace $0x80000049;
	[dreg:$0x1] =	wrdreg $0xFFFFFFFF  }
0xa7: {  	s28 =	simm.s32 $_size_execute0_lowered;
	s2 =	sadd.s32 s2, s4;
	[dreg:$0x0] =	wrdreg $0x0  }
0xa8: {  	s4 =	sshll.u32 s28, $0x1;
	[dreg:$0x2] =	wrdreg s2  }
0xa9: {  	[dreg:$0x3] =	wrdreg s4  }
0xaa: {  	[dreg:$0x4] =	wrdreg $0xC0  }
0xab: {  	_ =	task [dreg:s6], $0x5FFFF  }
0xac: {  	[dreg:$0x1] =	wrdreg $0xFFFFFFFF  }
0xad: {  	[dreg:$0x0] =	wrdreg $0x60  }
0xae: {  	[dreg:$0x2] =	wrdreg s24  }
0xaf: {  	[dreg:$0x3] =	wrdreg $0x12E400  }
0xb0: {  	[dreg:$0x4] =	wrdreg $0x9  }
0xb1: {  	_ =	task.clear_ibuf [dreg:s6], $0x5FFFF;
	_ =	strace $0x90000049  }
0xb2: {  	s29 =	simm.s32 $0x9;
	_ =	strace $0x8000004B  }
0xb3: {  	_ =	swait.ge [sflag:s29], $0x1  }
0xb4: {  	[sflag:s29] =	ssyncadd.s32 $0xFFFFFFFF  }
0xb5: {  	_ =	strace $0x9000004B  }
0xb6: {  	_ =	sfence  }
0xb7: {  	s30 =	sld [smem:$0x0];
	_ =	sdelay $0x2  }
0xb8: {  	s31 =	sshll.u32 s1, $0xD;
	s1 =	sshrl.u32 s1, $0x2  }
0xb9: {  	s3 =	sand.u32 $0x4000, s31;
	s1 =	sadd.s32 s1, s30  }
0xba: {  	s0 =	sor.u32 s3, s0;
	s1 =	sshll.u32 s1, $0x11  }
0xbb: {  	s0 =	sor.u32 s1, s0  }
0xbc: {  	s0 =	sadd.s32 $0x8F2B, s0  }
0xbd: {  	[sflag:s0] =	ssyncadd.remote.s32 $0x1  }
0xbe: {  	_ =	sfence.sel $0xFFFF  }
0xbf: {  	[dreg:$0x0] =	wrdreg $0xFFFFFFFF;
	(pc) =	sbr.abs _section_cstart, $3  }
0xc0: {  	[dreg:$0x1] =	wrdreg $0xFFFFFFFF  }
0xc1: {  	_ =	task.clear_ibuf [dreg:s6], $0x2FFFF;
	_ =	strace $0x9FFFFFFF  }
0xc2: {  	(tm) =	ssettm $0x7FFFFFFF  }
0xc3: {  	_ =	shalt  }
tec
execute0_lowered:
.L_overlay_start_1:
0x0: {  	(tag) =	ssettag $0x1  }
0x1: {  	s0 =	rddreg [dreg:$0x0]  }
0x2: {  	s1 =	rddreg [dreg:$0x1];
	s2 =	simm.s32 $0x0;
	s13 =	srdreg.scid  }
0x3: {  	s9 =	stileid.u32;
	s28 =	simm.s32 $0xAF00;
	s30 =	simm.s32 $0xCF00  }
0x4: {  	s29 =	simm.s32 $0x6;
	s31 =	simm.s32 $0x7;
	s10 =	simm.s32 $0x2680  }
0x5: {  	s11 =	simm.s32 $0x0;
	[smem:$0x7FF] =	sst s2;
	s2 =	sand.u32 $0x1, s13  }
0x6: {  	s3 =	smul.u32 $0x13880, s9;
	s6 =	sadd.s32 $0xD600, s0;
	s7 =	sshll.u32 s9, $0x1  }
0x7: {  	s4 =	sadd.s32 $0x21000, s0;
	s8 =	smul.u32 $0x27100, s9;
	p0 =	sgt.u32 s9, $0x1  }
0x8: {  	s9 =	simm.s32 $0xC;
	_ =	strace $0x8000004A;
	s5 =	sshll.u32 s2, $0x6  }
0x9: {  	s14 =	sor.u32 s2, s7;
	s2 =	ssub.s32 $0x2, s2;
	s3 =	sor.u32 s5, s3  }
0xa: {  	s7 =	smul.u32 $0x2700, s14;
	s15 =	sshrl.u32 s2, $0x1;
	s17 =	sshll.u32 s14, $0x4  }
0xb: {  	s19 =	sshrl.u32 s8, $0x2;
	s3 =	sshrl.u32 s3, $0x3;
	s2 =	ssub.s32 s2, s15  }
0xc: {  	s18 =	sadd.s32 s17, s6;
	s8 =	sadd.s32 s19, s1;
	s17 =	simm.s32 $0x10F00  }
0xd: {  	s19 =	simm.s32 $0x1;
	s0 =	sadd.s32 s3, s0;
	s21 =	sadd.s32 $0x9C00, s18  }
0xe: {  	s16 =	sshrl.u32 s7, $0x3;
	s3 =	sadd.s32 $0x13840, s18;
	[dreg:$0x4] =	wrdreg s21  }
0xf: {  	s22 =	sadd.s32 $0x1F40, s8;
	s23 =	sadd.s32 $0x3E80, s8;
	[dreg:$0x5] =	wrdreg s3  }
0x10: {  	s24 =	sadd.s32 $0x5DC0, s8;
	s25 =	sadd.s32 $0x7D00, s8;
	[dreg:$0x6] =	wrdreg s22  }
0x11: {  	s26 =	smax.u32 s2, $0x1;
	s18 =	simm.s32 $0xD;
	[dreg:$0x7] =	wrdreg s23  }
0x12: {  	s2 =	simm.s32 $0x8;
	s7 =	simm.s32 $0xB;
	[dreg:$0x8] =	wrdreg s24  }
0x13: {  	s5 =	sadd.s32 s6, s16;
	[dreg:$0x9] =	wrdreg s25;
	s0 =	sadd.s32 $0x48200, s0  }
0x14: {  	[dreg:$0xb] =	wrdreg s26;
	s21 =	simm.s32 $0x80;
	s22 =	simm.s32 $0x4F00  }
0x15: {  	s23 =	simm.s32 $0x6F00;
	s25 =	simm.s32 $0x8F00;
	s16 =	simm.s32 $0x3  }
0x16: {  	s24 =	simm.s32 $0x4;
	s26 =	simm.s32 $0x5;
	s3 =	simm.s32 $0x9  }
0x17: {  	s6 =	simm.s32 $0xA;
	s20 =	sadd.s32 $0x9C40, s5;
	[dreg:$0xa] =	wrdreg s0  }
0x18: {  	v0 =	vimm.f32 $0.0e+00;
	s0 =	simm.s32 $0xEF00;
	[dreg:$0x3] =	wrdreg s20;
	s20 =	simm.s32 $0x2  }
.LBB2_1:
0x19: {  	s12 =	simm.s32 $0x0  }
0x1a: {  	[tilespmem:s12], [sflag:$0x1] =	stream.linear.gather [hbm4b:s5+s12], $0x2700, $0x38;
	[tilespmem:$0x1CA80] =	vst v63  }
0x1b: {  	s13 =	rddreg [dreg:$0x3];
	s14 =	simm.s32 $0x2780  }
0x1c: {  	[tilespmem:s14], [sflag:$0x2] =	stream.linear.gather [hbm4b:s13+s12], $0x2700, $0x38;
	[tilespmem:$0x1CA80] =	vst v63  }
0x1d: {  	s12 =	simm.s32 @!p0 $0x0;
	s13 =	simm.s32 @!p0 $0x2700;
	s14 =	rddreg [dreg:$0x4]  }
0x1e: {  	[tilespmem:s13], [sflag:$0xD] =	stream.linear.gather @!p0 [hbm4b:s14+s12], $0x80, $0x38;
	[tilespmem:$0x1CA80] =	vst v63  }
0x1f: {  	s13 =	simm.s32 @!p0 $0xD  }
0x20: {  	_ =	swait.ge @!p0 [sflag:s13], $0x80  }
0x21: {  	[sflag:s13] =	ssyncset.done @!p0 $0x0  }
0x22: {  	s14 =	simm.s32 @!p0 $0x4E80;
	s15 =	rddreg [dreg:$0x5];
	[sflag:s13] =	ssyncadd.s32 @!p0 $0xFFFFFF80  }
0x23: {  	[tilespmem:s14], [sflag:$0xD] =	stream.linear.gather @!p0 [hbm4b:s15+s12], $0x80, $0x38;
	[tilespmem:$0x1CA80] =	vst v63  }
0x24: {  	_ =	swait.ge @!p0 [sflag:s13], $0x80  }
0x25: {  	[sflag:s13] =	ssyncset.done @!p0 $0x0  }
0x26: {  	s12 =	simm.s32 $0x0;
	[sflag:s13] =	ssyncadd.s32 @!p0 $0xFFFFFF80;
	s13 =	simm.s32 $0x100  }
.LBB2_2:
0x27: {  	p1 =	sne.s32 s13, $0x7C00;
	[tilespmem:s12+$0x10F30] =	vst v0;
	s14 =	smov.u32 s13;
	s13 =	sadd.s32 $0x100, s13  }
.Ltmp0:
0x28: {  	[tilespmem:s12+$0x10F20] =	vst v0;
	(pc) =	sbr.rel @p1 .LBB2_2-.Ltmp0, $3  }
0x29: {  	[tilespmem:s12+$0x10F00] =	vst v0  }
0x2a: {  	[tilespmem:s12+$0x10F10] =	vst v0;
	_ =	sdelay $0x1  }
0x2b: {  	s12 =	sshra.s32 s14, $0x2  }
0x2c: {  	[tilespmem:s12+$0x10F30] =	vst v0  }
0x2d: {  	[tilespmem:s12+$0x10F20] =	vst v0  }
0x2e: {  	[tilespmem:s12+$0x10F00] =	vst v0  }
0x2f: {  	[tilespmem:s12+$0x10F10] =	vst v0  }
0x30: {  	[spmem:s8] =	stream.linear.scatter [tilespmem:s17], [sflag:$0xD], $0x1F40, $0x38;
	[tilespmem:$0x1CA80] =	vst v63  }
0x31: {  	_ =	swait.ge [sflag:s18], $0x1F40  }
0x32: {  	[sflag:s18] =	ssyncset.done $0x0  }
0x33: {  	s15 =	rddreg [dreg:$0x6];
	[sflag:s18] =	ssyncadd.s32 $0xFFFFE0C0  }
0x34: {  	[spmem:s15] =	stream.linear.scatter [tilespmem:s17], [sflag:$0xD], $0x1F40, $0x38;
	[tilespmem:$0x1CA80] =	vst v63  }
0x35: {  	_ =	swait.ge [sflag:s18], $0x1F40  }
0x36: {  	[sflag:s18] =	ssyncset.done $0x0  }
0x37: {  	s13 =	rddreg [dreg:$0x7];
	[sflag:s18] =	ssyncadd.s32 $0xFFFFE0C0  }
0x38: {  	[spmem:s13] =	stream.linear.scatter [tilespmem:s17], [sflag:$0xD], $0x1F40, $0x38;
	[tilespmem:$0x1CA80] =	vst v63  }
0x39: {  	_ =	swait.ge [sflag:s18], $0x1F40  }
0x3a: {  	[sflag:s18] =	ssyncset.done $0x0  }
0x3b: {  	s14 =	rddreg [dreg:$0x8];
	[sflag:s18] =	ssyncadd.s32 $0xFFFFE0C0  }
0x3c: {  	[spmem:s14] =	stream.linear.scatter [tilespmem:s17], [sflag:$0xD], $0x1F40, $0x38;
	[tilespmem:$0x1CA80] =	vst v63  }
0x3d: {  	_ =	swait.ge [sflag:s18], $0x1F40  }
0x3e: {  	[sflag:s18] =	ssyncset.done $0x0  }
0x3f: {  	s15 =	rddreg [dreg:$0x9];
	[sflag:s18] =	ssyncadd.s32 $0xFFFFE0C0  }
0x40: {  	[spmem:s15] =	stream.linear.scatter [tilespmem:s17], [sflag:$0xD], $0x1F40, $0x38;
	[tilespmem:$0x1CA80] =	vst v63  }
0x41: {  	_ =	swait.ge [sflag:s18], $0x1F40  }
0x42: {  	[sflag:s18] =	ssyncset.done $0x0  }
0x43: {  	[sflag:s18] =	ssyncadd.s32 $0xFFFFE0C0  }
0x44: {  	_ =	swait.ge [sflag:s19], $0x2700  }
0x45: {  	[sflag:s19] =	ssyncset.done $0x0  }
0x46: {  	[sflag:s19] =	ssyncadd.s32 $0xFFFFD900  }
0x47: {  	_ =	swait.ge [sflag:s20], $0x2700  }
0x48: {  	[sflag:s20] =	ssyncset.done $0x0  }
0x49: {  	s12 =	simm.s32 $0x0;
	[sflag:s20] =	ssyncadd.s32 $0xFFFFD900  }
0x4a: {  	v3 =	vld [tilespmem:s12+$0x0]  }
0x4b: {  	v5 =	vld [tilespmem:s12+$0x10]  }
0x4c: {  	v4 =	vld [tilespmem:s12+$0x20]  }
0x4d: {  	v2 =	vld [tilespmem:s12+$0x30]  }
0x4e: {  	v1 =	vld [tilespmem:s12+$0x40]  }
0x4f: {  	v6 =	vshll.u32 v3, $0x1;
	v3 =	vld [tilespmem:s12+$0x50]  }
0x50: {  	s13 =	simm.s32 $0x200;
	[tilespmem:s12+$0x0] =	vst v6;
	v6 =	vshll.u32 v5, $0x1;
	v5 =	vld [tilespmem:s12+$0x60]  }
.LBB2_4:
0x51: {  	s14 =	sshra.s32 s13, $0x2;
	p1 =	sne.s32 s13, $0x9C00;
	[tilespmem:s12+$0x10] =	vst v6;
	v4 =	vshll.u32 v4, $0x1;
	v6 =	vld [tilespmem:s12+$0x70]  }
0x52: {  	v7 =	vld [tilespmem:s14+$0x0];
	[tilespmem:s12+$0x20] =	vst v4;
	v2 =	vshll.u32 v2, $0x1  }
0x53: {  	v8 =	vld [tilespmem:s14+$0x10];
	[tilespmem:s12+$0x30] =	vst v2;
	v1 =	vshll.u32 v1, $0x1  }
.Ltmp1:
0x54: {  	v4 =	vld [tilespmem:s14+$0x20];
	[tilespmem:s12+$0x40] =	vst v1;
	v1 =	vshll.u32 v3, $0x1;
	(pc) =	sbr.rel @p1 .LBB2_4-.Ltmp1, $4  }
0x55: {  	v2 =	vld [tilespmem:s14+$0x30];
	[tilespmem:s12+$0x50] =	vst v1;
	v3 =	vshll.u32 v5, $0x1  }
0x56: {  	v1 =	vld [tilespmem:s14+$0x40];
	[tilespmem:s12+$0x60] =	vst v3;
	v5 =	vshll.u32 v6, $0x1  }
0x57: {  	v6 =	vshll.u32 v7, $0x1;
	v3 =	vld [tilespmem:s14+$0x50];
	[tilespmem:s12+$0x70] =	vst v5;
	s12 =	smov.u32 s14  }
0x58: {  	s13 =	sadd.s32 $0x200, s13;
	[tilespmem:s12+$0x0] =	vst v6;
	v6 =	vshll.u32 v8, $0x1;
	v5 =	vld [tilespmem:s12+$0x60]  }
0x59: {  	[tilespmem:s12+$0x10] =	vst v6;
	v4 =	vshll.u32 v4, $0x1;
	v63 =	vld [tilespmem:s12+$0x70]  }
0x5a: {  	[tilespmem:s12+$0x20] =	vst v4;
	v2 =	vshll.u32 v2, $0x1  }
0x5b: {  	[tilespmem:s12+$0x30] =	vst v2;
	v1 =	vshll.u32 v1, $0x1  }
0x5c: {  	[tilespmem:s12+$0x40] =	vst v1;
	v1 =	vshll.u32 v3, $0x1  }
0x5d: {  	[tilespmem:s12+$0x50] =	vst v1;
	v1 =	vshll.u32 v5, $0x1  }
0x5e: {  	[tilespmem:s12+$0x60] =	vst v1;
	v1 =	vshll.u32 v63, $0x1  }
0x5f: {  	[tilespmem:s12+$0x70] =	vst v1  }
0x60: {  	s15 =	simm.s32 $0x0;
	[bflag:$0x0] =	sbarrier.arrive $0xFFFF  }
0x61: {  	[tilespmem:s22], [sflag:$0x1] =	stream.indirect.gather [hbm4b:s4+s21], $0x40, s15, s21, $0xb8;
	[tilespmem:$0x1CA80] =	vst v63  }
0x62: {  	_ = 	snop  }
0x63: {  	[tilespmem:s23], [sflag:$0x2] =	stream.indirect.gather [hbm4b:s4+s21], $0x40, s21, s21, $0xb8;
	[tilespmem:$0x1CA80] =	vst v63  }
0x64: {  	s13 =	simm.s32 $0x100  }
0x65: {  	[tilespmem:s25], [sflag:$0x3] =	stream.indirect.gather [hbm4b:s4+s21], $0x40, s13, s21, $0xb8;
	[tilespmem:$0x1CA80] =	vst v63  }
0x66: {  	s14 =	simm.s32 $0x180  }
0x67: {  	[tilespmem:s28], [sflag:$0x4] =	stream.indirect.gather [hbm4b:s4+s21], $0x40, s14, s21, $0xb8;
	[tilespmem:$0x1CA80] =	vst v63  }
0x68: {  	s15 =	simm.s32 $0x200  }
0x69: {  	[tilespmem:s30], [sflag:$0x5] =	stream.indirect.gather [hbm4b:s4+s21], $0x40, s15, s21, $0xb8;
	[tilespmem:$0x1CA80] =	vst v63  }
0x6a: {  	s13 =	simm.s32 $0x280  }
0x6b: {  	[tilespmem:s0], [sflag:$0x6] =	stream.indirect.gather [hbm4b:s4+s21], $0x40, s13, s21, $0xb8;
	[tilespmem:$0x1CA80] =	vst v63  }
0x6c: {  	_ =	swait.ge [sflag:s19], $0x2000  }
0x6d: {  	[sflag:s19] =	ssyncset.done $0x0  }
0x6e: {  	s14 =	simm.s32 $0x2780;
	[sflag:s19] =	ssyncadd.s32 $0xFFFFE000  }
0x6f: {  	[spmem:s1] =	stream.indirect.scatter.add.f32 [tilespmem:s22], [sflag:$0x7], $0x40, s14, s21, $0xb8;
	[tilespmem:$0x1CA80] =	vst v63  }
0x70: {  	_ =	swait.ge [sflag:s20], $0x2000  }
0x71: {  	[sflag:s20] =	ssyncset.done $0x0  }
0x72: {  	s15 =	simm.s32 $0x2800;
	[sflag:s20] =	ssyncadd.s32 $0xFFFFE000  }
0x73: {  	[spmem:s1] =	stream.indirect.scatter.add.f32 [tilespmem:s23], [sflag:$0x8], $0x40, s15, s21, $0xb8;
	[tilespmem:$0x1CA80] =	vst v63  }
0x74: {  	_ =	swait.ge [sflag:s16], $0x2000  }
0x75: {  	[sflag:s16] =	ssyncset.done $0x0  }
0x76: {  	s13 =	simm.s32 $0x2880;
	[sflag:s16] =	ssyncadd.s32 $0xFFFFE000  }
0x77: {  	[spmem:s1] =	stream.indirect.scatter.add.f32 [tilespmem:s25], [sflag:$0x9], $0x40, s13, s21, $0xb8;
	[tilespmem:$0x1CA80] =	vst v63  }
0x78: {  	_ =	swait.ge [sflag:s24], $0x2000  }
0x79: {  	[sflag:s24] =	ssyncset.done $0x0  }
0x7a: {  	s14 =	simm.s32 $0x2900;
	[sflag:s24] =	ssyncadd.s32 $0xFFFFE000  }
0x7b: {  	[spmem:s1] =	stream.indirect.scatter.add.f32 [tilespmem:s28], [sflag:$0xA], $0x40, s14, s21, $0xb8;
	[tilespmem:$0x1CA80] =	vst v63  }
0x7c: {  	_ =	swait.ge [sflag:s26], $0x2000  }
0x7d: {  	[sflag:s26] =	ssyncset.done $0x0  }
0x7e: {  	s15 =	simm.s32 $0x2980;
	[sflag:s26] =	ssyncadd.s32 $0xFFFFE000  }
0x7f: {  	[spmem:s1] =	stream.indirect.scatter.add.f32 [tilespmem:s30], [sflag:$0xB], $0x40, s15, s21, $0xb8;
	[tilespmem:$0x1CA80] =	vst v63  }
0x80: {  	_ =	swait.ge [sflag:s29], $0x2000  }
0x81: {  	[sflag:s29] =	ssyncset.done $0x0  }
0x82: {  	s13 =	simm.s32 $0x2A00;
	[sflag:s29] =	ssyncadd.s32 $0xFFFFE000  }
0x83: {  	[spmem:s1] =	stream.indirect.scatter.add.f32 [tilespmem:s0], [sflag:$0xC], $0x40, s13, s21, $0xb8;
	[tilespmem:$0x1CA80] =	vst v63  }
0x84: {  	_ =	swait.ge [sflag:s31], $0x2000  }
0x85: {  	[sflag:s31] =	ssyncset.done $0x0  }
0x86: {  	s14 =	simm.s32 $0x300;
	[sflag:s31] =	ssyncadd.s32 $0xFFFFE000  }
0x87: {  	[tilespmem:s22], [sflag:$0x1] =	stream.indirect.gather [hbm4b:s4+s21], $0x40, s14, s21, $0xb8;
	[tilespmem:$0x1CA80] =	vst v63  }
0x88: {  	_ =	swait.ge [sflag:s2], $0x2000  }
0x89: {  	[sflag:s2] =	ssyncset.done $0x0  }
0x8a: {  	s15 =	simm.s32 $0x380;
	[sflag:s2] =	ssyncadd.s32 $0xFFFFE000  }
0x8b: {  	[tilespmem:s23], [sflag:$0x2] =	stream.indirect.gather [hbm4b:s4+s21], $0x40, s15, s21, $0xb8;
	[tilespmem:$0x1CA80] =	vst v63  }
0x8c: {  	_ =	swait.ge [sflag:s3], $0x2000  }
0x8d: {  	[sflag:s3] =	ssyncset.done $0x0  }
0x8e: {  	s13 =	simm.s32 $0x400;
	[sflag:s3] =	ssyncadd.s32 $0xFFFFE000  }
0x8f: {  	[tilespmem:s25], [sflag:$0x3] =	stream.indirect.gather [hbm4b:s4+s21], $0x40, s13, s21, $0xb8;
	[tilespmem:$0x1CA80] =	vst v63  }
0x90: {  	_ =	swait.ge [sflag:s6], $0x2000  }
0x91: {  	[sflag:s6] =	ssyncset.done $0x0  }
0x92: {  	s14 =	simm.s32 $0x480;
	[sflag:s6] =	ssyncadd.s32 $0xFFFFE000  }
0x93: {  	[tilespmem:s28], [sflag:$0x4] =	stream.indirect.gather [hbm4b:s4+s21], $0x40, s14, s21, $0xb8;
	[tilespmem:$0x1CA80] =	vst v63  }
0x94: {  	_ =	swait.ge [sflag:s7], $0x2000  }
0x95: {  	[sflag:s7] =	ssyncset.done $0x0  }
0x96: {  	s15 =	simm.s32 $0x500;
	[sflag:s7] =	ssyncadd.s32 $0xFFFFE000  }
0x97: {  	[tilespmem:s30], [sflag:$0x5] =	stream.indirect.gather [hbm4b:s4+s21], $0x40, s15, s21, $0xb8;
	[tilespmem:$0x1CA80] =	vst v63  }
0x98: {  	_ =	swait.ge [sflag:s9], $0x2000  }
0x99: {  	[sflag:s9] =	ssyncset.done $0x0  }
0x9a: {  	s12 =	simm.s32 $0xC00;
	s13 =	simm.s32 $0x580;
	[sflag:s9] =	ssyncadd.s32 $0xFFFFE000  }
.LBB2_6:
0x9b: {  	[tilespmem:s0], [sflag:$0x6] =	stream.indirect.gather [hbm4b:s4+s21], $0x40, s13, s21, $0xb8;
	[tilespmem:$0x1CA80] =	vst v63  }
0x9c: {  	s13 =	smov.u32 s12;
	s12 =	sadd.s32 $0xC00, s12;
	_ =	swait.ge [sflag:s19], $0x2000  }
0x9d: {  	s13 =	sshra.s32 s13, $0x2;
	p1 =	sne.s32 s12, $0x8400;
	[sflag:s19] =	ssyncset.done $0x0  }
0x9e: {  	s14 =	sadd.s32 $0x2780, s13;
	[sflag:s19] =	ssyncadd.s32 $0xFFFFE000  }
0x9f: {  	[spmem:s1] =	stream.indirect.scatter.add.f32 [tilespmem:s22], [sflag:$0x7], $0x40, s14, s21, $0xb8;
	[tilespmem:$0x1CA80] =	vst v63  }
0xa0: {  	_ =	swait.ge [sflag:s20], $0x2000  }
0xa1: {  	[sflag:s20] =	ssyncset.done $0x0  }
0xa2: {  	s14 =	sadd.s32 $0x2800, s13;
	[sflag:s20] =	ssyncadd.s32 $0xFFFFE000  }
0xa3: {  	[spmem:s1] =	stream.indirect.scatter.add.f32 [tilespmem:s23], [sflag:$0x8], $0x40, s14, s21, $0xb8;
	[tilespmem:$0x1CA80] =	vst v63  }
0xa4: {  	_ =	swait.ge [sflag:s16], $0x2000  }
0xa5: {  	[sflag:s16] =	ssyncset.done $0x0  }
0xa6: {  	s14 =	sadd.s32 $0x2880, s13;
	[sflag:s16] =	ssyncadd.s32 $0xFFFFE000  }
0xa7: {  	[spmem:s1] =	stream.indirect.scatter.add.f32 [tilespmem:s25], [sflag:$0x9], $0x40, s14, s21, $0xb8;
	[tilespmem:$0x1CA80] =	vst v63  }
0xa8: {  	_ =	swait.ge [sflag:s24], $0x2000  }
0xa9: {  	[sflag:s24] =	ssyncset.done $0x0  }
0xaa: {  	s14 =	sadd.s32 $0x2900, s13;
	[sflag:s24] =	ssyncadd.s32 $0xFFFFE000  }
0xab: {  	[spmem:s1] =	stream.indirect.scatter.add.f32 [tilespmem:s28], [sflag:$0xA], $0x40, s14, s21, $0xb8;
	[tilespmem:$0x1CA80] =	vst v63  }
0xac: {  	_ =	swait.ge [sflag:s26], $0x2000  }
0xad: {  	[sflag:s26] =	ssyncset.done $0x0  }
0xae: {  	s14 =	sadd.s32 $0x2980, s13;
	[sflag:s26] =	ssyncadd.s32 $0xFFFFE000  }
0xaf: {  	[spmem:s1] =	stream.indirect.scatter.add.f32 [tilespmem:s30], [sflag:$0xB], $0x40, s14, s21, $0xb8;
	[tilespmem:$0x1CA80] =	vst v63  }
0xb0: {  	_ =	swait.ge [sflag:s29], $0x2000  }
0xb1: {  	[sflag:s29] =	ssyncset.done $0x0  }
0xb2: {  	s14 =	sadd.s32 $0x2A00, s13;
	[sflag:s29] =	ssyncadd.s32 $0xFFFFE000  }
0xb3: {  	[spmem:s1] =	stream.indirect.scatter.add.f32 [tilespmem:s0], [sflag:$0xC], $0x40, s14, s21, $0xb8;
	[tilespmem:$0x1CA80] =	vst v63  }
0xb4: {  	_ =	swait.ge [sflag:s31], $0x2000  }
0xb5: {  	[sflag:s31] =	ssyncset.done $0x0  }
0xb6: {  	s14 =	sadd.s32 $0x300, s13;
	[sflag:s31] =	ssyncadd.s32 $0xFFFFE000  }
0xb7: {  	[tilespmem:s22], [sflag:$0x1] =	stream.indirect.gather [hbm4b:s4+s21], $0x40, s14, s21, $0xb8;
	[tilespmem:$0x1CA80] =	vst v63  }
0xb8: {  	_ =	swait.ge [sflag:s2], $0x2000  }
0xb9: {  	[sflag:s2] =	ssyncset.done $0x0  }
0xba: {  	s14 =	sadd.s32 $0x380, s13;
	[sflag:s2] =	ssyncadd.s32 $0xFFFFE000  }
0xbb: {  	[tilespmem:s23], [sflag:$0x2] =	stream.indirect.gather [hbm4b:s4+s21], $0x40, s14, s21, $0xb8;
	[tilespmem:$0x1CA80] =	vst v63  }
0xbc: {  	_ =	swait.ge [sflag:s3], $0x2000  }
0xbd: {  	[sflag:s3] =	ssyncset.done $0x0  }
0xbe: {  	s14 =	sadd.s32 $0x400, s13;
	[sflag:s3] =	ssyncadd.s32 $0xFFFFE000  }
0xbf: {  	[tilespmem:s25], [sflag:$0x3] =	stream.indirect.gather [hbm4b:s4+s21], $0x40, s14, s21, $0xb8;
	[tilespmem:$0x1CA80] =	vst v63  }
0xc0: {  	_ =	swait.ge [sflag:s6], $0x2000  }
0xc1: {  	[sflag:s6] =	ssyncset.done $0x0  }
0xc2: {  	s14 =	sadd.s32 $0x480, s13;
	[sflag:s6] =	ssyncadd.s32 $0xFFFFE000  }
0xc3: {  	[tilespmem:s28], [sflag:$0x4] =	stream.indirect.gather [hbm4b:s4+s21], $0x40, s14, s21, $0xb8;
	[tilespmem:$0x1CA80] =	vst v63  }
0xc4: {  	_ =	swait.ge [sflag:s7], $0x2000  }
0xc5: {  	[sflag:s7] =	ssyncset.done $0x0  }
.Ltmp2:
0xc6: {  	s14 =	sadd.s32 $0x500, s13;
	[sflag:s7] =	ssyncadd.s32 $0xFFFFE000;
	(pc) =	sbr.rel @p1 .LBB2_6-.Ltmp2, $4  }
0xc7: {  	[tilespmem:s30], [sflag:$0x5] =	stream.indirect.gather [hbm4b:s4+s21], $0x40, s14, s21, $0xb8;
	[tilespmem:$0x1CA80] =	vst v63  }
0xc8: {  	_ =	swait.ge [sflag:s9], $0x2000  }
0xc9: {  	[sflag:s9] =	ssyncset.done $0x0  }
0xca: {  	s13 =	sadd.s32 $0x580, s13;
	[sflag:s9] =	ssyncadd.s32 $0xFFFFE000  }
0xcb: {  	[tilespmem:s0], [sflag:$0x6] =	stream.indirect.gather [hbm4b:s4+s21], $0x40, s13, s21, $0xb8;
	[tilespmem:$0x1CA80] =	vst v63  }
0xcc: {  	_ =	swait.ge [sflag:s19], $0x2000  }
0xcd: {  	s12 =	sshra.s32 s12, $0x2;
	[sflag:s19] =	ssyncset.done $0x0  }
0xce: {  	s14 =	sadd.s32 $0x2780, s12;
	[sflag:s19] =	ssyncadd.s32 $0xFFFFE000  }
0xcf: {  	[spmem:s1] =	stream.indirect.scatter.add.f32 [tilespmem:s22], [sflag:$0x7], $0x40, s14, s21, $0xb8;
	[tilespmem:$0x1CA80] =	vst v63  }
0xd0: {  	_ =	swait.ge [sflag:s20], $0x2000  }
0xd1: {  	[sflag:s20] =	ssyncset.done $0x0  }
0xd2: {  	s15 =	sadd.s32 $0x2800, s12;
	[sflag:s20] =	ssyncadd.s32 $0xFFFFE000  }
0xd3: {  	[spmem:s1] =	stream.indirect.scatter.add.f32 [tilespmem:s23], [sflag:$0x8], $0x40, s15, s21, $0xb8;
	[tilespmem:$0x1CA80] =	vst v63  }
0xd4: {  	_ =	swait.ge [sflag:s16], $0x2000  }
0xd5: {  	[sflag:s16] =	ssyncset.done $0x0  }
0xd6: {  	s14 =	sadd.s32 $0x2880, s12;
	[sflag:s16] =	ssyncadd.s32 $0xFFFFE000  }
0xd7: {  	[spmem:s1] =	stream.indirect.scatter.add.f32 [tilespmem:s25], [sflag:$0x9], $0x40, s14, s21, $0xb8;
	[tilespmem:$0x1CA80] =	vst v63  }
0xd8: {  	_ =	swait.ge [sflag:s24], $0x2000  }
0xd9: {  	[sflag:s24] =	ssyncset.done $0x0  }
0xda: {  	s15 =	sadd.s32 $0x2900, s12;
	[sflag:s24] =	ssyncadd.s32 $0xFFFFE000  }
0xdb: {  	[spmem:s1] =	stream.indirect.scatter.add.f32 [tilespmem:s28], [sflag:$0xA], $0x40, s15, s21, $0xb8;
	[tilespmem:$0x1CA80] =	vst v63  }
0xdc: {  	_ =	swait.ge [sflag:s26], $0x2000  }
0xdd: {  	[sflag:s26] =	ssyncset.done $0x0  }
0xde: {  	s14 =	sadd.s32 $0x2980, s12;
	[sflag:s26] =	ssyncadd.s32 $0xFFFFE000  }
0xdf: {  	[spmem:s1] =	stream.indirect.scatter.add.f32 [tilespmem:s30], [sflag:$0xB], $0x40, s14, s21, $0xb8;
	[tilespmem:$0x1CA80] =	vst v63  }
0xe0: {  	_ =	swait.ge [sflag:s29], $0x2000  }
0xe1: {  	[sflag:s29] =	ssyncset.done $0x0  }
0xe2: {  	s12 =	sadd.s32 $0x2A00, s12;
	[sflag:s29] =	ssyncadd.s32 $0xFFFFE000  }
0xe3: {  	[spmem:s1] =	stream.indirect.scatter.add.f32 [tilespmem:s0], [sflag:$0xC], $0x40, s12, s21, $0xb8;
	[tilespmem:$0x1CA80] =	vst v63  }
0xe4: {  	_ =	swait.ge [sflag:s31], $0x2000  }
0xe5: {  	[sflag:s31] =	ssyncset.done $0x0  }
0xe6: {  	s15 =	simm.s32 $0x2400;
	[sflag:s31] =	ssyncadd.s32 $0xFFFFE000  }
0xe7: {  	[tilespmem:s22], [sflag:$0x1] =	stream.indirect.gather [hbm4b:s4+s21], $0x40, s15, s21, $0xb8;
	[tilespmem:$0x1CA80] =	vst v63  }
0xe8: {  	_ =	swait.ge [sflag:s2], $0x2000  }
0xe9: {  	[sflag:s2] =	ssyncset.done $0x0  }
0xea: {  	s13 =	simm.s32 $0x2480;
	[sflag:s2] =	ssyncadd.s32 $0xFFFFE000  }
0xeb: {  	[tilespmem:s23], [sflag:$0x2] =	stream.indirect.gather [hbm4b:s4+s21], $0x40, s13, s21, $0xb8;
	[tilespmem:$0x1CA80] =	vst v63  }
0xec: {  	_ =	swait.ge [sflag:s3], $0x2000  }
0xed: {  	[sflag:s3] =	ssyncset.done $0x0  }
0xee: {  	s14 =	simm.s32 $0x2500;
	[sflag:s3] =	ssyncadd.s32 $0xFFFFE000  }
0xef: {  	[tilespmem:s25], [sflag:$0x3] =	stream.indirect.gather [hbm4b:s4+s21], $0x40, s14, s21, $0xb8;
	[tilespmem:$0x1CA80] =	vst v63  }
0xf0: {  	_ =	swait.ge [sflag:s6], $0x2000  }
0xf1: {  	[sflag:s6] =	ssyncset.done $0x0  }
0xf2: {  	s15 =	simm.s32 $0x2580;
	[sflag:s6] =	ssyncadd.s32 $0xFFFFE000  }
0xf3: {  	[tilespmem:s28], [sflag:$0x4] =	stream.indirect.gather [hbm4b:s4+s21], $0x40, s15, s21, $0xb8;
	[tilespmem:$0x1CA80] =	vst v63  }
0xf4: {  	_ =	swait.ge [sflag:s7], $0x2000  }
0xf5: {  	[sflag:s7] =	ssyncset.done $0x0  }
0xf6: {  	s13 =	simm.s32 $0x2600;
	[sflag:s7] =	ssyncadd.s32 $0xFFFFE000  }
0xf7: {  	[tilespmem:s30], [sflag:$0x5] =	stream.indirect.gather [hbm4b:s4+s21], $0x40, s13, s21, $0xb8;
	[tilespmem:$0x1CA80] =	vst v63  }
0xf8: {  	_ =	swait.ge [sflag:s9], $0x2000  }
0xf9: {  	[sflag:s9] =	ssyncset.done $0x0  }
0xfa: {  	[sflag:s9] =	ssyncadd.s32 $0xFFFFE000  }
0xfb: {  	[tilespmem:s0], [sflag:$0x6] =	stream.indirect.gather [hbm4b:s4+s21], $0x40, s10, s21, $0xb8;
	[tilespmem:$0x1CA80] =	vst v63  }
0xfc: {  	_ =	swait.ge [sflag:s19], $0x2000  }
0xfd: {  	[sflag:s19] =	ssyncset.done $0x0  }
0xfe: {  	s14 =	simm.s32 $0x4B80;
	[sflag:s19] =	ssyncadd.s32 $0xFFFFE000  }
0xff: {  	[spmem:s1] =	stream.indirect.scatter.add.f32 [tilespmem:s22], [sflag:$0x7], $0x40, s14, s21, $0xb8;
	[tilespmem:$0x1CA80] =	vst v63  }
0x100: {  	_ =	swait.ge [sflag:s20], $0x2000  }
0x101: {  	[sflag:s20] =	ssyncset.done $0x0  }
0x102: {  	s15 =	simm.s32 $0x4C00;
	[sflag:s20] =	ssyncadd.s32 $0xFFFFE000  }
0x103: {  	[spmem:s1] =	stream.indirect.scatter.add.f32 [tilespmem:s23], [sflag:$0x8], $0x40, s15, s21, $0xb8;
	[tilespmem:$0x1CA80] =	vst v63  }
0x104: {  	_ =	swait.ge [sflag:s16], $0x2000  }
0x105: {  	[sflag:s16] =	ssyncset.done $0x0  }
0x106: {  	s13 =	simm.s32 $0x4C80;
	[sflag:s16] =	ssyncadd.s32 $0xFFFFE000  }
0x107: {  	[spmem:s1] =	stream.indirect.scatter.add.f32 [tilespmem:s25], [sflag:$0x9], $0x40, s13, s21, $0xb8;
	[tilespmem:$0x1CA80] =	vst v63  }
0x108: {  	_ =	swait.ge [sflag:s24], $0x2000  }
0x109: {  	[sflag:s24] =	ssyncset.done $0x0  }
0x10a: {  	s14 =	simm.s32 $0x4D00;
	[sflag:s24] =	ssyncadd.s32 $0xFFFFE000  }
0x10b: {  	[spmem:s1] =	stream.indirect.scatter.add.f32 [tilespmem:s28], [sflag:$0xA], $0x40, s14, s21, $0xb8;
	[tilespmem:$0x1CA80] =	vst v63  }
0x10c: {  	_ =	swait.ge [sflag:s26], $0x2000  }
0x10d: {  	[sflag:s26] =	ssyncset.done $0x0  }
0x10e: {  	s15 =	simm.s32 $0x4D80;
	[sflag:s26] =	ssyncadd.s32 $0xFFFFE000  }
0x10f: {  	[spmem:s1] =	stream.indirect.scatter.add.f32 [tilespmem:s30], [sflag:$0xB], $0x40, s15, s21, $0xb8;
	[tilespmem:$0x1CA80] =	vst v63  }
0x110: {  	_ =	swait.ge [sflag:s29], $0x2000  }
0x111: {  	[sflag:s29] =	ssyncset.done $0x0  }
0x112: {  	s13 =	simm.s32 $0x4E00;
	[sflag:s29] =	ssyncadd.s32 $0xFFFFE000  }
0x113: {  	[spmem:s1] =	stream.indirect.scatter.add.f32 [tilespmem:s0], [sflag:$0xC], $0x40, s13, s21, $0xb8;
	[tilespmem:$0x1CA80] =	vst v63  }
0x114: {  	_ =	swait.ge [sflag:s31], $0x2000  }
0x115: {  	[sflag:s31] =	ssyncset.done $0x0  }
0x116: {  	[sflag:s31] =	ssyncadd.s32 $0xFFFFE000  }
0x117: {  	[tilespmem:s22], [sflag:$0x1] =	stream.indirect.gather [hbm4b:s4+s21], $0x40, s10, s21, $0xb8;
	[tilespmem:$0x1CA80] =	vst v63  }
0x118: {  	_ =	swait.ge [sflag:s2], $0x2000  }
0x119: {  	[sflag:s2] =	ssyncset.done $0x0  }
0x11a: {  	[sflag:s2] =	ssyncadd.s32 $0xFFFFE000  }
0x11b: {  	[tilespmem:s23], [sflag:$0x2] =	stream.indirect.gather [hbm4b:s4+s21], $0x40, s10, s21, $0xb8;
	[tilespmem:$0x1CA80] =	vst v63  }
0x11c: {  	_ =	swait.ge [sflag:s3], $0x2000  }
0x11d: {  	[sflag:s3] =	ssyncset.done $0x0  }
0x11e: {  	[sflag:s3] =	ssyncadd.s32 $0xFFFFE000  }
0x11f: {  	[tilespmem:s25], [sflag:$0x3] =	stream.indirect.gather [hbm4b:s4+s21], $0x40, s10, s21, $0xb8;
	[tilespmem:$0x1CA80] =	vst v63  }
0x120: {  	_ =	swait.ge [sflag:s6], $0x2000  }
0x121: {  	[sflag:s6] =	ssyncset.done $0x0  }
0x122: {  	[sflag:s6] =	ssyncadd.s32 $0xFFFFE000  }
0x123: {  	[tilespmem:s28], [sflag:$0x4] =	stream.indirect.gather [hbm4b:s4+s21], $0x40, s10, s21, $0xb8;
	[tilespmem:$0x1CA80] =	vst v63  }
0x124: {  	_ =	swait.ge [sflag:s7], $0x2000  }
0x125: {  	[sflag:s7] =	ssyncset.done $0x0  }
0x126: {  	[sflag:s7] =	ssyncadd.s32 $0xFFFFE000  }
0x127: {  	[tilespmem:s30], [sflag:$0x5] =	stream.indirect.gather [hbm4b:s4+s21], $0x40, s10, s21, $0xb8;
	[tilespmem:$0x1CA80] =	vst v63  }
0x128: {  	_ =	swait.ge [sflag:s9], $0x2000  }
0x129: {  	[sflag:s9] =	ssyncset.done $0x0  }
0x12a: {  	[sflag:s9] =	ssyncadd.s32 $0xFFFFE000  }
0x12b: {  	[tilespmem:s0], [sflag:$0x6] =	stream.indirect.gather [hbm4b:s4+s21], $0x40, s10, s21, $0xb8;
	[tilespmem:$0x1CA80] =	vst v63  }
0x12c: {  	_ =	swait.ge [sflag:s19], $0x2000  }
0x12d: {  	[sflag:s19] =	ssyncset.done $0x0  }
0x12e: {  	[sflag:s19] =	ssyncadd.s32 $0xFFFFE000  }
0x12f: {  	_ =	swait.ge [sflag:s20], $0x2000  }
0x130: {  	[sflag:s20] =	ssyncset.done $0x0  }
0x131: {  	[sflag:s20] =	ssyncadd.s32 $0xFFFFE000  }
0x132: {  	_ =	swait.ge [sflag:s16], $0x2000  }
0x133: {  	[sflag:s16] =	ssyncset.done $0x0  }
0x134: {  	[sflag:s16] =	ssyncadd.s32 $0xFFFFE000  }
0x135: {  	_ =	swait.ge [sflag:s24], $0x2000  }
0x136: {  	[sflag:s24] =	ssyncset.done $0x0  }
0x137: {  	[sflag:s24] =	ssyncadd.s32 $0xFFFFE000  }
0x138: {  	_ =	swait.ge [sflag:s26], $0x2000  }
0x139: {  	[sflag:s26] =	ssyncset.done $0x0  }
0x13a: {  	[sflag:s26] =	ssyncadd.s32 $0xFFFFE000  }
0x13b: {  	_ =	swait.ge [sflag:s29], $0x2000  }
0x13c: {  	s12 =	simm.s32 @!p0 $0x80;
	[sflag:s29] =	ssyncset.done $0x0  }
0x13d: {  	s14 =	simm.s32 @!p0 $0xEF00;
	s13 =	simm.s32 @!p0 $0x2700;
	[sflag:s29] =	ssyncadd.s32 $0xFFFFE000  }
0x13e: {  	[tilespmem:s14], [sflag:$0xD] =	stream.indirect.gather @!p0 [hbm4b:s4+s12], $0x40, s13, s12, $0xb8;
	[tilespmem:$0x1CA80] =	vst v63  }
0x13f: {  	s13 =	simm.s32 @!p0 $0xD  }
0x140: {  	_ =	swait.ge @!p0 [sflag:s13], $0x2000  }
0x141: {  	[sflag:s13] =	ssyncset.done @!p0 $0x0  }
0x142: {  	s15 =	simm.s32 @!p0 $0x4E80;
	[sflag:s13] =	ssyncadd.s32 @!p0 $0xFFFFE000  }
0x143: {  	[spmem:s1] =	stream.indirect.scatter.add.f32 @!p0 [tilespmem:s14], [sflag:$0xD], $0x40, s15, s12, $0xb8;
	[tilespmem:$0x1CA80] =	vst v63  }
0x144: {  	_ =	swait.ge @!p0 [sflag:s13], $0x2000  }
0x145: {  	[sflag:s13] =	ssyncset.done @!p0 $0x0  }
0x146: {  	s14 =	stileid.u32;
	[sflag:s13] =	ssyncadd.s32 @!p0 $0xFFFFE000  }
0x147: {  	s15 =	simm.s32 $0x10;
	s12 =	sshll.u32 s14, $0x6;
	[bflag:$0x0] =	sbarrier.arrive $0xFFFF  }
0x148: {  	s12 =	sor.u32 $0x1C0D, s12;
	s13 =	sshrl.u32 s8, $0x3;
	s14 =	rddreg [dreg:$0xa]  }
0x149: {  	[hbm:s14@s15], [sflag:s12] =	dma.strided [spmem:s13@s2], $0x1388, s19, $0x8   }
0x14a: {  	_ =	swait.ge [sflag:s18], $0x1388  }
0x14b: {  	s11 =	sadd.s32 $0x1, s11;
	s15 =	rddreg [dreg:$0xb]  }
0x14c: {  	p1 =	sne.s32 s11, s15  }
.Ltmp3:
0x14d: {  	_ = 	snop;
	(pc) =	sbr.rel @p1 .LBB2_1-.Ltmp3, $3  }
0x14e: {  	_ =	sdelay $0x1  }
0x14f: {  	[sflag:s18] =	ssyncset.done $0x0  }
0x150: {  	[sflag:s18] =	ssyncadd.s32 $0xFFFFEC78  }
0x151: {  	_ =	sfence.sel $0x180000  }
0x152: {  	[bflag:$0x0] =	sbarrier.arrive $0xFFFF  }
0x153: {  	_ =	strace $0x9000004A  }
0x154: {  	s0 =	stileid.u32;
	[bflag:$0x2] =	sbarrier.arrive $0xFFFF  }
0x155: {  	p0 =	sne.s32 s0, $0x0;
	s0 =	rddreg [dreg:$0x2]  }
0x156: {  	s0 =	sadd.s32 @!p0 $0x100000, s0  }
0x157: {  	[sflag:s0] =	ssyncadd.tile.s32 @!p0 $0x1;
	_ =	shalt  }
.Lfunc_end2:
_tile_overlayer_lowered:
.L_overlay_start_2:
0x158: {  	(tag) =	ssettag $0x2  }
0x159: {  	s0 =	rddreg [dreg:$0x0];
	s2 =	stileid.u32  }
0x15a: {  	s1 =	rddreg [dreg:$0x1];
	p0 =	sne.s32 s2, $0x0  }
0x15b: {  	s3 =	rddreg [dreg:$0x2];
	[bflag:$0x3] =	sbarrier.arrive $0xFFFF;
	s2 =	simm.s32 @!p0 $0x1C0D  }
0x15c: {  	[timem:s3], [sflag:s2] =	dma.local @!p0 [hbm:s0], s1  }
0x15d: {  	s0 =	simm.s32 @!p0 $0xD  }
0x15e: {  	_ =	swait.ge @!p0 [sflag:s0], s1  }
0x15f: {  	s1 =	ssub.s32 @!p0 $0x0, s1;
	[sflag:s0] =	ssyncset.done @!p0 $0x0  }
0x160: {  	[sflag:s0] =	ssyncadd.s32 @!p0 s1  }
0x161: {  	[bflag:$0x3] =	sbarrier.arrive $0xFFFF  }
0x162: {  	_ =	shalt  }

// kernel: kernel.15.cloned.1.call-start
scs
__scs_entry_jumppad:
0x0: {  	(pc) =	sbr.rel $0x88, $3  }
0x1: {  	(tag) =	ssettag $0x0;
	lr =	simm.s32 $0x1  }
0x2: {  	[smem:$0x3F92] =	sst lr;
	_ =	strace $0xD0000000  }
0x3: {  	_ = 	snop  }
0x4: {  	_ = 	snop  }
0x5: {  	_ = 	snop  }
0x6: {  	_ = 	snop  }
0x7: {  	_ = 	snop  }
__scs_overlays_trampoline_lowered:
0x8: {  	[smem:$0x3FA1] =	sst s0  }
0x9: {  	[smem:$0x3FA2] =	sst s1  }
0xa: {  	[smem:$0x3FA3] =	sst s2  }
0xb: {  	[smem:$0x3FA4] =	sst s3  }
0xc: {  	[smem:$0x3FA5] =	sst s4  }
0xd: {  	[smem:$0x3FA6] =	sst s5  }
0xe: {  	[smem:$0x3FA7] =	sst s6  }
0xf: {  	[smem:$0x3FA8] =	sst s7  }
0x10: {  	[smem:$0x3FA9] =	sst s8  }
0x11: {  	[smem:$0x3FAA] =	sst s9;
	s0 =	simm.s32 @!p0 $0x0  }
0x12: {  	s1 =	sld [smem:$0x3F90];
	s0 =	simm.s32 @p0 $0x1  }
0x13: {  	[smem:$0x3FAB] =	sst s0;
	s0 =	simm.s32 @!p1 $0x0  }
0x14: {  	s2 =	sld [smem:$0x3F8F];
	s0 =	simm.s32 @p1 $0x1  }
0x15: {  	[smem:$0x3FAC] =	sst s0;
	s0 =	simm.s32 @!p2 $0x0  }
0x16: {  	s3 =	sld [smem:$0x3FDB];
	s0 =	simm.s32 @p2 $0x1  }
0x17: {  	s4 =	simm.s32 $0x1BF5;
	[smem:$0x3FAE] =	sst s0  }
0x18: {  	s0 =	sld [smem:$0x3F91];
	_ =	swait.ge [sflag:s4], $0x0  }
0x19: {  	s7 =	sld [smem:$0x3F92]  }
0x1a: {  	s8 =	sadd.s32 $0xFFFFE003, lr  }
0x1b: {  	s9 =	sadd.s32 $0xFFFFFEF7, lr;
	s5 =	simm.s32 $0xFFFFFFFF;
	p2 =	slt.u32 s8, $0xFFFFF086  }
0x1c: {  	p1 =	slt.u32 s9, $0xF7A;
	s5 =	simm.s32 @!p2 $0x0  }
0x1d: {  	s5 =	simm.s32 @p1 $0x1;
	p0 =	seq.s32 s7, s2  }
0x1e: {  	s7 =	smul.u32 @!p0 $0xF7A, s2;
	p2 =	seq.s32 @!p0 s5, $0x0  }
0x1f: {  	s9 =	smul.u32 $0xF7A, s1;
	s8 =	simm.s32 @!p0 $0x1BF5;
	p2 =	por !p2, p0  }
0x20: {  	[sflag:s8] =	ssyncset.s32 @!p0 $0xFFFFF086;
	s6 =	sadd.s32 @!p0 s3, s7;
	s7 =	simm.s32 @!p0 $0x108  }
0x21: {  	s3 =	sadd.s32 s3, s9;
	s6 =	sadd.s32 @!p0 $0x88, s6;
	s7 =	simm.s32 @p2 $0x1082  }
0x22: {  	[simem:s7], [sflag:s8] =	dma.local @!p0 [hbm:s6], $0xF7A  }
0x23: {  	s9 =	sor.u32 $0xD0000000, s2;
	s6 =	simm.s32 $0x108;
	_ =	swait.ge @!p0 [sflag:s8], $0x0  }
0x24: {  	s3 =	sadd.s32 $0x88, s3;
	s6 =	simm.s32 @!p1 $0x1082;
	[sflag:s4] =	ssyncset.s32 $0xFFFFF086  }
0x25: {  	[simem:s6], [sflag:s4] =	dma.local [hbm:s3], $0xF7A  }
0x26: {  	[smem:$0x3F92] =	sst s1;
	(tag) =	ssettag s2;
	_ =	strace s9  }
0x27: {  	s1 =	sld [smem:$0x3FA2]  }
0x28: {  	s2 =	sld [smem:$0x3FA3]  }
0x29: {  	s4 =	sld [smem:$0x3FA5]  }
0x2a: {  	p0 =	seq.s32 s5, $0x0;
	s5 =	sld [smem:$0x3FA6]  }
0x2b: {  	s6 =	sld [smem:$0x3FA7]  }
0x2c: {  	s7 =	sld [smem:$0x3FA8]  }
0x2d: {  	s3 =	simm.s32 $0x108;
	s8 =	sld [smem:$0x3FA9]  }
0x2e: {  	s3 =	simm.s32 @!p0 $0x1082;
	s9 =	sld [smem:$0x3FAA]  }
0x2f: {  	lr =	sadd.s32 s0, s3;
	s0 =	sld [smem:$0x3FA1]  }
0x30: {  	s3 =	sld [smem:$0x3FA4]  }
0x31: {  	[smem:$0x3FAD] =	sst s10  }
0x32: {  	s10 =	sld [smem:$0x3FAB];
	_ =	sdelay $0x3  }
0x33: {  	p0 =	seq.s32 s10, $0x1;
	s10 =	sld [smem:$0x3FAD];
	_ =	sdelay $0x3  }
0x34: {  	[smem:$0x3FAD] =	sst s10  }
0x35: {  	s10 =	sld [smem:$0x3FAC];
	_ =	sdelay $0x3  }
0x36: {  	p1 =	seq.s32 s10, $0x1;
	s10 =	sld [smem:$0x3FAD];
	_ =	sdelay $0x3  }
0x37: {  	[smem:$0x3FAD] =	sst s10  }
0x38: {  	s10 =	sld [smem:$0x3FAE]  }
0x39: {  	_ = 	snop;
	(pc) =	sbr.ind lr, $3  }
0x3a: {  	_ = 	snop  }
0x3b: {  	_ = 	snop  }
0x3c: {  	p2 =	seq.s32 s10, $0x1;
	s10 =	sld [smem:$0x3FAD]  }
0x3d: {  	_ =	shalt  }
0x3e: {  	_ =	shalt  }
0x3f: {  	_ =	shalt  }
0x40: {  	_ =	shalt  }
0x41: {  	_ =	shalt  }
0x42: {  	_ =	shalt  }
0x43: {  	_ =	shalt  }
0x44: {  	_ =	shalt  }
0x45: {  	_ =	shalt  }
0x46: {  	_ =	shalt  }
0x47: {  	_ =	shalt  }
0x48: {  	_ =	shalt  }
0x49: {  	_ =	shalt  }
0x4a: {  	_ =	shalt  }
0x4b: {  	_ =	shalt  }
0x4c: {  	_ =	shalt  }
0x4d: {  	_ =	shalt  }
0x4e: {  	_ =	shalt  }
0x4f: {  	_ =	shalt  }
0x50: {  	_ =	shalt  }
0x51: {  	_ =	shalt  }
0x52: {  	_ =	shalt  }
0x53: {  	_ =	shalt  }
0x54: {  	_ =	shalt  }
0x55: {  	_ =	shalt  }
0x56: {  	_ =	shalt  }
0x57: {  	_ =	shalt  }
0x58: {  	_ =	shalt  }
0x59: {  	_ =	shalt  }
0x5a: {  	_ =	shalt  }
0x5b: {  	_ =	shalt  }
0x5c: {  	_ =	shalt  }
0x5d: {  	_ =	shalt  }
0x5e: {  	_ =	shalt  }
0x5f: {  	_ =	shalt  }
0x60: {  	_ =	shalt  }
0x61: {  	_ =	shalt  }
0x62: {  	_ =	shalt  }
0x63: {  	_ =	shalt  }
0x64: {  	_ =	shalt  }
0x65: {  	_ =	shalt  }
0x66: {  	_ =	shalt  }
0x67: {  	_ =	shalt  }
0x68: {  	_ =	shalt  }
0x69: {  	_ =	shalt  }
0x6a: {  	_ =	shalt  }
0x6b: {  	_ =	shalt  }
0x6c: {  	_ =	shalt  }
0x6d: {  	_ =	shalt  }
0x6e: {  	_ =	shalt  }
0x6f: {  	_ =	shalt  }
0x70: {  	_ =	shalt  }
0x71: {  	_ =	shalt  }
0x72: {  	_ =	shalt  }
0x73: {  	_ =	shalt  }
0x74: {  	_ =	shalt  }
0x75: {  	_ =	shalt  }
0x76: {  	_ =	shalt  }
0x77: {  	_ =	shalt  }
0x78: {  	_ =	shalt  }
0x79: {  	_ =	shalt  }
0x7a: {  	_ =	shalt  }
0x7b: {  	_ =	shalt  }
0x7c: {  	_ =	shalt  }
0x7d: {  	_ =	shalt  }
0x7e: {  	_ =	shalt  }
0x7f: {  	_ =	shalt  }
0x80: {  	_ =	shalt  }
0x81: {  	_ =	shalt  }
0x82: {  	_ =	shalt  }
0x83: {  	_ =	shalt  }
0x84: {  	_ =	shalt  }
0x85: {  	_ =	shalt  }
0x86: {  	_ =	shalt  }
0x87: {  	_ =	shalt  }
.Lfunc_end0:
.L_simem_size_0:
called_computation.2_lowered:
.L_overlay_start_0:
0x88: {  	s2 =	sld [smem:$0x3FD9]  }
0x89: {  	s3 =	sld [smem:$0x3FFE];
	_ =	sdelay $0x1  }
0x8a: {  	s1 =	srdreg.scid  }
0x8b: {  	s0 =	sand.u32 $0x1, s1  }
0x8c: {  	s16 =	sshll.u32 s0, $0xA;
	s2 =	sadd.s32 s3, s2  }
0x8d: {  	s2 =	sadd.s32 s2, s16  }
0x8e: {  	[smem:$0x3FB9] =	sst s2  }
0x8f: {  	_ = 	snop  }
0x90: {  	(tm) =	ssettm $0x1  }
0x91: {  	s17 =	sld [smem:$0x3FFB];
	_ =	sdelay $0x3  }
0x92: {  	_ =	strace s17  }
0x93: {  	s2 =	sld [smem:$0x3FFC];
	_ =	sdelay $0x3  }
0x94: {  	_ =	strace s2  }
0x95: {  	s2 =	sld [smem:$0x3FFD];
	_ =	sdelay $0x3  }
0x96: {  	_ =	strace s2  }
0x97: {  	_ =	strace $0x8FFFFFFF  }
0x98: {  	s18 =	sld [smem:$0x3FDB];
	_ =	sdelay $0x1  }
0x99: {  	s19 =	simm.s32 $_scs_section_size  }
0x9a: {  	s4 =	simm.s32 $_size__tile_overlayer_lowered;
	s5 =	simm.s32 $_tile_overlayer_lowered  }
0x9b: {  	s22 =	simm.s32 $0x1BFF;
	s21 =	sshll.u32 s5, $0x1;
	s2 =	sadd.s32 s19, s18  }
0x9c: {  	s6 =	simm.s32 $0x0;
	s20 =	sshll.u32 s4, $0x1;
	s4 =	sadd.s32 s21, s2  }
0x9d: {  	[timem:s6], [sflag:s22] =	dma.local [hbm:s4], s20  }
0x9e: {  	_ =	swait.ge [sflag:s22], s20  }
0x9f: {  	s3 =	ssub.s32 $0x0, s20;
	[sflag:s22] =	ssyncset.done $0x0  }
0xa0: {  	[sflag:s22] =	ssyncadd.s32 s3;
	_ =	sdelay $0x1  }
0xa1: {  	s23 =	simm.s32 $0x1B8B  }
0xa2: {  	_ =	swait.ge [sflag:s23], $0x1  }
0xa3: {  	[sflag:s23] =	ssyncset.done $0x0  }
0xa4: {  	s25 =	simm.s32 $0x1B8E;
	s24 =	sld [smem:$0x3FFE];
	[sflag:s23] =	ssyncadd.s32 $0xFFFFFFFF  }
0xa5: {  	s26 =	simm.s32 $execute0_lowered;
	[smem:$0x3FD2] =	sst s25  }
0xa6: {  	s4 =	sshll.u32 s26, $0x1;
	_ =	strace $0x8000004C;
	[dreg:$0x1] =	wrdreg $0xFFFFFFFF  }
0xa7: {  	s28 =	simm.s32 $_size_execute0_lowered;
	s2 =	sadd.s32 s2, s4;
	[dreg:$0x0] =	wrdreg $0x0  }
0xa8: {  	s4 =	sshll.u32 s28, $0x1;
	[dreg:$0x2] =	wrdreg s2  }
0xa9: {  	[dreg:$0x3] =	wrdreg s4  }
0xaa: {  	[dreg:$0x4] =	wrdreg $0xC0  }
0xab: {  	_ =	task [dreg:s6], $0x5FFFF  }
0xac: {  	[dreg:$0x1] =	wrdreg $0xFFFFFFFF  }
0xad: {  	[dreg:$0x0] =	wrdreg $0x60  }
0xae: {  	[dreg:$0x2] =	wrdreg s24  }
0xaf: {  	[dreg:$0x3] =	wrdreg $0x12E400  }
0xb0: {  	[dreg:$0x4] =	wrdreg $0x9  }
0xb1: {  	_ =	task.clear_ibuf [dreg:s6], $0x5FFFF;
	_ =	strace $0x9000004C  }
0xb2: {  	s29 =	simm.s32 $0x9;
	_ =	strace $0x8000004E  }
0xb3: {  	_ =	swait.ge [sflag:s29], $0x1  }
0xb4: {  	[sflag:s29] =	ssyncadd.s32 $0xFFFFFFFF  }
0xb5: {  	_ =	strace $0x9000004E  }
0xb6: {  	_ =	sfence  }
0xb7: {  	s30 =	sld [smem:$0x0];
	_ =	sdelay $0x2  }
0xb8: {  	s31 =	sshll.u32 s1, $0xD;
	s1 =	sshrl.u32 s1, $0x2  }
0xb9: {  	s3 =	sand.u32 $0x4000, s31;
	s1 =	sadd.s32 s1, s30  }
0xba: {  	s0 =	sor.u32 s3, s0;
	s1 =	sshll.u32 s1, $0x11  }
0xbb: {  	s0 =	sor.u32 s1, s0  }
0xbc: {  	s0 =	sadd.s32 $0x8F2B, s0  }
0xbd: {  	[sflag:s0] =	ssyncadd.remote.s32 $0x1  }
0xbe: {  	_ =	sfence.sel $0xFFFF  }
0xbf: {  	[dreg:$0x0] =	wrdreg $0xFFFFFFFF;
	(pc) =	sbr.abs _section_cstart, $3  }
0xc0: {  	[dreg:$0x1] =	wrdreg $0xFFFFFFFF  }
0xc1: {  	_ =	task.clear_ibuf [dreg:s6], $0x2FFFF;
	_ =	strace $0x9FFFFFFF  }
0xc2: {  	(tm) =	ssettm $0x7FFFFFFF  }
0xc3: {  	_ =	shalt  }
tec
execute0_lowered:
.L_overlay_start_1:
0x0: {  	(tag) =	ssettag $0x1  }
0x1: {  	s0 =	rddreg [dreg:$0x0]  }
0x2: {  	s1 =	rddreg [dreg:$0x1];
	s2 =	simm.s32 $0x0;
	s13 =	srdreg.scid  }
0x3: {  	s9 =	stileid.u32;
	s28 =	simm.s32 $0xAF00;
	s30 =	simm.s32 $0xCF00  }
0x4: {  	s29 =	simm.s32 $0x6;
	s31 =	simm.s32 $0x7;
	s10 =	simm.s32 $0x2680  }
0x5: {  	s11 =	simm.s32 $0x0;
	[smem:$0x7FF] =	sst s2;
	s2 =	sand.u32 $0x1, s13  }
0x6: {  	s3 =	smul.u32 $0x13880, s9;
	s6 =	sadd.s32 $0xD600, s0;
	s7 =	sshll.u32 s9, $0x1  }
0x7: {  	s4 =	sadd.s32 $0x21000, s0;
	s8 =	smul.u32 $0x27100, s9;
	p0 =	sgt.u32 s9, $0x1  }
0x8: {  	s9 =	simm.s32 $0xC;
	_ =	strace $0x8000004D;
	s5 =	sshll.u32 s2, $0x6  }
0x9: {  	s14 =	sor.u32 s2, s7;
	s2 =	ssub.s32 $0x2, s2;
	s3 =	sor.u32 s5, s3  }
0xa: {  	s7 =	smul.u32 $0x2700, s14;
	s15 =	sshrl.u32 s2, $0x1;
	s17 =	sshll.u32 s14, $0x4  }
0xb: {  	s19 =	sshrl.u32 s8, $0x2;
	s3 =	sshrl.u32 s3, $0x3;
	s2 =	ssub.s32 s2, s15  }
0xc: {  	s18 =	sadd.s32 s17, s6;
	s8 =	sadd.s32 s19, s1;
	s17 =	simm.s32 $0x10F00  }
0xd: {  	s19 =	simm.s32 $0x1;
	s0 =	sadd.s32 s3, s0;
	s21 =	sadd.s32 $0x9C00, s18  }
0xe: {  	s16 =	sshrl.u32 s7, $0x3;
	s3 =	sadd.s32 $0x13840, s18;
	[dreg:$0x4] =	wrdreg s21  }
0xf: {  	s22 =	sadd.s32 $0x1F40, s8;
	s23 =	sadd.s32 $0x3E80, s8;
	[dreg:$0x5] =	wrdreg s3  }
0x10: {  	s24 =	sadd.s32 $0x5DC0, s8;
	s25 =	sadd.s32 $0x7D00, s8;
	[dreg:$0x6] =	wrdreg s22  }
0x11: {  	s26 =	smax.u32 s2, $0x1;
	s18 =	simm.s32 $0xD;
	[dreg:$0x7] =	wrdreg s23  }
0x12: {  	s2 =	simm.s32 $0x8;
	s7 =	simm.s32 $0xB;
	[dreg:$0x8] =	wrdreg s24  }
0x13: {  	s5 =	sadd.s32 s6, s16;
	[dreg:$0x9] =	wrdreg s25;
	s0 =	sadd.s32 $0x48200, s0  }
0x14: {  	[dreg:$0xb] =	wrdreg s26;
	s21 =	simm.s32 $0x80;
	s22 =	simm.s32 $0x4F00  }
0x15: {  	s23 =	simm.s32 $0x6F00;
	s25 =	simm.s32 $0x8F00;
	s16 =	simm.s32 $0x3  }
0x16: {  	s24 =	simm.s32 $0x4;
	s26 =	simm.s32 $0x5;
	s3 =	simm.s32 $0x9  }
0x17: {  	s6 =	simm.s32 $0xA;
	s20 =	sadd.s32 $0x9C40, s5;
	[dreg:$0xa] =	wrdreg s0  }
0x18: {  	v0 =	vimm.f32 $0.0e+00;
	s0 =	simm.s32 $0xEF00;
	[dreg:$0x3] =	wrdreg s20;
	s20 =	simm.s32 $0x2  }
.LBB2_1:
0x19: {  	s12 =	simm.s32 $0x0  }
0x1a: {  	[tilespmem:s12], [sflag:$0x1] =	stream.linear.gather [hbm4b:s5+s12], $0x2700, $0x38;
	[tilespmem:$0x1CA80] =	vst v63  }
0x1b: {  	s13 =	rddreg [dreg:$0x3];
	s14 =	simm.s32 $0x2780  }
0x1c: {  	[tilespmem:s14], [sflag:$0x2] =	stream.linear.gather [hbm4b:s13+s12], $0x2700, $0x38;
	[tilespmem:$0x1CA80] =	vst v63  }
0x1d: {  	s12 =	simm.s32 @!p0 $0x0;
	s13 =	simm.s32 @!p0 $0x2700;
	s14 =	rddreg [dreg:$0x4]  }
0x1e: {  	[tilespmem:s13], [sflag:$0xD] =	stream.linear.gather @!p0 [hbm4b:s14+s12], $0x80, $0x38;
	[tilespmem:$0x1CA80] =	vst v63  }
0x1f: {  	s13 =	simm.s32 @!p0 $0xD  }
0x20: {  	_ =	swait.ge @!p0 [sflag:s13], $0x80  }
0x21: {  	[sflag:s13] =	ssyncset.done @!p0 $0x0  }
0x22: {  	s14 =	simm.s32 @!p0 $0x4E80;
	s15 =	rddreg [dreg:$0x5];
	[sflag:s13] =	ssyncadd.s32 @!p0 $0xFFFFFF80  }
0x23: {  	[tilespmem:s14], [sflag:$0xD] =	stream.linear.gather @!p0 [hbm4b:s15+s12], $0x80, $0x38;
	[tilespmem:$0x1CA80] =	vst v63  }
0x24: {  	_ =	swait.ge @!p0 [sflag:s13], $0x80  }
0x25: {  	[sflag:s13] =	ssyncset.done @!p0 $0x0  }
0x26: {  	s12 =	simm.s32 $0x0;
	[sflag:s13] =	ssyncadd.s32 @!p0 $0xFFFFFF80;
	s13 =	simm.s32 $0x100  }
.LBB2_2:
0x27: {  	p1 =	sne.s32 s13, $0x7C00;
	[tilespmem:s12+$0x10F30] =	vst v0;
	s14 =	smov.u32 s13;
	s13 =	sadd.s32 $0x100, s13  }
.Ltmp0:
0x28: {  	[tilespmem:s12+$0x10F20] =	vst v0;
	(pc) =	sbr.rel @p1 .LBB2_2-.Ltmp0, $3  }
0x29: {  	[tilespmem:s12+$0x10F00] =	vst v0  }
0x2a: {  	[tilespmem:s12+$0x10F10] =	vst v0;
	_ =	sdelay $0x1  }
0x2b: {  	s12 =	sshra.s32 s14, $0x2  }
0x2c: {  	[tilespmem:s12+$0x10F30] =	vst v0  }
0x2d: {  	[tilespmem:s12+$0x10F20] =	vst v0  }
0x2e: {  	[tilespmem:s12+$0x10F00] =	vst v0  }
0x2f: {  	[tilespmem:s12+$0x10F10] =	vst v0  }
0x30: {  	[spmem:s8] =	stream.linear.scatter [tilespmem:s17], [sflag:$0xD], $0x1F40, $0x38;
	[tilespmem:$0x1CA80] =	vst v63  }
0x31: {  	_ =	swait.ge [sflag:s18], $0x1F40  }
0x32: {  	[sflag:s18] =	ssyncset.done $0x0  }
0x33: {  	s15 =	rddreg [dreg:$0x6];
	[sflag:s18] =	ssyncadd.s32 $0xFFFFE0C0  }
0x34: {  	[spmem:s15] =	stream.linear.scatter [tilespmem:s17], [sflag:$0xD], $0x1F40, $0x38;
	[tilespmem:$0x1CA80] =	vst v63  }
0x35: {  	_ =	swait.ge [sflag:s18], $0x1F40  }
0x36: {  	[sflag:s18] =	ssyncset.done $0x0  }
0x37: {  	s13 =	rddreg [dreg:$0x7];
	[sflag:s18] =	ssyncadd.s32 $0xFFFFE0C0  }
0x38: {  	[spmem:s13] =	stream.linear.scatter [tilespmem:s17], [sflag:$0xD], $0x1F40, $0x38;
	[tilespmem:$0x1CA80] =	vst v63  }
0x39: {  	_ =	swait.ge [sflag:s18], $0x1F40  }
0x3a: {  	[sflag:s18] =	ssyncset.done $0x0  }
0x3b: {  	s14 =	rddreg [dreg:$0x8];
	[sflag:s18] =	ssyncadd.s32 $0xFFFFE0C0  }
0x3c: {  	[spmem:s14] =	stream.linear.scatter [tilespmem:s17], [sflag:$0xD], $0x1F40, $0x38;
	[tilespmem:$0x1CA80] =	vst v63  }
0x3d: {  	_ =	swait.ge [sflag:s18], $0x1F40  }
0x3e: {  	[sflag:s18] =	ssyncset.done $0x0  }
0x3f: {  	s15 =	rddreg [dreg:$0x9];
	[sflag:s18] =	ssyncadd.s32 $0xFFFFE0C0  }
0x40: {  	[spmem:s15] =	stream.linear.scatter [tilespmem:s17], [sflag:$0xD], $0x1F40, $0x38;
	[tilespmem:$0x1CA80] =	vst v63  }
0x41: {  	_ =	swait.ge [sflag:s18], $0x1F40  }
0x42: {  	[sflag:s18] =	ssyncset.done $0x0  }
0x43: {  	[sflag:s18] =	ssyncadd.s32 $0xFFFFE0C0  }
0x44: {  	_ =	swait.ge [sflag:s19], $0x2700  }
0x45: {  	[sflag:s19] =	ssyncset.done $0x0  }
0x46: {  	[sflag:s19] =	ssyncadd.s32 $0xFFFFD900  }
0x47: {  	_ =	swait.ge [sflag:s20], $0x2700  }
0x48: {  	[sflag:s20] =	ssyncset.done $0x0  }
0x49: {  	s12 =	simm.s32 $0x0;
	[sflag:s20] =	ssyncadd.s32 $0xFFFFD900  }
0x4a: {  	v3 =	vld [tilespmem:s12+$0x0]  }
0x4b: {  	v5 =	vld [tilespmem:s12+$0x10]  }
0x4c: {  	v4 =	vld [tilespmem:s12+$0x20]  }
0x4d: {  	v2 =	vld [tilespmem:s12+$0x30]  }
0x4e: {  	v1 =	vld [tilespmem:s12+$0x40]  }
0x4f: {  	v6 =	vshll.u32 v3, $0x1;
	v3 =	vld [tilespmem:s12+$0x50]  }
0x50: {  	s13 =	simm.s32 $0x200;
	[tilespmem:s12+$0x0] =	vst v6;
	v6 =	vshll.u32 v5, $0x1;
	v5 =	vld [tilespmem:s12+$0x60]  }
.LBB2_4:
0x51: {  	s14 =	sshra.s32 s13, $0x2;
	p1 =	sne.s32 s13, $0x9C00;
	[tilespmem:s12+$0x10] =	vst v6;
	v4 =	vshll.u32 v4, $0x1;
	v6 =	vld [tilespmem:s12+$0x70]  }
0x52: {  	v7 =	vld [tilespmem:s14+$0x0];
	[tilespmem:s12+$0x20] =	vst v4;
	v2 =	vshll.u32 v2, $0x1  }
0x53: {  	v8 =	vld [tilespmem:s14+$0x10];
	[tilespmem:s12+$0x30] =	vst v2;
	v1 =	vshll.u32 v1, $0x1  }
.Ltmp1:
0x54: {  	v4 =	vld [tilespmem:s14+$0x20];
	[tilespmem:s12+$0x40] =	vst v1;
	v1 =	vshll.u32 v3, $0x1;
	(pc) =	sbr.rel @p1 .LBB2_4-.Ltmp1, $4  }
0x55: {  	v2 =	vld [tilespmem:s14+$0x30];
	[tilespmem:s12+$0x50] =	vst v1;
	v3 =	vshll.u32 v5, $0x1  }
0x56: {  	v1 =	vld [tilespmem:s14+$0x40];
	[tilespmem:s12+$0x60] =	vst v3;
	v5 =	vshll.u32 v6, $0x1  }
0x57: {  	v6 =	vshll.u32 v7, $0x1;
	v3 =	vld [tilespmem:s14+$0x50];
	[tilespmem:s12+$0x70] =	vst v5;
	s12 =	smov.u32 s14  }
0x58: {  	s13 =	sadd.s32 $0x200, s13;
	[tilespmem:s12+$0x0] =	vst v6;
	v6 =	vshll.u32 v8, $0x1;
	v5 =	vld [tilespmem:s12+$0x60]  }
0x59: {  	[tilespmem:s12+$0x10] =	vst v6;
	v4 =	vshll.u32 v4, $0x1;
	v63 =	vld [tilespmem:s12+$0x70]  }
0x5a: {  	[tilespmem:s12+$0x20] =	vst v4;
	v2 =	vshll.u32 v2, $0x1  }
0x5b: {  	[tilespmem:s12+$0x30] =	vst v2;
	v1 =	vshll.u32 v1, $0x1  }
0x5c: {  	[tilespmem:s12+$0x40] =	vst v1;
	v1 =	vshll.u32 v3, $0x1  }
0x5d: {  	[tilespmem:s12+$0x50] =	vst v1;
	v1 =	vshll.u32 v5, $0x1  }
0x5e: {  	[tilespmem:s12+$0x60] =	vst v1;
	v1 =	vshll.u32 v63, $0x1  }
0x5f: {  	[tilespmem:s12+$0x70] =	vst v1  }
0x60: {  	s15 =	simm.s32 $0x0;
	[bflag:$0x0] =	sbarrier.arrive $0xFFFF  }
0x61: {  	[tilespmem:s22], [sflag:$0x1] =	stream.indirect.gather [hbm4b:s4+s21], $0x40, s15, s21, $0xb8;
	[tilespmem:$0x1CA80] =	vst v63  }
0x62: {  	_ = 	snop  }
0x63: {  	[tilespmem:s23], [sflag:$0x2] =	stream.indirect.gather [hbm4b:s4+s21], $0x40, s21, s21, $0xb8;
	[tilespmem:$0x1CA80] =	vst v63  }
0x64: {  	s13 =	simm.s32 $0x100  }
0x65: {  	[tilespmem:s25], [sflag:$0x3] =	stream.indirect.gather [hbm4b:s4+s21], $0x40, s13, s21, $0xb8;
	[tilespmem:$0x1CA80] =	vst v63  }
0x66: {  	s14 =	simm.s32 $0x180  }
0x67: {  	[tilespmem:s28], [sflag:$0x4] =	stream.indirect.gather [hbm4b:s4+s21], $0x40, s14, s21, $0xb8;
	[tilespmem:$0x1CA80] =	vst v63  }
0x68: {  	s15 =	simm.s32 $0x200  }
0x69: {  	[tilespmem:s30], [sflag:$0x5] =	stream.indirect.gather [hbm4b:s4+s21], $0x40, s15, s21, $0xb8;
	[tilespmem:$0x1CA80] =	vst v63  }
0x6a: {  	s13 =	simm.s32 $0x280  }
0x6b: {  	[tilespmem:s0], [sflag:$0x6] =	stream.indirect.gather [hbm4b:s4+s21], $0x40, s13, s21, $0xb8;
	[tilespmem:$0x1CA80] =	vst v63  }
0x6c: {  	_ =	swait.ge [sflag:s19], $0x2000  }
0x6d: {  	[sflag:s19] =	ssyncset.done $0x0  }
0x6e: {  	s14 =	simm.s32 $0x2780;
	[sflag:s19] =	ssyncadd.s32 $0xFFFFE000  }
0x6f: {  	[spmem:s1] =	stream.indirect.scatter.add.f32 [tilespmem:s22], [sflag:$0x7], $0x40, s14, s21, $0xb8;
	[tilespmem:$0x1CA80] =	vst v63  }
0x70: {  	_ =	swait.ge [sflag:s20], $0x2000  }
0x71: {  	[sflag:s20] =	ssyncset.done $0x0  }
0x72: {  	s15 =	simm.s32 $0x2800;
	[sflag:s20] =	ssyncadd.s32 $0xFFFFE000  }
0x73: {  	[spmem:s1] =	stream.indirect.scatter.add.f32 [tilespmem:s23], [sflag:$0x8], $0x40, s15, s21, $0xb8;
	[tilespmem:$0x1CA80] =	vst v63  }
0x74: {  	_ =	swait.ge [sflag:s16], $0x2000  }
0x75: {  	[sflag:s16] =	ssyncset.done $0x0  }
0x76: {  	s13 =	simm.s32 $0x2880;
	[sflag:s16] =	ssyncadd.s32 $0xFFFFE000  }
0x77: {  	[spmem:s1] =	stream.indirect.scatter.add.f32 [tilespmem:s25], [sflag:$0x9], $0x40, s13, s21, $0xb8;
	[tilespmem:$0x1CA80] =	vst v63  }
0x78: {  	_ =	swait.ge [sflag:s24], $0x2000  }
0x79: {  	[sflag:s24] =	ssyncset.done $0x0  }
0x7a: {  	s14 =	simm.s32 $0x2900;
	[sflag:s24] =	ssyncadd.s32 $0xFFFFE000  }
0x7b: {  	[spmem:s1] =	stream.indirect.scatter.add.f32 [tilespmem:s28], [sflag:$0xA], $0x40, s14, s21, $0xb8;
	[tilespmem:$0x1CA80] =	vst v63  }
0x7c: {  	_ =	swait.ge [sflag:s26], $0x2000  }
0x7d: {  	[sflag:s26] =	ssyncset.done $0x0  }
0x7e: {  	s15 =	simm.s32 $0x2980;
	[sflag:s26] =	ssyncadd.s32 $0xFFFFE000  }
0x7f: {  	[spmem:s1] =	stream.indirect.scatter.add.f32 [tilespmem:s30], [sflag:$0xB], $0x40, s15, s21, $0xb8;
	[tilespmem:$0x1CA80] =	vst v63  }
0x80: {  	_ =	swait.ge [sflag:s29], $0x2000  }
0x81: {  	[sflag:s29] =	ssyncset.done $0x0  }
0x82: {  	s13 =	simm.s32 $0x2A00;
	[sflag:s29] =	ssyncadd.s32 $0xFFFFE000  }
0x83: {  	[spmem:s1] =	stream.indirect.scatter.add.f32 [tilespmem:s0], [sflag:$0xC], $0x40, s13, s21, $0xb8;
	[tilespmem:$0x1CA80] =	vst v63  }
0x84: {  	_ =	swait.ge [sflag:s31], $0x2000  }
0x85: {  	[sflag:s31] =	ssyncset.done $0x0  }
0x86: {  	s14 =	simm.s32 $0x300;
	[sflag:s31] =	ssyncadd.s32 $0xFFFFE000  }
0x87: {  	[tilespmem:s22], [sflag:$0x1] =	stream.indirect.gather [hbm4b:s4+s21], $0x40, s14, s21, $0xb8;
	[tilespmem:$0x1CA80] =	vst v63  }
0x88: {  	_ =	swait.ge [sflag:s2], $0x2000  }
0x89: {  	[sflag:s2] =	ssyncset.done $0x0  }
0x8a: {  	s15 =	simm.s32 $0x380;
	[sflag:s2] =	ssyncadd.s32 $0xFFFFE000  }
0x8b: {  	[tilespmem:s23], [sflag:$0x2] =	stream.indirect.gather [hbm4b:s4+s21], $0x40, s15, s21, $0xb8;
	[tilespmem:$0x1CA80] =	vst v63  }
0x8c: {  	_ =	swait.ge [sflag:s3], $0x2000  }
0x8d: {  	[sflag:s3] =	ssyncset.done $0x0  }
0x8e: {  	s13 =	simm.s32 $0x400;
	[sflag:s3] =	ssyncadd.s32 $0xFFFFE000  }
0x8f: {  	[tilespmem:s25], [sflag:$0x3] =	stream.indirect.gather [hbm4b:s4+s21], $0x40, s13, s21, $0xb8;
	[tilespmem:$0x1CA80] =	vst v63  }
0x90: {  	_ =	swait.ge [sflag:s6], $0x2000  }
0x91: {  	[sflag:s6] =	ssyncset.done $0x0  }
0x92: {  	s14 =	simm.s32 $0x480;
	[sflag:s6] =	ssyncadd.s32 $0xFFFFE000  }
0x93: {  	[tilespmem:s28], [sflag:$0x4] =	stream.indirect.gather [hbm4b:s4+s21], $0x40, s14, s21, $0xb8;
	[tilespmem:$0x1CA80] =	vst v63  }
0x94: {  	_ =	swait.ge [sflag:s7], $0x2000  }
0x95: {  	[sflag:s7] =	ssyncset.done $0x0  }
0x96: {  	s15 =	simm.s32 $0x500;
	[sflag:s7] =	ssyncadd.s32 $0xFFFFE000  }
0x97: {  	[tilespmem:s30], [sflag:$0x5] =	stream.indirect.gather [hbm4b:s4+s21], $0x40, s15, s21, $0xb8;
	[tilespmem:$0x1CA80] =	vst v63  }
0x98: {  	_ =	swait.ge [sflag:s9], $0x2000  }
0x99: {  	[sflag:s9] =	ssyncset.done $0x0  }
0x9a: {  	s12 =	simm.s32 $0xC00;
	s13 =	simm.s32 $0x580;
	[sflag:s9] =	ssyncadd.s32 $0xFFFFE000  }
.LBB2_6:
0x9b: {  	[tilespmem:s0], [sflag:$0x6] =	stream.indirect.gather [hbm4b:s4+s21], $0x40, s13, s21, $0xb8;
	[tilespmem:$0x1CA80] =	vst v63  }
0x9c: {  	s13 =	smov.u32 s12;
	s12 =	sadd.s32 $0xC00, s12;
	_ =	swait.ge [sflag:s19], $0x2000  }
0x9d: {  	s13 =	sshra.s32 s13, $0x2;
	p1 =	sne.s32 s12, $0x8400;
	[sflag:s19] =	ssyncset.done $0x0  }
0x9e: {  	s14 =	sadd.s32 $0x2780, s13;
	[sflag:s19] =	ssyncadd.s32 $0xFFFFE000  }
0x9f: {  	[spmem:s1] =	stream.indirect.scatter.add.f32 [tilespmem:s22], [sflag:$0x7], $0x40, s14, s21, $0xb8;
	[tilespmem:$0x1CA80] =	vst v63  }
0xa0: {  	_ =	swait.ge [sflag:s20], $0x2000  }
0xa1: {  	[sflag:s20] =	ssyncset.done $0x0  }
0xa2: {  	s14 =	sadd.s32 $0x2800, s13;
	[sflag:s20] =	ssyncadd.s32 $0xFFFFE000  }
0xa3: {  	[spmem:s1] =	stream.indirect.scatter.add.f32 [tilespmem:s23], [sflag:$0x8], $0x40, s14, s21, $0xb8;
	[tilespmem:$0x1CA80] =	vst v63  }
0xa4: {  	_ =	swait.ge [sflag:s16], $0x2000  }
0xa5: {  	[sflag:s16] =	ssyncset.done $0x0  }
0xa6: {  	s14 =	sadd.s32 $0x2880, s13;
	[sflag:s16] =	ssyncadd.s32 $0xFFFFE000  }
0xa7: {  	[spmem:s1] =	stream.indirect.scatter.add.f32 [tilespmem:s25], [sflag:$0x9], $0x40, s14, s21, $0xb8;
	[tilespmem:$0x1CA80] =	vst v63  }
0xa8: {  	_ =	swait.ge [sflag:s24], $0x2000  }
0xa9: {  	[sflag:s24] =	ssyncset.done $0x0  }
0xaa: {  	s14 =	sadd.s32 $0x2900, s13;
	[sflag:s24] =	ssyncadd.s32 $0xFFFFE000  }
0xab: {  	[spmem:s1] =	stream.indirect.scatter.add.f32 [tilespmem:s28], [sflag:$0xA], $0x40, s14, s21, $0xb8;
	[tilespmem:$0x1CA80] =	vst v63  }
0xac: {  	_ =	swait.ge [sflag:s26], $0x2000  }
0xad: {  	[sflag:s26] =	ssyncset.done $0x0  }
0xae: {  	s14 =	sadd.s32 $0x2980, s13;
	[sflag:s26] =	ssyncadd.s32 $0xFFFFE000  }
0xaf: {  	[spmem:s1] =	stream.indirect.scatter.add.f32 [tilespmem:s30], [sflag:$0xB], $0x40, s14, s21, $0xb8;
	[tilespmem:$0x1CA80] =	vst v63  }
0xb0: {  	_ =	swait.ge [sflag:s29], $0x2000  }
0xb1: {  	[sflag:s29] =	ssyncset.done $0x0  }
0xb2: {  	s14 =	sadd.s32 $0x2A00, s13;
	[sflag:s29] =	ssyncadd.s32 $0xFFFFE000  }
0xb3: {  	[spmem:s1] =	stream.indirect.scatter.add.f32 [tilespmem:s0], [sflag:$0xC], $0x40, s14, s21, $0xb8;
	[tilespmem:$0x1CA80] =	vst v63  }
0xb4: {  	_ =	swait.ge [sflag:s31], $0x2000  }
0xb5: {  	[sflag:s31] =	ssyncset.done $0x0  }
0xb6: {  	s14 =	sadd.s32 $0x300, s13;
	[sflag:s31] =	ssyncadd.s32 $0xFFFFE000  }
0xb7: {  	[tilespmem:s22], [sflag:$0x1] =	stream.indirect.gather [hbm4b:s4+s21], $0x40, s14, s21, $0xb8;
	[tilespmem:$0x1CA80] =	vst v63  }
0xb8: {  	_ =	swait.ge [sflag:s2], $0x2000  }
0xb9: {  	[sflag:s2] =	ssyncset.done $0x0  }
0xba: {  	s14 =	sadd.s32 $0x380, s13;
	[sflag:s2] =	ssyncadd.s32 $0xFFFFE000  }
0xbb: {  	[tilespmem:s23], [sflag:$0x2] =	stream.indirect.gather [hbm4b:s4+s21], $0x40, s14, s21, $0xb8;
	[tilespmem:$0x1CA80] =	vst v63  }
0xbc: {  	_ =	swait.ge [sflag:s3], $0x2000  }
0xbd: {  	[sflag:s3] =	ssyncset.done $0x0  }
0xbe: {  	s14 =	sadd.s32 $0x400, s13;
	[sflag:s3] =	ssyncadd.s32 $0xFFFFE000  }
0xbf: {  	[tilespmem:s25], [sflag:$0x3] =	stream.indirect.gather [hbm4b:s4+s21], $0x40, s14, s21, $0xb8;
	[tilespmem:$0x1CA80] =	vst v63  }
0xc0: {  	_ =	swait.ge [sflag:s6], $0x2000  }
0xc1: {  	[sflag:s6] =	ssyncset.done $0x0  }
0xc2: {  	s14 =	sadd.s32 $0x480, s13;
	[sflag:s6] =	ssyncadd.s32 $0xFFFFE000  }
0xc3: {  	[tilespmem:s28], [sflag:$0x4] =	stream.indirect.gather [hbm4b:s4+s21], $0x40, s14, s21, $0xb8;
	[tilespmem:$0x1CA80] =	vst v63  }
0xc4: {  	_ =	swait.ge [sflag:s7], $0x2000  }
0xc5: {  	[sflag:s7] =	ssyncset.done $0x0  }
.Ltmp2:
0xc6: {  	s14 =	sadd.s32 $0x500, s13;
	[sflag:s7] =	ssyncadd.s32 $0xFFFFE000;
	(pc) =	sbr.rel @p1 .LBB2_6-.Ltmp2, $4  }
0xc7: {  	[tilespmem:s30], [sflag:$0x5] =	stream.indirect.gather [hbm4b:s4+s21], $0x40, s14, s21, $0xb8;
	[tilespmem:$0x1CA80] =	vst v63  }
0xc8: {  	_ =	swait.ge [sflag:s9], $0x2000  }
0xc9: {  	[sflag:s9] =	ssyncset.done $0x0  }
0xca: {  	s13 =	sadd.s32 $0x580, s13;
	[sflag:s9] =	ssyncadd.s32 $0xFFFFE000  }
0xcb: {  	[tilespmem:s0], [sflag:$0x6] =	stream.indirect.gather [hbm4b:s4+s21], $0x40, s13, s21, $0xb8;
	[tilespmem:$0x1CA80] =	vst v63  }
0xcc: {  	_ =	swait.ge [sflag:s19], $0x2000  }
0xcd: {  	s12 =	sshra.s32 s12, $0x2;
	[sflag:s19] =	ssyncset.done $0x0  }
0xce: {  	s14 =	sadd.s32 $0x2780, s12;
	[sflag:s19] =	ssyncadd.s32 $0xFFFFE000  }
0xcf: {  	[spmem:s1] =	stream.indirect.scatter.add.f32 [tilespmem:s22], [sflag:$0x7], $0x40, s14, s21, $0xb8;
	[tilespmem:$0x1CA80] =	vst v63  }
0xd0: {  	_ =	swait.ge [sflag:s20], $0x2000  }
0xd1: {  	[sflag:s20] =	ssyncset.done $0x0  }
0xd2: {  	s15 =	sadd.s32 $0x2800, s12;
	[sflag:s20] =	ssyncadd.s32 $0xFFFFE000  }
0xd3: {  	[spmem:s1] =	stream.indirect.scatter.add.f32 [tilespmem:s23], [sflag:$0x8], $0x40, s15, s21, $0xb8;
	[tilespmem:$0x1CA80] =	vst v63  }
0xd4: {  	_ =	swait.ge [sflag:s16], $0x2000  }
0xd5: {  	[sflag:s16] =	ssyncset.done $0x0  }
0xd6: {  	s14 =	sadd.s32 $0x2880, s12;
	[sflag:s16] =	ssyncadd.s32 $0xFFFFE000  }
0xd7: {  	[spmem:s1] =	stream.indirect.scatter.add.f32 [tilespmem:s25], [sflag:$0x9], $0x40, s14, s21, $0xb8;
	[tilespmem:$0x1CA80] =	vst v63  }
0xd8: {  	_ =	swait.ge [sflag:s24], $0x2000  }
0xd9: {  	[sflag:s24] =	ssyncset.done $0x0  }
0xda: {  	s15 =	sadd.s32 $0x2900, s12;
	[sflag:s24] =	ssyncadd.s32 $0xFFFFE000  }
0xdb: {  	[spmem:s1] =	stream.indirect.scatter.add.f32 [tilespmem:s28], [sflag:$0xA], $0x40, s15, s21, $0xb8;
	[tilespmem:$0x1CA80] =	vst v63  }
0xdc: {  	_ =	swait.ge [sflag:s26], $0x2000  }
0xdd: {  	[sflag:s26] =	ssyncset.done $0x0  }
0xde: {  	s14 =	sadd.s32 $0x2980, s12;
	[sflag:s26] =	ssyncadd.s32 $0xFFFFE000  }
0xdf: {  	[spmem:s1] =	stream.indirect.scatter.add.f32 [tilespmem:s30], [sflag:$0xB], $0x40, s14, s21, $0xb8;
	[tilespmem:$0x1CA80] =	vst v63  }
0xe0: {  	_ =	swait.ge [sflag:s29], $0x2000  }
0xe1: {  	[sflag:s29] =	ssyncset.done $0x0  }
0xe2: {  	s12 =	sadd.s32 $0x2A00, s12;
	[sflag:s29] =	ssyncadd.s32 $0xFFFFE000  }
0xe3: {  	[spmem:s1] =	stream.indirect.scatter.add.f32 [tilespmem:s0], [sflag:$0xC], $0x40, s12, s21, $0xb8;
	[tilespmem:$0x1CA80] =	vst v63  }
0xe4: {  	_ =	swait.ge [sflag:s31], $0x2000  }
0xe5: {  	[sflag:s31] =	ssyncset.done $0x0  }
0xe6: {  	s15 =	simm.s32 $0x2400;
	[sflag:s31] =	ssyncadd.s32 $0xFFFFE000  }
0xe7: {  	[tilespmem:s22], [sflag:$0x1] =	stream.indirect.gather [hbm4b:s4+s21], $0x40, s15, s21, $0xb8;
	[tilespmem:$0x1CA80] =	vst v63  }
0xe8: {  	_ =	swait.ge [sflag:s2], $0x2000  }
0xe9: {  	[sflag:s2] =	ssyncset.done $0x0  }
0xea: {  	s13 =	simm.s32 $0x2480;
	[sflag:s2] =	ssyncadd.s32 $0xFFFFE000  }
0xeb: {  	[tilespmem:s23], [sflag:$0x2] =	stream.indirect.gather [hbm4b:s4+s21], $0x40, s13, s21, $0xb8;
	[tilespmem:$0x1CA80] =	vst v63  }
0xec: {  	_ =	swait.ge [sflag:s3], $0x2000  }
0xed: {  	[sflag:s3] =	ssyncset.done $0x0  }
0xee: {  	s14 =	simm.s32 $0x2500;
	[sflag:s3] =	ssyncadd.s32 $0xFFFFE000  }
0xef: {  	[tilespmem:s25], [sflag:$0x3] =	stream.indirect.gather [hbm4b:s4+s21], $0x40, s14, s21, $0xb8;
	[tilespmem:$0x1CA80] =	vst v63  }
0xf0: {  	_ =	swait.ge [sflag:s6], $0x2000  }
0xf1: {  	[sflag:s6] =	ssyncset.done $0x0  }
0xf2: {  	s15 =	simm.s32 $0x2580;
	[sflag:s6] =	ssyncadd.s32 $0xFFFFE000  }
0xf3: {  	[tilespmem:s28], [sflag:$0x4] =	stream.indirect.gather [hbm4b:s4+s21], $0x40, s15, s21, $0xb8;
	[tilespmem:$0x1CA80] =	vst v63  }
0xf4: {  	_ =	swait.ge [sflag:s7], $0x2000  }
0xf5: {  	[sflag:s7] =	ssyncset.done $0x0  }
0xf6: {  	s13 =	simm.s32 $0x2600;
	[sflag:s7] =	ssyncadd.s32 $0xFFFFE000  }
0xf7: {  	[tilespmem:s30], [sflag:$0x5] =	stream.indirect.gather [hbm4b:s4+s21], $0x40, s13, s21, $0xb8;
	[tilespmem:$0x1CA80] =	vst v63  }
0xf8: {  	_ =	swait.ge [sflag:s9], $0x2000  }
0xf9: {  	[sflag:s9] =	ssyncset.done $0x0  }
0xfa: {  	[sflag:s9] =	ssyncadd.s32 $0xFFFFE000  }
0xfb: {  	[tilespmem:s0], [sflag:$0x6] =	stream.indirect.gather [hbm4b:s4+s21], $0x40, s10, s21, $0xb8;
	[tilespmem:$0x1CA80] =	vst v63  }
0xfc: {  	_ =	swait.ge [sflag:s19], $0x2000  }
0xfd: {  	[sflag:s19] =	ssyncset.done $0x0  }
0xfe: {  	s14 =	simm.s32 $0x4B80;
	[sflag:s19] =	ssyncadd.s32 $0xFFFFE000  }
0xff: {  	[spmem:s1] =	stream.indirect.scatter.add.f32 [tilespmem:s22], [sflag:$0x7], $0x40, s14, s21, $0xb8;
	[tilespmem:$0x1CA80] =	vst v63  }
0x100: {  	_ =	swait.ge [sflag:s20], $0x2000  }
0x101: {  	[sflag:s20] =	ssyncset.done $0x0  }
0x102: {  	s15 =	simm.s32 $0x4C00;
	[sflag:s20] =	ssyncadd.s32 $0xFFFFE000  }
0x103: {  	[spmem:s1] =	stream.indirect.scatter.add.f32 [tilespmem:s23], [sflag:$0x8], $0x40, s15, s21, $0xb8;
	[tilespmem:$0x1CA80] =	vst v63  }
0x104: {  	_ =	swait.ge [sflag:s16], $0x2000  }
0x105: {  	[sflag:s16] =	ssyncset.done $0x0  }
0x106: {  	s13 =	simm.s32 $0x4C80;
	[sflag:s16] =	ssyncadd.s32 $0xFFFFE000  }
0x107: {  	[spmem:s1] =	stream.indirect.scatter.add.f32 [tilespmem:s25], [sflag:$0x9], $0x40, s13, s21, $0xb8;
	[tilespmem:$0x1CA80] =	vst v63  }
0x108: {  	_ =	swait.ge [sflag:s24], $0x2000  }
0x109: {  	[sflag:s24] =	ssyncset.done $0x0  }
0x10a: {  	s14 =	simm.s32 $0x4D00;
	[sflag:s24] =	ssyncadd.s32 $0xFFFFE000  }
0x10b: {  	[spmem:s1] =	stream.indirect.scatter.add.f32 [tilespmem:s28], [sflag:$0xA], $0x40, s14, s21, $0xb8;
	[tilespmem:$0x1CA80] =	vst v63  }
0x10c: {  	_ =	swait.ge [sflag:s26], $0x2000  }
0x10d: {  	[sflag:s26] =	ssyncset.done $0x0  }
0x10e: {  	s15 =	simm.s32 $0x4D80;
	[sflag:s26] =	ssyncadd.s32 $0xFFFFE000  }
0x10f: {  	[spmem:s1] =	stream.indirect.scatter.add.f32 [tilespmem:s30], [sflag:$0xB], $0x40, s15, s21, $0xb8;
	[tilespmem:$0x1CA80] =	vst v63  }
0x110: {  	_ =	swait.ge [sflag:s29], $0x2000  }
0x111: {  	[sflag:s29] =	ssyncset.done $0x0  }
0x112: {  	s13 =	simm.s32 $0x4E00;
	[sflag:s29] =	ssyncadd.s32 $0xFFFFE000  }
0x113: {  	[spmem:s1] =	stream.indirect.scatter.add.f32 [tilespmem:s0], [sflag:$0xC], $0x40, s13, s21, $0xb8;
	[tilespmem:$0x1CA80] =	vst v63  }
0x114: {  	_ =	swait.ge [sflag:s31], $0x2000  }
0x115: {  	[sflag:s31] =	ssyncset.done $0x0  }
0x116: {  	[sflag:s31] =	ssyncadd.s32 $0xFFFFE000  }
0x117: {  	[tilespmem:s22], [sflag:$0x1] =	stream.indirect.gather [hbm4b:s4+s21], $0x40, s10, s21, $0xb8;
	[tilespmem:$0x1CA80] =	vst v63  }
0x118: {  	_ =	swait.ge [sflag:s2], $0x2000  }
0x119: {  	[sflag:s2] =	ssyncset.done $0x0  }
0x11a: {  	[sflag:s2] =	ssyncadd.s32 $0xFFFFE000  }
0x11b: {  	[tilespmem:s23], [sflag:$0x2] =	stream.indirect.gather [hbm4b:s4+s21], $0x40, s10, s21, $0xb8;
	[tilespmem:$0x1CA80] =	vst v63  }
0x11c: {  	_ =	swait.ge [sflag:s3], $0x2000  }
0x11d: {  	[sflag:s3] =	ssyncset.done $0x0  }
0x11e: {  	[sflag:s3] =	ssyncadd.s32 $0xFFFFE000  }
0x11f: {  	[tilespmem:s25], [sflag:$0x3] =	stream.indirect.gather [hbm4b:s4+s21], $0x40, s10, s21, $0xb8;
	[tilespmem:$0x1CA80] =	vst v63  }
0x120: {  	_ =	swait.ge [sflag:s6], $0x2000  }
0x121: {  	[sflag:s6] =	ssyncset.done $0x0  }
0x122: {  	[sflag:s6] =	ssyncadd.s32 $0xFFFFE000  }
0x123: {  	[tilespmem:s28], [sflag:$0x4] =	stream.indirect.gather [hbm4b:s4+s21], $0x40, s10, s21, $0xb8;
	[tilespmem:$0x1CA80] =	vst v63  }
0x124: {  	_ =	swait.ge [sflag:s7], $0x2000  }
0x125: {  	[sflag:s7] =	ssyncset.done $0x0  }
0x126: {  	[sflag:s7] =	ssyncadd.s32 $0xFFFFE000  }
0x127: {  	[tilespmem:s30], [sflag:$0x5] =	stream.indirect.gather [hbm4b:s4+s21], $0x40, s10, s21, $0xb8;
	[tilespmem:$0x1CA80] =	vst v63  }
0x128: {  	_ =	swait.ge [sflag:s9], $0x2000  }
0x129: {  	[sflag:s9] =	ssyncset.done $0x0  }
0x12a: {  	[sflag:s9] =	ssyncadd.s32 $0xFFFFE000  }
0x12b: {  	[tilespmem:s0], [sflag:$0x6] =	stream.indirect.gather [hbm4b:s4+s21], $0x40, s10, s21, $0xb8;
	[tilespmem:$0x1CA80] =	vst v63  }
0x12c: {  	_ =	swait.ge [sflag:s19], $0x2000  }
0x12d: {  	[sflag:s19] =	ssyncset.done $0x0  }
0x12e: {  	[sflag:s19] =	ssyncadd.s32 $0xFFFFE000  }
0x12f: {  	_ =	swait.ge [sflag:s20], $0x2000  }
0x130: {  	[sflag:s20] =	ssyncset.done $0x0  }
0x131: {  	[sflag:s20] =	ssyncadd.s32 $0xFFFFE000  }
0x132: {  	_ =	swait.ge [sflag:s16], $0x2000  }
0x133: {  	[sflag:s16] =	ssyncset.done $0x0  }
0x134: {  	[sflag:s16] =	ssyncadd.s32 $0xFFFFE000  }
0x135: {  	_ =	swait.ge [sflag:s24], $0x2000  }
0x136: {  	[sflag:s24] =	ssyncset.done $0x0  }
0x137: {  	[sflag:s24] =	ssyncadd.s32 $0xFFFFE000  }
0x138: {  	_ =	swait.ge [sflag:s26], $0x2000  }
0x139: {  	[sflag:s26] =	ssyncset.done $0x0  }
0x13a: {  	[sflag:s26] =	ssyncadd.s32 $0xFFFFE000  }
0x13b: {  	_ =	swait.ge [sflag:s29], $0x2000  }
0x13c: {  	s12 =	simm.s32 @!p0 $0x80;
	[sflag:s29] =	ssyncset.done $0x0  }
0x13d: {  	s14 =	simm.s32 @!p0 $0xEF00;
	s13 =	simm.s32 @!p0 $0x2700;
	[sflag:s29] =	ssyncadd.s32 $0xFFFFE000  }
0x13e: {  	[tilespmem:s14], [sflag:$0xD] =	stream.indirect.gather @!p0 [hbm4b:s4+s12], $0x40, s13, s12, $0xb8;
	[tilespmem:$0x1CA80] =	vst v63  }
0x13f: {  	s13 =	simm.s32 @!p0 $0xD  }
0x140: {  	_ =	swait.ge @!p0 [sflag:s13], $0x2000  }
0x141: {  	[sflag:s13] =	ssyncset.done @!p0 $0x0  }
0x142: {  	s15 =	simm.s32 @!p0 $0x4E80;
	[sflag:s13] =	ssyncadd.s32 @!p0 $0xFFFFE000  }
0x143: {  	[spmem:s1] =	stream.indirect.scatter.add.f32 @!p0 [tilespmem:s14], [sflag:$0xD], $0x40, s15, s12, $0xb8;
	[tilespmem:$0x1CA80] =	vst v63  }
0x144: {  	_ =	swait.ge @!p0 [sflag:s13], $0x2000  }
0x145: {  	[sflag:s13] =	ssyncset.done @!p0 $0x0  }
0x146: {  	s14 =	stileid.u32;
	[sflag:s13] =	ssyncadd.s32 @!p0 $0xFFFFE000  }
0x147: {  	s15 =	simm.s32 $0x10;
	s12 =	sshll.u32 s14, $0x6;
	[bflag:$0x0] =	sbarrier.arrive $0xFFFF  }
0x148: {  	s12 =	sor.u32 $0x1C0D, s12;
	s13 =	sshrl.u32 s8, $0x3;
	s14 =	rddreg [dreg:$0xa]  }
0x149: {  	[hbm:s14@s15], [sflag:s12] =	dma.strided [spmem:s13@s2], $0x1388, s19, $0x8   }
0x14a: {  	_ =	swait.ge [sflag:s18], $0x1388  }
0x14b: {  	s11 =	sadd.s32 $0x1, s11;
	s15 =	rddreg [dreg:$0xb]  }
0x14c: {  	p1 =	sne.s32 s11, s15  }
.Ltmp3:
0x14d: {  	_ = 	snop;
	(pc) =	sbr.rel @p1 .LBB2_1-.Ltmp3, $3  }
0x14e: {  	_ =	sdelay $0x1  }
0x14f: {  	[sflag:s18] =	ssyncset.done $0x0  }
0x150: {  	[sflag:s18] =	ssyncadd.s32 $0xFFFFEC78  }
0x151: {  	_ =	sfence.sel $0x180000  }
0x152: {  	[bflag:$0x0] =	sbarrier.arrive $0xFFFF  }
0x153: {  	_ =	strace $0x9000004D  }
0x154: {  	s0 =	stileid.u32;
	[bflag:$0x2] =	sbarrier.arrive $0xFFFF  }
0x155: {  	p0 =	sne.s32 s0, $0x0;
	s0 =	rddreg [dreg:$0x2]  }
0x156: {  	s0 =	sadd.s32 @!p0 $0x100000, s0  }
0x157: {  	[sflag:s0] =	ssyncadd.tile.s32 @!p0 $0x1;
	_ =	shalt  }
.Lfunc_end2:
_tile_overlayer_lowered:
.L_overlay_start_2:
0x158: {  	(tag) =	ssettag $0x2  }
0x159: {  	s0 =	rddreg [dreg:$0x0];
	s2 =	stileid.u32  }
0x15a: {  	s1 =	rddreg [dreg:$0x1];
	p0 =	sne.s32 s2, $0x0  }
0x15b: {  	s3 =	rddreg [dreg:$0x2];
	[bflag:$0x3] =	sbarrier.arrive $0xFFFF;
	s2 =	simm.s32 @!p0 $0x1C0D  }
0x15c: {  	[timem:s3], [sflag:s2] =	dma.local @!p0 [hbm:s0], s1  }
0x15d: {  	s0 =	simm.s32 @!p0 $0xD  }
0x15e: {  	_ =	swait.ge @!p0 [sflag:s0], s1  }
0x15f: {  	s1 =	ssub.s32 @!p0 $0x0, s1;
	[sflag:s0] =	ssyncset.done @!p0 $0x0  }
0x160: {  	[sflag:s0] =	ssyncadd.s32 @!p0 s1  }
0x161: {  	[bflag:$0x3] =	sbarrier.arrive $0xFFFF  }
0x162: {  	_ =	shalt  }

// kernel: kernel.9.cloned.1.call-start
scs
__scs_entry_jumppad:
0x0: {  	(pc) =	sbr.rel $0x88, $3  }
0x1: {  	(tag) =	ssettag $0x0;
	lr =	simm.s32 $0x1  }
0x2: {  	[smem:$0x3F92] =	sst lr;
	_ =	strace $0xD0000000  }
0x3: {  	_ = 	snop  }
0x4: {  	_ = 	snop  }
0x5: {  	_ = 	snop  }
0x6: {  	_ = 	snop  }
0x7: {  	_ = 	snop  }
__scs_overlays_trampoline_lowered:
0x8: {  	[smem:$0x3FA1] =	sst s0  }
0x9: {  	[smem:$0x3FA2] =	sst s1  }
0xa: {  	[smem:$0x3FA3] =	sst s2  }
0xb: {  	[smem:$0x3FA4] =	sst s3  }
0xc: {  	[smem:$0x3FA5] =	sst s4  }
0xd: {  	[smem:$0x3FA6] =	sst s5  }
0xe: {  	[smem:$0x3FA7] =	sst s6  }
0xf: {  	[smem:$0x3FA8] =	sst s7  }
0x10: {  	[smem:$0x3FA9] =	sst s8  }
0x11: {  	[smem:$0x3FAA] =	sst s9;
	s0 =	simm.s32 @!p0 $0x0  }
0x12: {  	s1 =	sld [smem:$0x3F90];
	s0 =	simm.s32 @p0 $0x1  }
0x13: {  	[smem:$0x3FAB] =	sst s0;
	s0 =	simm.s32 @!p1 $0x0  }
0x14: {  	s2 =	sld [smem:$0x3F8F];
	s0 =	simm.s32 @p1 $0x1  }
0x15: {  	[smem:$0x3FAC] =	sst s0;
	s0 =	simm.s32 @!p2 $0x0  }
0x16: {  	s3 =	sld [smem:$0x3FDB];
	s0 =	simm.s32 @p2 $0x1  }
0x17: {  	s4 =	simm.s32 $0x1BF5;
	[smem:$0x3FAE] =	sst s0  }
0x18: {  	s0 =	sld [smem:$0x3F91];
	_ =	swait.ge [sflag:s4], $0x0  }
0x19: {  	s7 =	sld [smem:$0x3F92]  }
0x1a: {  	s8 =	sadd.s32 $0xFFFFE003, lr  }
0x1b: {  	s9 =	sadd.s32 $0xFFFFFEF7, lr;
	s5 =	simm.s32 $0xFFFFFFFF;
	p2 =	slt.u32 s8, $0xFFFFF086  }
0x1c: {  	p1 =	slt.u32 s9, $0xF7A;
	s5 =	simm.s32 @!p2 $0x0  }
0x1d: {  	s5 =	simm.s32 @p1 $0x1;
	p0 =	seq.s32 s7, s2  }
0x1e: {  	s7 =	smul.u32 @!p0 $0xF7A, s2;
	p2 =	seq.s32 @!p0 s5, $0x0  }
0x1f: {  	s9 =	smul.u32 $0xF7A, s1;
	s8 =	simm.s32 @!p0 $0x1BF5;
	p2 =	por !p2, p0  }
0x20: {  	[sflag:s8] =	ssyncset.s32 @!p0 $0xFFFFF086;
	s6 =	sadd.s32 @!p0 s3, s7;
	s7 =	simm.s32 @!p0 $0x108  }
0x21: {  	s3 =	sadd.s32 s3, s9;
	s6 =	sadd.s32 @!p0 $0x88, s6;
	s7 =	simm.s32 @p2 $0x1082  }
0x22: {  	[simem:s7], [sflag:s8] =	dma.local @!p0 [hbm:s6], $0xF7A  }
0x23: {  	s9 =	sor.u32 $0xD0000000, s2;
	s6 =	simm.s32 $0x108;
	_ =	swait.ge @!p0 [sflag:s8], $0x0  }
0x24: {  	s3 =	sadd.s32 $0x88, s3;
	s6 =	simm.s32 @!p1 $0x1082;
	[sflag:s4] =	ssyncset.s32 $0xFFFFF086  }
0x25: {  	[simem:s6], [sflag:s4] =	dma.local [hbm:s3], $0xF7A  }
0x26: {  	[smem:$0x3F92] =	sst s1;
	(tag) =	ssettag s2;
	_ =	strace s9  }
0x27: {  	s1 =	sld [smem:$0x3FA2]  }
0x28: {  	s2 =	sld [smem:$0x3FA3]  }
0x29: {  	s4 =	sld [smem:$0x3FA5]  }
0x2a: {  	p0 =	seq.s32 s5, $0x0;
	s5 =	sld [smem:$0x3FA6]  }
0x2b: {  	s6 =	sld [smem:$0x3FA7]  }
0x2c: {  	s7 =	sld [smem:$0x3FA8]  }
0x2d: {  	s3 =	simm.s32 $0x108;
	s8 =	sld [smem:$0x3FA9]  }
0x2e: {  	s3 =	simm.s32 @!p0 $0x1082;
	s9 =	sld [smem:$0x3FAA]  }
0x2f: {  	lr =	sadd.s32 s0, s3;
	s0 =	sld [smem:$0x3FA1]  }
0x30: {  	s3 =	sld [smem:$0x3FA4]  }
0x31: {  	[smem:$0x3FAD] =	sst s10  }
0x32: {  	s10 =	sld [smem:$0x3FAB];
	_ =	sdelay $0x3  }
0x33: {  	p0 =	seq.s32 s10, $0x1;
	s10 =	sld [smem:$0x3FAD];
	_ =	sdelay $0x3  }
0x34: {  	[smem:$0x3FAD] =	sst s10  }
0x35: {  	s10 =	sld [smem:$0x3FAC];
	_ =	sdelay $0x3  }
0x36: {  	p1 =	seq.s32 s10, $0x1;
	s10 =	sld [smem:$0x3FAD];
	_ =	sdelay $0x3  }
0x37: {  	[smem:$0x3FAD] =	sst s10  }
0x38: {  	s10 =	sld [smem:$0x3FAE]  }
0x39: {  	_ = 	snop;
	(pc) =	sbr.ind lr, $3  }
0x3a: {  	_ = 	snop  }
0x3b: {  	_ = 	snop  }
0x3c: {  	p2 =	seq.s32 s10, $0x1;
	s10 =	sld [smem:$0x3FAD]  }
0x3d: {  	_ =	shalt  }
0x3e: {  	_ =	shalt  }
0x3f: {  	_ =	shalt  }
0x40: {  	_ =	shalt  }
0x41: {  	_ =	shalt  }
0x42: {  	_ =	shalt  }
0x43: {  	_ =	shalt  }
0x44: {  	_ =	shalt  }
0x45: {  	_ =	shalt  }
0x46: {  	_ =	shalt  }
0x47: {  	_ =	shalt  }
0x48: {  	_ =	shalt  }
0x49: {  	_ =	shalt  }
0x4a: {  	_ =	shalt  }
0x4b: {  	_ =	shalt  }
0x4c: {  	_ =	shalt  }
0x4d: {  	_ =	shalt  }
0x4e: {  	_ =	shalt  }
0x4f: {  	_ =	shalt  }
0x50: {  	_ =	shalt  }
0x51: {  	_ =	shalt  }
0x52: {  	_ =	shalt  }
0x53: {  	_ =	shalt  }
0x54: {  	_ =	shalt  }
0x55: {  	_ =	shalt  }
0x56: {  	_ =	shalt  }
0x57: {  	_ =	shalt  }
0x58: {  	_ =	shalt  }
0x59: {  	_ =	shalt  }
0x5a: {  	_ =	shalt  }
0x5b: {  	_ =	shalt  }
0x5c: {  	_ =	shalt  }
0x5d: {  	_ =	shalt  }
0x5e: {  	_ =	shalt  }
0x5f: {  	_ =	shalt  }
0x60: {  	_ =	shalt  }
0x61: {  	_ =	shalt  }
0x62: {  	_ =	shalt  }
0x63: {  	_ =	shalt  }
0x64: {  	_ =	shalt  }
0x65: {  	_ =	shalt  }
0x66: {  	_ =	shalt  }
0x67: {  	_ =	shalt  }
0x68: {  	_ =	shalt  }
0x69: {  	_ =	shalt  }
0x6a: {  	_ =	shalt  }
0x6b: {  	_ =	shalt  }
0x6c: {  	_ =	shalt  }
0x6d: {  	_ =	shalt  }
0x6e: {  	_ =	shalt  }
0x6f: {  	_ =	shalt  }
0x70: {  	_ =	shalt  }
0x71: {  	_ =	shalt  }
0x72: {  	_ =	shalt  }
0x73: {  	_ =	shalt  }
0x74: {  	_ =	shalt  }
0x75: {  	_ =	shalt  }
0x76: {  	_ =	shalt  }
0x77: {  	_ =	shalt  }
0x78: {  	_ =	shalt  }
0x79: {  	_ =	shalt  }
0x7a: {  	_ =	shalt  }
0x7b: {  	_ =	shalt  }
0x7c: {  	_ =	shalt  }
0x7d: {  	_ =	shalt  }
0x7e: {  	_ =	shalt  }
0x7f: {  	_ =	shalt  }
0x80: {  	_ =	shalt  }
0x81: {  	_ =	shalt  }
0x82: {  	_ =	shalt  }
0x83: {  	_ =	shalt  }
0x84: {  	_ =	shalt  }
0x85: {  	_ =	shalt  }
0x86: {  	_ =	shalt  }
0x87: {  	_ =	shalt  }
.Lfunc_end0:
.L_simem_size_0:
called_computation_lowered:
.L_overlay_start_0:
0x88: {  	s2 =	sld [smem:$0x3FD9]  }
0x89: {  	s3 =	sld [smem:$0x3FFE];
	_ =	sdelay $0x1  }
0x8a: {  	s1 =	srdreg.scid  }
0x8b: {  	s0 =	sand.u32 $0x1, s1  }
0x8c: {  	s17 =	sshll.u32 s0, $0xA;
	s2 =	sadd.s32 s3, s2  }
0x8d: {  	s2 =	sadd.s32 s2, s17  }
0x8e: {  	[smem:$0x3FB9] =	sst s2  }
0x8f: {  	_ = 	snop  }
0x90: {  	s2 =	sld [smem:$0x3FC8];
	(tm) =	ssettm $0x1  }
0x91: {  	s18 =	sld [smem:$0x3FFB];
	_ =	sdelay $0x3  }
0x92: {  	_ =	strace s18  }
0x93: {  	s3 =	sld [smem:$0x3FFC];
	_ =	sdelay $0x3  }
0x94: {  	_ =	strace s3  }
0x95: {  	s3 =	sld [smem:$0x3FFD];
	_ =	sdelay $0x3  }
0x96: {  	_ =	strace s3  }
0x97: {  	_ =	strace $0x8FFFFFFF  }
0x98: {  	s19 =	sld [smem:$0x3FDB];
	_ =	sdelay $0x1  }
0x99: {  	s4 =	simm.s32 $_scs_section_size  }
0x9a: {  	s5 =	simm.s32 $_size__tile_overlayer_lowered;
	s6 =	simm.s32 $_tile_overlayer_lowered  }
0x9b: {  	s22 =	simm.s32 $0x1BFF;
	s21 =	sshll.u32 s6, $0x1;
	s3 =	sadd.s32 s4, s19  }
0x9c: {  	s7 =	simm.s32 $0x0;
	s20 =	sshll.u32 s5, $0x1;
	s5 =	sadd.s32 s21, s3  }
0x9d: {  	[timem:s7], [sflag:s22] =	dma.local [hbm:s5], s20  }
0x9e: {  	_ =	swait.ge [sflag:s22], s20  }
0x9f: {  	s4 =	ssub.s32 $0x0, s20;
	[sflag:s22] =	ssyncset.done $0x0  }
0xa0: {  	[sflag:s22] =	ssyncadd.s32 s4;
	_ =	sdelay $0x1  }
0xa1: {  	s23 =	simm.s32 $0x1B8B  }
0xa2: {  	_ =	swait.ge [sflag:s23], $0x1  }
0xa3: {  	[sflag:s23] =	ssyncset.done $0x0  }
0xa4: {  	s25 =	simm.s32 $0x1B8E;
	s24 =	sld [smem:$0x3FFE];
	[sflag:s23] =	ssyncadd.s32 $0xFFFFFFFF  }
0xa5: {  	s26 =	simm.s32 $execute0_lowered;
	[smem:$0x3FD2] =	sst s25  }
0xa6: {  	s5 =	sshll.u32 s26, $0x1;
	_ =	strace $0x80000046;
	[dreg:$0x1] =	wrdreg $0xFFFFFFFF  }
0xa7: {  	s28 =	simm.s32 $_size_execute0_lowered;
	s3 =	sadd.s32 s3, s5;
	[dreg:$0x0] =	wrdreg $0x0  }
0xa8: {  	s5 =	sshll.u32 s28, $0x1;
	[dreg:$0x2] =	wrdreg s3  }
0xa9: {  	[dreg:$0x3] =	wrdreg s5  }
0xaa: {  	[dreg:$0x4] =	wrdreg $0xC0  }
0xab: {  	_ =	task [dreg:s7], $0x5FFFF  }
0xac: {  	[dreg:$0x1] =	wrdreg $0xFFFFFFFF  }
0xad: {  	[dreg:$0x0] =	wrdreg $0x60  }
0xae: {  	[dreg:$0x2] =	wrdreg s2  }
0xaf: {  	[dreg:$0x3] =	wrdreg s24  }
0xb0: {  	[dreg:$0x4] =	wrdreg $0x9  }
0xb1: {  	_ =	task.clear_ibuf [dreg:s7], $0x5FFFF;
	_ =	strace $0x90000046  }
0xb2: {  	s29 =	simm.s32 $0x9;
	_ =	strace $0x80000048  }
0xb3: {  	_ =	swait.ge [sflag:s29], $0x1  }
0xb4: {  	[sflag:s29] =	ssyncadd.s32 $0xFFFFFFFF  }
0xb5: {  	_ =	strace $0x90000048  }
0xb6: {  	_ =	sfence  }
0xb7: {  	s30 =	sld [smem:$0x0];
	_ =	sdelay $0x2  }
0xb8: {  	s31 =	sshll.u32 s1, $0xD;
	s1 =	sshrl.u32 s1, $0x2  }
0xb9: {  	s3 =	sand.u32 $0x4000, s31;
	s1 =	sadd.s32 s1, s30  }
0xba: {  	s0 =	sor.u32 s3, s0;
	s1 =	sshll.u32 s1, $0x11  }
0xbb: {  	s0 =	sor.u32 s1, s0  }
0xbc: {  	s0 =	sadd.s32 $0x8F2B, s0  }
0xbd: {  	[sflag:s0] =	ssyncadd.remote.s32 $0x1  }
0xbe: {  	_ =	sfence.sel $0xFFFF  }
0xbf: {  	[dreg:$0x0] =	wrdreg $0xFFFFFFFF;
	(pc) =	sbr.abs _section_cstart, $3  }
0xc0: {  	[dreg:$0x1] =	wrdreg $0xFFFFFFFF  }
0xc1: {  	_ =	task.clear_ibuf [dreg:s7], $0x2FFFF;
	_ =	strace $0x9FFFFFFF  }
0xc2: {  	(tm) =	ssettm $0x7FFFFFFF  }
0xc3: {  	_ =	shalt  }
tec
execute0_lowered:
.L_overlay_start_1:
0x0: {  	(tag) =	ssettag $0x1  }
0x1: {  	s4 =	rddreg [dreg:$0x0];
	s1 =	srdreg.scid  }
0x2: {  	s0 =	stileid.u32;
	s3 =	rddreg [dreg:$0x1]  }
0x3: {  	s10 =	simm.s32 $0x400;
	s11 =	simm.s32 $0x0;
	s5 =	sand.u32 $0x1, s1  }
0x4: {  	s2 =	sshll.u32 s0, $0x1;
	s1 =	rddreg [dreg:$0x2];
	s7 =	sshrl.u32 s0, $0x2  }
0x5: {  	p0 =	sgt.u32 s0, $0x1;
	s6 =	sor.u32 s5, s2;
	s2 =	simm.s32 $0x0  }
0x6: {  	s7 =	smul.u32 $0x13C00, s7;
	s5 =	ssub.s32 $0x2, s5;
	s8 =	sshll.u32 s6, $0x7  }
0x7: {  	[smem:$0x7FF] =	sst s2;
	s30 =	smul.u32 $0x9C0, s6;
	s8 =	sand.u32 $0x380, s8  }
0x8: {  	s31 =	sshrl.u32 s5, $0x1;
	s6 =	sshll.u32 s6, $0x5;
	s7 =	sor.u32 s7, s8  }
0x9: {  	_ =	strace $0x80000047;
	s9 =	ssub.s32 s5, s31;
	s7 =	sshrl.u32 s7, $0x3  }
0xa: {  	s8 =	simm.s32 $0x4F00;
	s7 =	sadd.s32 s7, s3;
	s3 =	sadd.s32 s4, s30  }
0xb: {  	s4 =	sadd.s32 s6, s4;
	s6 =	smax.u32 s9, $0x1;
	s9 =	simm.s32 $0x80  }
0xc: {  	v0 =	vimm.f32 $0.0e+00;
	v1 =	vimm.f32 $1.000000000e+00;
	s4 =	sadd.s32 $0x13800, s4;
	s5 =	sadd.s32 $0x3800, s7;
	s7 =	simm.s32 $0x1  }
.LBB2_1:
0xd: {  	[tilespmem:s2], [sflag:$0x1] =	stream.linear.gather [hbm4b:s3+s2], $0x4E00, $0x38;
	[tilespmem:$0x7680] =	vst v63  }
0xe: {  	_ =	swait.ge [sflag:s7], $0x4E00  }
0xf: {  	[sflag:s7] =	ssyncset.done $0x0  }
0x10: {  	s12 =	simm.s32 @!p0 $0x0;
	s13 =	simm.s32 @!p0 $0x4E00;
	[sflag:s7] =	ssyncadd.s32 $0xFFFFB200  }
0x11: {  	[tilespmem:s13], [sflag:$0x1] =	stream.linear.gather @!p0 [hbm4b:s4+s12], $0x100, $0x38;
	[tilespmem:$0x7680] =	vst v63  }
0x12: {  	s12 =	simm.s32 @!p0 $0x1  }
0x13: {  	_ =	swait.ge @!p0 [sflag:s12], $0x100  }
0x14: {  	[sflag:s12] =	ssyncset.done @!p0 $0x0  }
0x15: {  	[sflag:s12] =	ssyncadd.s32 @!p0 $0xFFFFFF00;
	s12 =	simm.s32 $0x0  }
.LBB2_2:
0x16: {  	p1 =	sne.s32 s12, $0x9C00  }
.Ltmp0:
0x17: {  	_ = 	snop;
	(pc) =	sbr.rel @p1 .LBB2_2-.Ltmp0, $3  }
0x18: {  	_ =	sdelay $0x1  }
0x19: {  	s13 =	sshra.s32 s12, $0x2  }
0x1a: {  	s12 =	sadd.s32 $0x40, s12;
	[tilespmem:s13+$0x4F00] =	vst v0  }
0x1b: {  	s12 =	simm.s32 $0x0  }
.LBB2_4:
0x1c: {  	s13 =	sshra.s32 s12, $0x2  }
0x1d: {  	v2 =	vld [tilespmem:s13+$0x80];
	_ =	sdelay $0x7  }
0x1e: {  	[tilespmem:v2+s8+$0x0] =	vst.idx.add.f32.msk $0xffff, v1  }
0x1f: {  	v2 =	vld [tilespmem:s13+$0x90];
	_ =	sdelay $0x7  }
0x20: {  	[tilespmem:v2+s8+$0x0] =	vst.idx.add.f32.msk $0xffff, v1  }
0x21: {  	v2 =	vld [tilespmem:s13+$0xA0];
	_ =	sdelay $0x7  }
0x22: {  	[tilespmem:v2+s8+$0x0] =	vst.idx.add.f32.msk $0xffff, v1  }
0x23: {  	v2 =	vld [tilespmem:s13+$0xB0];
	_ =	sdelay $0x7  }
0x24: {  	[tilespmem:v2+s8+$0x0] =	vst.idx.add.f32.msk $0xffff, v1  }
0x25: {  	v2 =	vld [tilespmem:s13+$0xC0];
	_ =	sdelay $0x7  }
0x26: {  	[tilespmem:v2+s8+$0x0] =	vst.idx.add.f32.msk $0xffff, v1  }
0x27: {  	v2 =	vld [tilespmem:s13+$0xD0];
	_ =	sdelay $0x7  }
0x28: {  	[tilespmem:v2+s8+$0x0] =	vst.idx.add.f32.msk $0xffff, v1  }
0x29: {  	v2 =	vld [tilespmem:s13+$0xE0];
	_ =	sdelay $0x7  }
0x2a: {  	[tilespmem:v2+s8+$0x0] =	vst.idx.add.f32.msk $0xffff, v1  }
0x2b: {  	v2 =	vld [tilespmem:s13+$0xF0];
	_ =	sdelay $0x2  }
0x2c: {  	p1 =	sne.s32 s12, $0x13400  }
.Ltmp1:
0x2d: {  	_ = 	snop;
	(pc) =	sbr.rel @p1 .LBB2_4-.Ltmp1, $2  }
0x2e: {  	_ =	sdelay $0x2  }
0x2f: {  	s12 =	sadd.s32 $0x400, s12;
	[tilespmem:v2+s8+$0x0] =	vst.idx.add.f32.msk $0xffff, v1  }
0x30: {  	v2 =	vld @!p0 [tilespmem:$0x4E80];
	_ =	sdelay $0x6  }
0x31: {  	v3 =	vimm.f32 @!p0 $1.000000000e+00;
	s12 =	simm.s32 @!p0 $0x4F00  }
0x32: {  	[tilespmem:v2+s12+$0x0] =	vst.idx.add.f32.msk @!p0 $0xffff, v3  }
0x33: {  	v2 =	vld @!p0 [tilespmem:$0x4E90];
	_ =	sdelay $0x7  }
0x34: {  	[tilespmem:v2+s12+$0x0] =	vst.idx.add.f32.msk @!p0 $0xffff, v3  }
0x35: {  	v2 =	vld @!p0 [tilespmem:$0x4EA0];
	_ =	sdelay $0x7  }
0x36: {  	[tilespmem:v2+s12+$0x0] =	vst.idx.add.f32.msk @!p0 $0xffff, v3  }
0x37: {  	v2 =	vld @!p0 [tilespmem:$0x4EB0];
	_ =	sdelay $0x7  }
0x38: {  	[tilespmem:v2+s12+$0x0] =	vst.idx.add.f32.msk @!p0 $0xffff, v3  }
0x39: {  	v2 =	vld @!p0 [tilespmem:$0x4EC0];
	_ =	sdelay $0x7  }
0x3a: {  	[tilespmem:v2+s12+$0x0] =	vst.idx.add.f32.msk @!p0 $0xffff, v3  }
0x3b: {  	v2 =	vld @!p0 [tilespmem:$0x4ED0];
	_ =	sdelay $0x7  }
0x3c: {  	[tilespmem:v2+s12+$0x0] =	vst.idx.add.f32.msk @!p0 $0xffff, v3  }
0x3d: {  	v2 =	vld @!p0 [tilespmem:$0x4EE0];
	_ =	sdelay $0x7  }
0x3e: {  	[tilespmem:v2+s12+$0x0] =	vst.idx.add.f32.msk @!p0 $0xffff, v3  }
0x3f: {  	v2 =	vld @!p0 [tilespmem:$0x4EF0];
	_ =	sdelay $0x5  }
0x40: {  	s11 =	sadd.s32 $0x1, s11  }
0x41: {  	p1 =	sne.s32 s11, s6  }
.Ltmp2:
0x42: {  	[tilespmem:v2+s12+$0x0] =	vst.idx.add.f32.msk @!p0 $0xffff, v3;
	(pc) =	sbr.rel @p1 .LBB2_1-.Ltmp2, $4  }
0x43: {  	[hbm4b:s5+s9] =	stream.strided.scatter [tilespmem:s8], [sflag:$0x1], $0x2780, s10, s9, $0x38;
	[tilespmem:$0x7680] =	vst v63  }
0x44: {  	_ =	swait.ge [sflag:s7], $0x2780  }
0x45: {  	[sflag:s7] =	ssyncset.done $0x0  }
0x46: {  	[sflag:s7] =	ssyncadd.s32 $0xFFFFD880  }
0x47: {  	_ =	sfence.sel $0x180000  }
0x48: {  	[bflag:$0x0] =	sbarrier.arrive $0xFFFF  }
0x49: {  	p0 =	sne.s32 s0, $0x0;
	_ =	strace $0x90000047  }
0x4a: {  	s0 =	sadd.s32 @!p0 $0x100000, s1;
	[bflag:$0x2] =	sbarrier.arrive $0xFFFF  }
0x4b: {  	[sflag:s0] =	ssyncadd.tile.s32 @!p0 $0x1;
	_ =	shalt  }
.Lfunc_end2:
_tile_overlayer_lowered:
.L_overlay_start_2:
0x4c: {  	(tag) =	ssettag $0x2  }
0x4d: {  	s0 =	rddreg [dreg:$0x0];
	s2 =	stileid.u32  }
0x4e: {  	s1 =	rddreg [dreg:$0x1];
	p0 =	sne.s32 s2, $0x0  }
0x4f: {  	s3 =	rddreg [dreg:$0x2];
	[bflag:$0x3] =	sbarrier.arrive $0xFFFF;
	s2 =	simm.s32 @!p0 $0x1C01  }
0x50: {  	[timem:s3], [sflag:s2] =	dma.local @!p0 [hbm:s0], s1  }
0x51: {  	s0 =	simm.s32 @!p0 $0x1  }
0x52: {  	_ =	swait.ge @!p0 [sflag:s0], s1  }
0x53: {  	s1 =	ssub.s32 @!p0 $0x0, s1;
	[sflag:s0] =	ssyncset.done @!p0 $0x0  }
0x54: {  	[sflag:s0] =	ssyncadd.s32 @!p0 s1  }
0x55: {  	[bflag:$0x3] =	sbarrier.arrive $0xFFFF  }
0x56: {  	_ =	shalt  }

</sc_bundles>
